<compile_context>
chip_gen: v7x
topology: tpu7x:2x2x1
jax: 0.10.2.dev20260603
libtpu: 0.0.44.dev20260713+nightly
codegen_flags: <defaults>
</compile_context>

<pallas_src>
import functools

import jax
import jax.numpy as jnp
from jax import lax
from jax.experimental import pallas as pl
from jax.experimental.pallas import tpu as pltpu
from jax.experimental.pallas import tpu_sc as plsc

N = 10000
E = 320000
D = 128

NC = 2
NS = 16
CHUNK = 64
E_TILE = E // NS
IB = 32
N_CH = 320
N_BLK = N_CH // IB
E_TILE_PAD = N_CH * CHUNK
ROWS_T = 632
N_PAD = ROWS_T * NS
BLK = N_PAD // 8



def _zero_rows(rows_v, nrow, ncol):
  def body(i, _):
    for k in range(ncol // 16):
      rows_v[i, pl.ds(k * 16, 16)] = jnp.zeros((16,), jnp.float32)
    return 0
  lax.fori_loop(0, nrow, body, 0)


@functools.cache
def _sc_kernels():
  mesh = plsc.VectorSubcoreMesh(
      core_axis_name="c", subcore_axis_name="s",
      num_cores=NC, num_subcores=NS)

  @functools.partial(
      pl.kernel,
      out_type=jax.ShapeDtypeStruct((NC * D, D), jnp.float32),
      mesh=mesh,
      scratch_types=[
          pltpu.VMEM((E_TILE_PAD,), jnp.int32),
          pltpu.VMEM((D, D), jnp.float32),
          pltpu.VMEM((D,), jnp.int32),
          pltpu.VMEM_SHARED((D, D), jnp.float32),
      ],
      compiler_params=pltpu.CompilerParams(needs_layout_passes=False),
  )
  def sc_degree(dst_hbm, zeros_hbm, deg_out, idx_v, hist_v, idr_v, acc):
    cid = lax.axis_index("c")
    sid = lax.axis_index("s")
    tid = cid * NS + sid
    pltpu.sync_copy(zeros_hbm, hist_v)
    for k in range(D // 16):
      idr_v[pl.ds(k * 16, 16)] = lax.iota(jnp.int32, 16) + (k * 16)
    pltpu.sync_copy(hist_v.at[pl.ds(0, 8)], acc.at[pl.ds(sid * 8, 8)])
    pltpu.sync_copy(dst_hbm.at[pl.ds(tid * E_TILE_PAD, E_TILE_PAD)], idx_v)
    plsc.subcore_barrier()

    ones16 = jnp.ones((16,), jnp.float32)
    def step(t, _):
      v = idx_v[pl.ds(t * 16, 16)]
      plsc.addupdate_scatter(
          hist_v, [lax.shift_right_logical(v, 7),
                   lax.bitwise_and(v, 127)], ones16)
      return 0
    lax.fori_loop(0, E_TILE_PAD // 16, step, 0)

    pltpu.sync_copy(hist_v, acc.at[idr_v], add=True)
    plsc.subcore_barrier()

    @pl.when(sid == 0)
    def _():
      pltpu.sync_copy(acc, deg_out.at[pl.ds(cid * D, D)])

  @functools.partial(
      pl.kernel,
      out_type=jax.ShapeDtypeStruct((NC * N_PAD, D), jnp.float32),
      mesh=mesh,
      scratch_types=[
          pltpu.VMEM((2, IB, CHUNK), jnp.int32),
          pltpu.VMEM((2, IB, CHUNK), jnp.int32),
          pltpu.VMEM((4, CHUNK, D), jnp.float32),
          pltpu.VMEM_SHARED((N_PAD, D), jnp.float32),
          pltpu.SemaphoreType.DMA,
          pltpu.SemaphoreType.DMA,
      ],
  )
  def sc_scatter(g_hbm, src_hbm, dst_hbm, s_out, sidx_v, didx_v, rows_v, acc,
                 sem_g, sem_i):
    cid = lax.axis_index("c")
    sid = lax.axis_index("s")
    tid = cid * NS + sid
    _zero_rows(rows_v.at[0], CHUNK, D)
    offs = [0, 64, 128, 192, 256, 320, 384, 448, 512, 576]
    szs = [64] * 9 + [56]
    for o, s in zip(offs, szs):
      pltpu.sync_copy(rows_v.at[0, pl.ds(0, s)],
                      acc.at[pl.ds(sid * ROWS_T + o, s)])
    pltpu.sync_copy(src_hbm.at[pl.ds(tid * N_CH, IB)], sidx_v.at[0])
    pltpu.sync_copy(dst_hbm.at[pl.ds(tid * N_CH, IB)], didx_v.at[0])
    plsc.subcore_barrier()

    def blk(b, _):
      bs = lax.rem(b, 2)
      base_ch = tid * N_CH + b * IB

      @pl.when(b > 0)
      def _():
        pltpu.make_async_copy(
            src_hbm.at[pl.ds(base_ch, IB)], sidx_v.at[bs], sem_i).wait()
        pltpu.make_async_copy(
            dst_hbm.at[pl.ds(base_ch, IB)], didx_v.at[bs], sem_i).wait()

      @pl.when(b + 1 < N_BLK)
      def _():
        pltpu.async_copy(src_hbm.at[pl.ds(base_ch + IB, IB)],
                         sidx_v.at[1 - bs], sem_i)
        pltpu.async_copy(dst_hbm.at[pl.ds(base_ch + IB, IB)],
                         didx_v.at[1 - bs], sem_i)

      pltpu.async_copy(g_hbm.at[sidx_v.at[bs, 0]], rows_v.at[0], sem_g)
      pltpu.async_copy(g_hbm.at[sidx_v.at[bs, 1]], rows_v.at[1], sem_g)
      pltpu.async_copy(g_hbm.at[sidx_v.at[bs, 2]], rows_v.at[2], sem_g)

      def step(p, _):
        ps = lax.rem(p, 4)
        pltpu.make_async_copy(
            g_hbm.at[pl.ds(0, CHUNK)], rows_v.at[ps], sem_g).wait()
        pltpu.sync_copy(rows_v.at[ps], acc.at[didx_v.at[bs, p]], add=True)

        @pl.when(p + 3 < IB)
        def _():
          pltpu.async_copy(g_hbm.at[sidx_v.at[bs, p + 3]],
                           rows_v.at[lax.rem(p + 3, 4)], sem_g)
        return 0
      lax.fori_loop(0, IB, step, 0)
      return 0
    lax.fori_loop(0, N_BLK, blk, 0)

    plsc.subcore_barrier()
    base = cid * N_PAD + sid * ROWS_T
    for o, s in zip(offs, szs):
      pltpu.sync_copy(acc.at[pl.ds(sid * ROWS_T + o, s)],
                      s_out.at[pl.ds(base + o, s)])

  return sc_degree, sc_scatter




def _dinv_block(deg_blk, i):
  row = lax.broadcasted_iota(jnp.int32, (BLK, 1), 0) + i * BLK
  return jnp.where(row < N, lax.rsqrt(deg_blk + 1.0), 0.0)


def _mm_scale_body(x_ref, w_ref, deg_ref, o_ref):
  i = pl.program_id(1)
  dinv = _dinv_block(deg_ref[0], i)
  o_ref[0] = jnp.dot(x_ref[0], w_ref[...],
                     preferred_element_type=jnp.float32) * dinv


def _combine_mm_body(s_ref, g_ref, deg_ref, b_ref, w_ref, o_ref):
  i = pl.program_id(1)
  dinv = _dinv_block(deg_ref[0], i)
  h = jnp.maximum(dinv * (s_ref[0] + g_ref[0]) + b_ref[...], 0.0)
  o_ref[0] = jnp.dot(h, w_ref[...],
                     preferred_element_type=jnp.float32) * dinv


def _combine_stats_body(s_ref, g_ref, deg_ref, b_ref, o_ref, st_ref, acc):
  i = pl.program_id(1)
  dinv = _dinv_block(deg_ref[0], i)
  h = dinv * (s_ref[0] + g_ref[0]) + b_ref[...]
  o_ref[0] = h
  row = lax.broadcasted_iota(jnp.int32, (BLK, 1), 0) + i * BLK
  hm = jnp.where(row < N, h, 0.0)

  @pl.when(i == 0)
  def _():
    acc[...] = jnp.zeros((8, D), jnp.float32)

  acc[0, :] += jnp.sum(hm, axis=0)
  acc[1, :] += jnp.sum(hm * hm, axis=0)

  @pl.when(i == 7)
  def _():
    st_ref[0] = acc[...]


def _apply_body(h_ref, st_ref, z1_ref, z2_ref):
  for g, z_ref in ((0, z1_ref), (1, z2_ref)):
    s0 = st_ref[g, 0, :]
    s1 = st_ref[g, 1, :]
    mean = s0 / N
    var = (s1 - s0 * mean) / (N - 1)
    rstd = lax.rsqrt(var)
    z_ref[...] = (h_ref[g] - mean) * rstd


def _mm_scale(x, w, deg):
  return pl.pallas_call(
      _mm_scale_body,
      grid=(2, 8),
      in_specs=[
          pl.BlockSpec((1, BLK, D), lambda g, i: (g, i, 0)),
          pl.BlockSpec((D, D), lambda g, i: (0, 0)),
          pl.BlockSpec((1, BLK, 1), lambda g, i: (g, i, 0)),
      ],
      out_specs=pl.BlockSpec((1, BLK, D), lambda g, i: (g, i, 0)),
      out_shape=jax.ShapeDtypeStruct((2, N_PAD, D), jnp.float32),
  )(x, w, deg)


def _combine_mm(s, g, deg, b, w):
  return pl.pallas_call(
      _combine_mm_body,
      grid=(2, 8),
      in_specs=[
          pl.BlockSpec((1, BLK, D), lambda g_, i: (g_, i, 0)),
          pl.BlockSpec((1, BLK, D), lambda g_, i: (g_, i, 0)),
          pl.BlockSpec((1, BLK, 1), lambda g_, i: (g_, i, 0)),
          pl.BlockSpec((1, D), lambda g_, i: (0, 0)),
          pl.BlockSpec((D, D), lambda g_, i: (0, 0)),
      ],
      out_specs=pl.BlockSpec((1, BLK, D), lambda g_, i: (g_, i, 0)),
      out_shape=jax.ShapeDtypeStruct((2, N_PAD, D), jnp.float32),
  )(s, g, deg, b, w)


def _combine_stats(s, g, deg, b):
  return pl.pallas_call(
      _combine_stats_body,
      grid=(2, 8),
      in_specs=[
          pl.BlockSpec((1, BLK, D), lambda g_, i: (g_, i, 0)),
          pl.BlockSpec((1, BLK, D), lambda g_, i: (g_, i, 0)),
          pl.BlockSpec((1, BLK, 1), lambda g_, i: (g_, i, 0)),
          pl.BlockSpec((1, D), lambda g_, i: (0, 0)),
      ],
      out_specs=[
          pl.BlockSpec((1, BLK, D), lambda g_, i: (g_, i, 0)),
          pl.BlockSpec((1, 8, D), lambda g_, i: (g_, 0, 0)),
      ],
      out_shape=[
          jax.ShapeDtypeStruct((2, N_PAD, D), jnp.float32),
          jax.ShapeDtypeStruct((2, 8, D), jnp.float32),
      ],
      scratch_shapes=[pltpu.VMEM((8, D), jnp.float32)],
  )(s, g, deg, b)


def _standardize(h, st):
  return pl.pallas_call(
      _apply_body,
      grid=(8,),
      in_specs=[
          pl.BlockSpec((2, BLK, D), lambda i: (0, i, 0)),
          pl.BlockSpec((2, 8, D), lambda i: (0, 0, 0)),
      ],
      out_specs=[
          pl.BlockSpec((BLK, D), lambda i: (i, 0)),
          pl.BlockSpec((BLK, D), lambda i: (i, 0)),
      ],
      out_shape=[
          jax.ShapeDtypeStruct((N, D), jnp.float32),
          jax.ShapeDtypeStruct((N, D), jnp.float32),
      ],
  )(h, st)




def _prep_idx(col1, col2, off2):
  def one(col, off):
    a = col.reshape(NS, E_TILE) + off
    a = jnp.pad(a, ((0, 0), (0, E_TILE_PAD - E_TILE)),
                constant_values=off + N)
    return a.reshape(NS * N_CH, CHUNK)
  return jnp.concatenate([one(col1, 0), one(col2, off2)], axis=0)


def kernel(x1, edge_index1, x2, edge_index2, W0, b0, W1, b1):
  src = _prep_idx(edge_index1[0], edge_index2[0], N_PAD)
  dst = _prep_idx(edge_index1[1], edge_index2[1], 0)

  x = jnp.stack([x1, x2])
  x = jnp.pad(x, ((0, 0), (0, N_PAD - N), (0, 0)))

  sc_degree, sc_scatter = _sc_kernels()

  degh = sc_degree(dst.reshape(-1), jnp.zeros((D, D), jnp.float32))
  deg = degh.reshape(2, D * D)[:, :N_PAD, None]

  b0r = b0.reshape(1, D)
  b1r = b1.reshape(1, D)

  g0 = _mm_scale(x, W0, deg)
  s0 = sc_scatter(g0.reshape(NC * N_PAD, D), src, dst)
  g1 = _combine_mm(s0.reshape(2, N_PAD, D), g0, deg, b0r, W1)
  s1 = sc_scatter(g1.reshape(NC * N_PAD, D), src, dst)
  h2, st = _combine_stats(s1.reshape(2, N_PAD, D), g1, deg, b1r)
  z1, z2 = _standardize(h2, st)
  return (z1, z2)

# --- scband reference (transcript-rebuilt; emitter-appended) ---
"""Pipeline reference for scband-clgr-12171937317510 (READ-ONLY COPY).

The authoritative reference and input builder live on the scoring server;
editing this copy changes nothing except your own understanding.
"""

import jax, jax.numpy as jnp
import numpy as np

N = 10000
E = 320000
D_IN = 128
D_HID = 128
D_OUT = 128


def gcn_conv(x, edge_index, W, b, n_nodes):
    # x' = D^{-1/2} (A + I) D^{-1/2} (x @ W) + b   (PyG GCNConv with self-loops)
    h = x @ W
    src = edge_index[0]
    dst = edge_index[1]
    loop = jnp.arange(n_nodes, dtype=src.dtype)
    src = jnp.concatenate([src, loop])
    dst = jnp.concatenate([dst, loop])
    deg = jnp.zeros((n_nodes,), dtype=h.dtype).at[dst].add(1.0)
    dinv = jnp.where(deg > 0, 1.0 / jnp.sqrt(deg), 0.0)
    norm = dinv[src] * dinv[dst]
    msg = h[src] * norm[:, None]
    out = jnp.zeros_like(h).at[dst].add(msg)
    return out + b


def gcn_backbone(x, edge_index, W0, b0, W1, b1, n_nodes):
    # n_layers = 2: relu(conv0) -> conv1
    h = gcn_conv(x, edge_index, W0, b0, n_nodes)
    h = jax.nn.relu(h)
    h = gcn_conv(h, edge_index, W1, b1, n_nodes)
    return h


def setup_inputs(seed: int = 0):
    key = jax.random.key(seed)
    ks = jax.random.split(key, 8)
    x1 = jax.random.normal(ks[0], (N, D_IN), dtype=jnp.float32)
    x2 = jax.random.normal(ks[1], (N, D_IN), dtype=jnp.float32)
    edge_index1 = jax.random.randint(ks[2], (2, E), 0, N, dtype=jnp.int32)
    edge_index2 = jax.random.randint(ks[3], (2, E), 0, N, dtype=jnp.int32)
    # GCNConv weights (glorot-ish init)
    s0 = 1.0 / np.sqrt(D_IN)
    s1 = 1.0 / np.sqrt(D_HID)
    W0 = jax.random.normal(ks[4], (D_IN, D_HID), dtype=jnp.float32) * s0
    b0 = jnp.zeros((D_HID,), dtype=jnp.float32)
    W1 = jax.random.normal(ks[5], (D_HID, D_OUT), dtype=jnp.float32) * s1
    b1 = jnp.zeros((D_OUT,), dtype=jnp.float32)
    return {"x1": x1, "edge_index1": edge_index1, "x2": x2, "edge_index2": edge_index2,
            "W0": W0, "b0": b0, "W1": W1, "b1": b1}


def reference(x1, edge_index1, x2, edge_index2, W0, b0, W1, b1):
    h1 = gcn_backbone(x1, edge_index1, W0, b0, W1, b1, N)
    h2 = gcn_backbone(x2, edge_index2, W0, b0, W1, b1, N)
    z1 = (h1 - h1.mean(0)) / jnp.std(h1, axis=0, ddof=1)
    z2 = (h2 - h2.mean(0)) / jnp.std(h2, axis=0, ddof=1)
    return (z1, z2)

if __name__ == "__main__":
    import jax
    _d = setup_inputs()
    print(jax.jit(kernel)(*tuple(_d.values())))

</pallas_src>

<mosaic_0001>
#map = affine_map<(d0, d1) -> (0)>
#map1 = affine_map<(d0, d1) -> (0, 0)>
module attributes {stable_mosaic.version = 14 : i64} {
  func.func @sc_degree(%arg0: i32, %arg1: i32, %arg2: memref<655360xi32, #tpu.memory_space<hbm>>, %arg3: memref<128x128xf32, #tpu.memory_space<hbm>>, %arg4: memref<256x128xf32, #tpu.memory_space<hbm>>, %arg5: memref<20480xi32, #tpu.memory_space<vmem>>, %arg6: memref<128x128xf32, #tpu.memory_space<vmem>>, %arg7: memref<128xi32, #tpu.memory_space<vmem>>, %arg8: memref<128x128xf32, #tpu.memory_space<vmem_shared>>) attributes {dimension_semantics = [#tpu.dimension_semantics<core_parallel>, #tpu.dimension_semantics<subcore_parallel>], iteration_bounds = array<i64: 2, 16>, scalar_prefetch = 0 : i64, scratch_operands = 4 : i64, tpu.core_type = #tpu.core_type<sc_vector_subcore>, window_params = [{transform_indices = #map}, {transform_indices = #map1}, {transform_indices = #map1}]} {
    %mul3A = arith.constant 16 : i32
    %mul3A_0 = arith.muli %arg0, %mul3A : i32
    %add3A = arith.addi %mul3A_0, %arg1 : i32
    "tpu.region"() ({
      %run_scoped3A = tpu.sem_alloc : memref<!tpu.dma_semaphore, #tpu.memory_space<semaphore_mem>>
      tpu.enqueue_dma source(%arg3 : memref<128x128xf32, #tpu.memory_space<hbm>>) target(%arg6 : memref<128x128xf32, #tpu.memory_space<vmem>>) target_semaphore(%run_scoped3A : memref<!tpu.dma_semaphore, #tpu.memory_space<semaphore_mem>>)
      tpu.wait_dma2 semaphore(%run_scoped3A : memref<!tpu.dma_semaphore, #tpu.memory_space<semaphore_mem>>) src(%arg3 : memref<128x128xf32, #tpu.memory_space<hbm>>) dst(%arg6 : memref<128x128xf32, #tpu.memory_space<vmem>>)
      tpu.yield
    }) : () -> ()
    %iota3A = tpu.iota {dimensions = array<i32: 0>} : vector<16xi32>
    %add3A_1 = arith.constant 0 : i32
    %add3A_2 = vector.broadcast %add3A_1 : i32 to vector<16xi32>
    %add3A_3 = arith.addi %iota3A, %add3A_2 : vector<16xi32>
    %swap3A = arith.constant 0 : index
    %swap3A_4 = tpu.vector_load %arg7[%swap3A] {strides = array<i32>} : memref<128xi32, #tpu.memory_space<vmem>>, vector<16xi32>,
    tpu.vector_store %arg7[%swap3A], %add3A_3 {strides = array<i32>} : memref<128xi32, #tpu.memory_space<vmem>>, vector<16xi32>,
    %iota3A_5 = tpu.iota {dimensions = array<i32: 0>} : vector<16xi32>
    %add3A_6 = arith.constant 16 : i32
    %add3A_7 = vector.broadcast %add3A_6 : i32 to vector<16xi32>
    %add3A_8 = arith.addi %iota3A_5, %add3A_7 : vector<16xi32>
    %swap3A_9 = arith.constant 16 : index
    %swap3A_10 = tpu.vector_load %arg7[%swap3A_9] {strides = array<i32>} : memref<128xi32, #tpu.memory_space<vmem>>, vector<16xi32>,
    tpu.vector_store %arg7[%swap3A_9], %add3A_8 {strides = array<i32>} : memref<128xi32, #tpu.memory_space<vmem>>, vector<16xi32>,
    %iota3A_11 = tpu.iota {dimensions = array<i32: 0>} : vector<16xi32>
    %add3A_12 = arith.constant 32 : i32
    %add3A_13 = vector.broadcast %add3A_12 : i32 to vector<16xi32>
    %add3A_14 = arith.addi %iota3A_11, %add3A_13 : vector<16xi32>
    %swap3A_15 = arith.constant 32 : index
    %swap3A_16 = tpu.vector_load %arg7[%swap3A_15] {strides = array<i32>} : memref<128xi32, #tpu.memory_space<vmem>>, vector<16xi32>,
    tpu.vector_store %arg7[%swap3A_15], %add3A_14 {strides = array<i32>} : memref<128xi32, #tpu.memory_space<vmem>>, vector<16xi32>,
    %iota3A_17 = tpu.iota {dimensions = array<i32: 0>} : vector<16xi32>
    %add3A_18 = arith.constant 48 : i32
    %add3A_19 = vector.broadcast %add3A_18 : i32 to vector<16xi32>
    %add3A_20 = arith.addi %iota3A_17, %add3A_19 : vector<16xi32>
    %swap3A_21 = arith.constant 48 : index
    %swap3A_22 = tpu.vector_load %arg7[%swap3A_21] {strides = array<i32>} : memref<128xi32, #tpu.memory_space<vmem>>, vector<16xi32>,
    tpu.vector_store %arg7[%swap3A_21], %add3A_20 {strides = array<i32>} : memref<128xi32, #tpu.memory_space<vmem>>, vector<16xi32>,
    %iota3A_23 = tpu.iota {dimensions = array<i32: 0>} : vector<16xi32>
    %add3A_24 = arith.constant 64 : i32
    %add3A_25 = vector.broadcast %add3A_24 : i32 to vector<16xi32>
    %add3A_26 = arith.addi %iota3A_23, %add3A_25 : vector<16xi32>
    %swap3A_27 = arith.constant 64 : index
    %swap3A_28 = tpu.vector_load %arg7[%swap3A_27] {strides = array<i32>} : memref<128xi32, #tpu.memory_space<vmem>>, vector<16xi32>,
    tpu.vector_store %arg7[%swap3A_27], %add3A_26 {strides = array<i32>} : memref<128xi32, #tpu.memory_space<vmem>>, vector<16xi32>,
    %iota3A_29 = tpu.iota {dimensions = array<i32: 0>} : vector<16xi32>
    %add3A_30 = arith.constant 80 : i32
    %add3A_31 = vector.broadcast %add3A_30 : i32 to vector<16xi32>
    %add3A_32 = arith.addi %iota3A_29, %add3A_31 : vector<16xi32>
    %swap3A_33 = arith.constant 80 : index
    %swap3A_34 = tpu.vector_load %arg7[%swap3A_33] {strides = array<i32>} : memref<128xi32, #tpu.memory_space<vmem>>, vector<16xi32>,
    tpu.vector_store %arg7[%swap3A_33], %add3A_32 {strides = array<i32>} : memref<128xi32, #tpu.memory_space<vmem>>, vector<16xi32>,
    %iota3A_35 = tpu.iota {dimensions = array<i32: 0>} : vector<16xi32>
    %add3A_36 = arith.constant 96 : i32
    %add3A_37 = vector.broadcast %add3A_36 : i32 to vector<16xi32>
    %add3A_38 = arith.addi %iota3A_35, %add3A_37 : vector<16xi32>
    %swap3A_39 = arith.constant 96 : index
    %swap3A_40 = tpu.vector_load %arg7[%swap3A_39] {strides = array<i32>} : memref<128xi32, #tpu.memory_space<vmem>>, vector<16xi32>,
    tpu.vector_store %arg7[%swap3A_39], %add3A_38 {strides = array<i32>} : memref<128xi32, #tpu.memory_space<vmem>>, vector<16xi32>,
    %iota3A_41 = tpu.iota {dimensions = array<i32: 0>} : vector<16xi32>
    %add3A_42 = arith.constant 112 : i32
    %add3A_43 = vector.broadcast %add3A_42 : i32 to vector<16xi32>
    %add3A_44 = arith.addi %iota3A_41, %add3A_43 : vector<16xi32>
    %swap3A_45 = arith.constant 112 : index
    %swap3A_46 = tpu.vector_load %arg7[%swap3A_45] {strides = array<i32>} : memref<128xi32, #tpu.memory_space<vmem>>, vector<16xi32>,
    tpu.vector_store %arg7[%swap3A_45], %add3A_44 {strides = array<i32>} : memref<128xi32, #tpu.memory_space<vmem>>, vector<16xi32>,
    %mul3A_47 = arith.constant 8 : i32
    %mul3A_48 = arith.muli %arg1, %mul3A_47 : i32
    "tpu.region"() ({
      %run_scoped3A = tpu.sem_alloc : memref<!tpu.dma_semaphore, #tpu.memory_space<semaphore_mem>>
      %dma_start3A = arith.constant 0 : i32
      %dma_start3A_61 = arith.constant 0 : i32
      %dma_start3A_62 = tpu.memref_slice %arg6[%dma_start3A, %dma_start3A_61] : memref<128x128xf32, #tpu.memory_space<vmem>> -> memref<8x128xf32, #tpu.memory_space<vmem>>
      %dma_start3A_63 = arith.constant 0 : i32
      %dma_start3A_64 = tpu.memref_slice %arg8[%mul3A_48, %dma_start3A_63] : memref<128x128xf32, #tpu.memory_space<vmem_shared>> -> memref<8x128xf32, #tpu.memory_space<vmem_shared>>
      %dma_start3A_65 = arith.constant 0 : i32
      %dma_start3A_66 = tpu.memref_slice %arg8[%mul3A_48, %dma_start3A_65] : memref<128x128xf32, #tpu.memory_space<vmem_shared>> -> memref<8x128xf32, #tpu.memory_space<vmem_shared>>
      %dma_start3A_67 = arith.constant 0 : i32
      %dma_start3A_68 = arith.constant 0 : i32
      %dma_start3A_69 = tpu.memref_slice %arg6[%dma_start3A_67, %dma_start3A_68] : memref<128x128xf32, #tpu.memory_space<vmem>> -> memref<8x128xf32, #tpu.memory_space<vmem>>
      tpu.enqueue_dma source(%dma_start3A_69 : memref<8x128xf32, #tpu.memory_space<vmem>>) target(%dma_start3A_66 : memref<8x128xf32, #tpu.memory_space<vmem_shared>>) target_semaphore(%run_scoped3A : memref<!tpu.dma_semaphore, #tpu.memory_space<semaphore_mem>>)
      %dma_wait3A = arith.constant 0 : i32
      %dma_wait3A_70 = arith.constant 0 : i32
      %dma_wait3A_71 = tpu.memref_slice %arg6[%dma_wait3A, %dma_wait3A_70] : memref<128x128xf32, #tpu.memory_space<vmem>> -> memref<8x128xf32, #tpu.memory_space<vmem>>
      %dma_wait3A_72 = arith.constant 0 : i32
      %dma_wait3A_73 = tpu.memref_slice %arg8[%mul3A_48, %dma_wait3A_72] : memref<128x128xf32, #tpu.memory_space<vmem_shared>> -> memref<8x128xf32, #tpu.memory_space<vmem_shared>>
      %dma_wait3A_74 = arith.constant 0 : i32
      %dma_wait3A_75 = tpu.memref_slice %arg8[%mul3A_48, %dma_wait3A_74] : memref<128x128xf32, #tpu.memory_space<vmem_shared>> -> memref<8x128xf32, #tpu.memory_space<vmem_shared>>
      %dma_wait3A_76 = arith.constant 0 : i32
      %dma_wait3A_77 = arith.constant 0 : i32
      %dma_wait3A_78 = tpu.memref_slice %arg6[%dma_wait3A_76, %dma_wait3A_77] : memref<128x128xf32, #tpu.memory_space<vmem>> -> memref<8x128xf32, #tpu.memory_space<vmem>>
      tpu.wait_dma2 semaphore(%run_scoped3A : memref<!tpu.dma_semaphore, #tpu.memory_space<semaphore_mem>>) src(%dma_wait3A_78 : memref<8x128xf32, #tpu.memory_space<vmem>>) dst(%dma_wait3A_75 : memref<8x128xf32, #tpu.memory_space<vmem_shared>>)
      tpu.yield
    }) : () -> ()
    %mul3A_49 = arith.constant 20480 : i32
    %mul3A_50 = arith.muli %add3A, %mul3A_49 : i32
    "tpu.region"() ({
      %run_scoped3A = tpu.sem_alloc : memref<!tpu.dma_semaphore, #tpu.memory_space<semaphore_mem>>
      %dma_start3A = tpu.memref_slice %arg2[%mul3A_50] : memref<655360xi32, #tpu.memory_space<hbm>> -> memref<20480xi32, #tpu.memory_space<hbm>>
      %dma_start3A_61 = tpu.memref_slice %arg2[%mul3A_50] : memref<655360xi32, #tpu.memory_space<hbm>> -> memref<20480xi32, #tpu.memory_space<hbm>>
      tpu.enqueue_dma source(%dma_start3A_61 : memref<20480xi32, #tpu.memory_space<hbm>>) target(%arg5 : memref<20480xi32, #tpu.memory_space<vmem>>) target_semaphore(%run_scoped3A : memref<!tpu.dma_semaphore, #tpu.memory_space<semaphore_mem>>)
      %dma_wait3A = tpu.memref_slice %arg2[%mul3A_50] : memref<655360xi32, #tpu.memory_space<hbm>> -> memref<20480xi32, #tpu.memory_space<hbm>>
      %dma_wait3A_62 = tpu.memref_slice %arg2[%mul3A_50] : memref<655360xi32, #tpu.memory_space<hbm>> -> memref<20480xi32, #tpu.memory_space<hbm>>
      tpu.wait_dma2 semaphore(%run_scoped3A : memref<!tpu.dma_semaphore, #tpu.memory_space<semaphore_mem>>) src(%dma_wait3A_62 : memref<20480xi32, #tpu.memory_space<hbm>>) dst(%arg5 : memref<20480xi32, #tpu.memory_space<vmem>>)
      tpu.yield
    }) : () -> ()
    %barrier3A = arith.constant 0 : index
    tpu.barrier barrier_id(%barrier3A)
    %broadcast_in_dim3A = arith.constant 1.000000e+00 : f32
    %broadcast_in_dim3A_51 = vector.broadcast %broadcast_in_dim3A : f32 to vector<16xf32>
    %scan3A = arith.constant 0 : i32
    %scan3A_52 = arith.constant 0 : i32
    %scan3A_53 = arith.constant 1280 : i32
    %scan3A_54 = arith.addi %scan3A_52, %scan3A_53 : i32
    %scan3A_55 = arith.constant 1 : i32
    %scan3A_56 = scf.for %scan3A_61 = %scan3A_52 to %scan3A_54 step %scan3A_55 iter_args(%scan3A_62 = %scan3A) -> (i32)  : i32 {
      %mul3A_63 = arith.constant 16 : i32
      %mul3A_64 = arith.muli %scan3A_61, %mul3A_63 : i32
      %get3A = arith.index_cast %mul3A_64 : i32 to index
      %get3A_65 = tpu.vector_load %arg5[%get3A] {strides = array<i32>} : memref<20480xi32, #tpu.memory_space<vmem>>, vector<16xi32>,
      %shift_right_logical3A = arith.constant 7 : i32
      %shift_right_logical3A_66 = vector.broadcast %shift_right_logical3A : i32 to vector<16xi32>
      %shift_right_logical3A_67 = arith.shrui %get3A_65, %shift_right_logical3A_66 : vector<16xi32>
      %and3A = arith.constant 127 : i32
      %and3A_68 = vector.broadcast %and3A : i32 to vector<16xi32>
      %and3A_69 = arith.andi %get3A_65, %and3A_68 : vector<16xi32>
      tpu.vector_store_idx %arg6[%shift_right_logical3A_67, %and3A_69], %broadcast_in_dim3A_51 {add = true} : memref<128x128xf32, #tpu.memory_space<vmem>>[vector<16xi32>, vector<16xi32>], vector<16xf32>,
      %scan3A_70 = arith.constant 0 : i32
      scf.yield %scan3A_70 : i32
    }
    %scan3A_57 = arith.constant 1280 : i32
    "tpu.region"() ({
      %run_scoped3A = tpu.sem_alloc : memref<!tpu.dma_semaphore, #tpu.memory_space<semaphore_mem>>
      %dma_start3A = arith.constant 0 : i32
      %dma_start3A_61 = arith.constant 0 : i32
      %dma_start3A_62 = tpu.memref_slice %arg8[%dma_start3A, %dma_start3A_61] : memref<128x128xf32, #tpu.memory_space<vmem_shared>> -> memref<128x128xf32, #tpu.memory_space<vmem_shared>>
      tpu.enqueue_indirect_dma source(%arg6 : memref<128x128xf32, #tpu.memory_space<vmem>>) target(%dma_start3A_62 : memref<128x128xf32, #tpu.memory_space<vmem_shared>>) offsets(%arg7 : memref<128xi32, #tpu.memory_space<vmem>>) semaphore(%run_scoped3A : memref<!tpu.dma_semaphore, #tpu.memory_space<semaphore_mem>>) {add = true}
      %dma_wait3A = arith.constant 0 : i32
      %dma_wait3A_63 = arith.constant 0 : i32
      %dma_wait3A_64 = tpu.memref_slice %arg8[%dma_wait3A, %dma_wait3A_63] : memref<128x128xf32, #tpu.memory_space<vmem_shared>> -> memref<128x128xf32, #tpu.memory_space<vmem_shared>>
      tpu.wait_indirect_dma semaphore(%run_scoped3A : memref<!tpu.dma_semaphore, #tpu.memory_space<semaphore_mem>>) src(%arg6 : memref<128x128xf32, #tpu.memory_space<vmem>>) dst(%dma_wait3A_64 : memref<128x128xf32, #tpu.memory_space<vmem_shared>>)
      tpu.yield
    }) : () -> ()
    %barrier3A_58 = arith.constant 0 : index
    tpu.barrier barrier_id(%barrier3A_58)
    %eq3A = arith.constant 0 : i32
    %eq3A_59 = arith.cmpi eq, %arg1, %eq3A : i32
    %convert_element_type3A = arith.extui %eq3A_59 : i1 to i32
    %cond3A = arith.constant 0 : i32
    %cond3A_60 = arith.cmpi ne, %convert_element_type3A, %cond3A : i32
    scf.if %cond3A_60 {
      %mul3A_61 = arith.constant 128 : i32
      %mul3A_62 = arith.muli %arg0, %mul3A_61 : i32
      "tpu.region"() ({
        %run_scoped3A = tpu.sem_alloc : memref<!tpu.dma_semaphore, #tpu.memory_space<semaphore_mem>>
        %dma_start3A = arith.constant 0 : i32
        %dma_start3A_63 = tpu.memref_slice %arg4[%mul3A_62, %dma_start3A] : memref<256x128xf32, #tpu.memory_space<hbm>> -> memref<128x128xf32, #tpu.memory_space<hbm>>
        tpu.enqueue_dma source(%arg8 : memref<128x128xf32, #tpu.memory_space<vmem_shared>>) target(%dma_start3A_63 : memref<128x128xf32, #tpu.memory_space<hbm>>) target_semaphore(%run_scoped3A : memref<!tpu.dma_semaphore, #tpu.memory_space<semaphore_mem>>)
        %dma_wait3A = arith.constant 0 : i32
        %dma_wait3A_64 = tpu.memref_slice %arg4[%mul3A_62, %dma_wait3A] : memref<256x128xf32, #tpu.memory_space<hbm>> -> memref<128x128xf32, #tpu.memory_space<hbm>>
        tpu.wait_dma2 semaphore(%run_scoped3A : memref<!tpu.dma_semaphore, #tpu.memory_space<semaphore_mem>>) src(%arg8 : memref<128x128xf32, #tpu.memory_space<vmem_shared>>) dst(%dma_wait3A_64 : memref<128x128xf32, #tpu.memory_space<hbm>>)
        tpu.yield
      }) : () -> ()
    } else {
    }
    return
  }
}

#map = affine_map<(d0, d1) -> (0, 0)>
module attributes {stable_mosaic.version = 14 : i64} {
  func.func @sc_scatter(%arg0: i32, %arg1: i32, %arg2: memref<20224x128xf32, #tpu.memory_space<hbm>>, %arg3: memref<10240x64xi32, #tpu.memory_space<hbm>>, %arg4: memref<10240x64xi32, #tpu.memory_space<hbm>>, %arg5: memref<20224x128xf32, #tpu.memory_space<hbm>>, %arg6: memref<2x32x64xi32, #tpu.memory_space<vmem>>, %arg7: memref<2x32x64xi32, #tpu.memory_space<vmem>>, %arg8: memref<4x64x128xf32, #tpu.memory_space<vmem>>, %arg9: memref<10112x128xf32, #tpu.memory_space<vmem_shared>>, %arg10: memref<!tpu.dma_semaphore, #tpu.memory_space<semaphore_mem>>, %arg11: memref<!tpu.dma_semaphore, #tpu.memory_space<semaphore_mem>>) attributes {dimension_semantics = [#tpu.dimension_semantics<core_parallel>, #tpu.dimension_semantics<subcore_parallel>], iteration_bounds = array<i64: 2, 16>, scalar_prefetch = 0 : i64, scratch_operands = 6 : i64, tpu.core_type = #tpu.core_type<sc_vector_subcore>, window_params = [{transform_indices = #map}, {transform_indices = #map}, {transform_indices = #map}, {transform_indices = #map}]} {
    %mul3A = arith.constant 16 : i32
    %mul3A_0 = arith.muli %arg0, %mul3A : i32
    %add3A = arith.addi %mul3A_0, %arg1 : i32
    %scan3A = arith.constant 0 : i32
    %scan3A_1 = arith.constant 0 : i32
    %scan3A_2 = arith.constant 0 : i32
    %scan3A_3 = arith.constant 64 : i32
    %scan3A_4 = arith.addi %scan3A_2, %scan3A_3 : i32
    %scan3A_5 = arith.constant 1 : i32
    %scan3A_6 = scf.for %scan3A_136 = %scan3A_2 to %scan3A_4 step %scan3A_5 iter_args(%scan3A_137 = %scan3A_1) -> (i32)  : i32 {
      %broadcast_in_dim3A = arith.constant 0.000000e+00 : f32
      %broadcast_in_dim3A_138 = vector.broadcast %broadcast_in_dim3A : f32 to vector<16xf32>
      %swap3A = arith.constant 0 : i32
      %swap3A_139 = arith.constant 0 : i32
      %swap3A_140 = tpu.memref_slice %arg8[%scan3A, %swap3A, %swap3A_139] : memref<4x64x128xf32, #tpu.memory_space<vmem>> -> memref<1x64x128xf32, #tpu.memory_space<vmem>>
      %swap3A_141 = tpu.memref_squeeze %swap3A_140 : memref<1x64x128xf32, #tpu.memory_space<vmem>> -> memref<64x128xf32, #tpu.memory_space<vmem>>
      %swap3A_142 = arith.index_cast %scan3A_136 : i32 to index
      %swap3A_143 = arith.constant 0 : index
      %swap3A_144 = tpu.vector_load %swap3A_141[%swap3A_142, %swap3A_143] {strides = array<i32>} : memref<64x128xf32, #tpu.memory_space<vmem>>, vector<1x16xf32>,
      %swap3A_145 = vector.shape_cast %swap3A_144 : vector<1x16xf32> to vector<16xf32>
      %swap3A_146 = vector.shape_cast %broadcast_in_dim3A_138 : vector<16xf32> to vector<1x16xf32>
      tpu.vector_store %swap3A_141[%swap3A_142, %swap3A_143], %swap3A_146 {strides = array<i32>} : memref<64x128xf32, #tpu.memory_space<vmem>>, vector<1x16xf32>,
      %broadcast_in_dim3A_147 = arith.constant 0.000000e+00 : f32
      %broadcast_in_dim3A_148 = vector.broadcast %broadcast_in_dim3A_147 : f32 to vector<16xf32>
      %swap3A_149 = arith.constant 0 : i32
      %swap3A_150 = arith.constant 0 : i32
      %swap3A_151 = tpu.memref_slice %arg8[%scan3A, %swap3A_149, %swap3A_150] : memref<4x64x128xf32, #tpu.memory_space<vmem>> -> memref<1x64x128xf32, #tpu.memory_space<vmem>>
      %swap3A_152 = tpu.memref_squeeze %swap3A_151 : memref<1x64x128xf32, #tpu.memory_space<vmem>> -> memref<64x128xf32, #tpu.memory_space<vmem>>
      %swap3A_153 = arith.index_cast %scan3A_136 : i32 to index
      %swap3A_154 = arith.constant 16 : index
      %swap3A_155 = tpu.vector_load %swap3A_152[%swap3A_153, %swap3A_154] {strides = array<i32>} : memref<64x128xf32, #tpu.memory_space<vmem>>, vector<1x16xf32>,
      %swap3A_156 = vector.shape_cast %swap3A_155 : vector<1x16xf32> to vector<16xf32>
      %swap3A_157 = vector.shape_cast %broadcast_in_dim3A_148 : vector<16xf32> to vector<1x16xf32>
      tpu.vector_store %swap3A_152[%swap3A_153, %swap3A_154], %swap3A_157 {strides = array<i32>} : memref<64x128xf32, #tpu.memory_space<vmem>>, vector<1x16xf32>,
      %broadcast_in_dim3A_158 = arith.constant 0.000000e+00 : f32
      %broadcast_in_dim3A_159 = vector.broadcast %broadcast_in_dim3A_158 : f32 to vector<16xf32>
      %swap3A_160 = arith.constant 0 : i32
      %swap3A_161 = arith.constant 0 : i32
      %swap3A_162 = tpu.memref_slice %arg8[%scan3A, %swap3A_160, %swap3A_161] : memref<4x64x128xf32, #tpu.memory_space<vmem>> -> memref<1x64x128xf32, #tpu.memory_space<vmem>>
      %swap3A_163 = tpu.memref_squeeze %swap3A_162 : memref<1x64x128xf32, #tpu.memory_space<vmem>> -> memref<64x128xf32, #tpu.memory_space<vmem>>
      %swap3A_164 = arith.index_cast %scan3A_136 : i32 to index
      %swap3A_165 = arith.constant 32 : index
      %swap3A_166 = tpu.vector_load %swap3A_163[%swap3A_164, %swap3A_165] {strides = array<i32>} : memref<64x128xf32, #tpu.memory_space<vmem>>, vector<1x16xf32>,
      %swap3A_167 = vector.shape_cast %swap3A_166 : vector<1x16xf32> to vector<16xf32>
      %swap3A_168 = vector.shape_cast %broadcast_in_dim3A_159 : vector<16xf32> to vector<1x16xf32>
      tpu.vector_store %swap3A_163[%swap3A_164, %swap3A_165], %swap3A_168 {strides = array<i32>} : memref<64x128xf32, #tpu.memory_space<vmem>>, vector<1x16xf32>,
      %broadcast_in_dim3A_169 = arith.constant 0.000000e+00 : f32
      %broadcast_in_dim3A_170 = vector.broadcast %broadcast_in_dim3A_169 : f32 to vector<16xf32>
      %swap3A_171 = arith.constant 0 : i32
      %swap3A_172 = arith.constant 0 : i32
      %swap3A_173 = tpu.memref_slice %arg8[%scan3A, %swap3A_171, %swap3A_172] : memref<4x64x128xf32, #tpu.memory_space<vmem>> -> memref<1x64x128xf32, #tpu.memory_space<vmem>>
      %swap3A_174 = tpu.memref_squeeze %swap3A_173 : memref<1x64x128xf32, #tpu.memory_space<vmem>> -> memref<64x128xf32, #tpu.memory_space<vmem>>
      %swap3A_175 = arith.index_cast %scan3A_136 : i32 to index
      %swap3A_176 = arith.constant 48 : index
      %swap3A_177 = tpu.vector_load %swap3A_174[%swap3A_175, %swap3A_176] {strides = array<i32>} : memref<64x128xf32, #tpu.memory_space<vmem>>, vector<1x16xf32>,
      %swap3A_178 = vector.shape_cast %swap3A_177 : vector<1x16xf32> to vector<16xf32>
      %swap3A_179 = vector.shape_cast %broadcast_in_dim3A_170 : vector<16xf32> to vector<1x16xf32>
      tpu.vector_store %swap3A_174[%swap3A_175, %swap3A_176], %swap3A_179 {strides = array<i32>} : memref<64x128xf32, #tpu.memory_space<vmem>>, vector<1x16xf32>,
      %broadcast_in_dim3A_180 = arith.constant 0.000000e+00 : f32
      %broadcast_in_dim3A_181 = vector.broadcast %broadcast_in_dim3A_180 : f32 to vector<16xf32>
      %swap3A_182 = arith.constant 0 : i32
      %swap3A_183 = arith.constant 0 : i32
      %swap3A_184 = tpu.memref_slice %arg8[%scan3A, %swap3A_182, %swap3A_183] : memref<4x64x128xf32, #tpu.memory_space<vmem>> -> memref<1x64x128xf32, #tpu.memory_space<vmem>>
      %swap3A_185 = tpu.memref_squeeze %swap3A_184 : memref<1x64x128xf32, #tpu.memory_space<vmem>> -> memref<64x128xf32, #tpu.memory_space<vmem>>
      %swap3A_186 = arith.index_cast %scan3A_136 : i32 to index
      %swap3A_187 = arith.constant 64 : index
      %swap3A_188 = tpu.vector_load %swap3A_185[%swap3A_186, %swap3A_187] {strides = array<i32>} : memref<64x128xf32, #tpu.memory_space<vmem>>, vector<1x16xf32>,
      %swap3A_189 = vector.shape_cast %swap3A_188 : vector<1x16xf32> to vector<16xf32>
      %swap3A_190 = vector.shape_cast %broadcast_in_dim3A_181 : vector<16xf32> to vector<1x16xf32>
      tpu.vector_store %swap3A_185[%swap3A_186, %swap3A_187], %swap3A_190 {strides = array<i32>} : memref<64x128xf32, #tpu.memory_space<vmem>>, vector<1x16xf32>,
      %broadcast_in_dim3A_191 = arith.constant 0.000000e+00 : f32
      %broadcast_in_dim3A_192 = vector.broadcast %broadcast_in_dim3A_191 : f32 to vector<16xf32>
      %swap3A_193 = arith.constant 0 : i32
      %swap3A_194 = arith.constant 0 : i32
      %swap3A_195 = tpu.memref_slice %arg8[%scan3A, %swap3A_193, %swap3A_194] : memref<4x64x128xf32, #tpu.memory_space<vmem>> -> memref<1x64x128xf32, #tpu.memory_space<vmem>>
      %swap3A_196 = tpu.memref_squeeze %swap3A_195 : memref<1x64x128xf32, #tpu.memory_space<vmem>> -> memref<64x128xf32, #tpu.memory_space<vmem>>
      %swap3A_197 = arith.index_cast %scan3A_136 : i32 to index
      %swap3A_198 = arith.constant 80 : index
      %swap3A_199 = tpu.vector_load %swap3A_196[%swap3A_197, %swap3A_198] {strides = array<i32>} : memref<64x128xf32, #tpu.memory_space<vmem>>, vector<1x16xf32>,
      %swap3A_200 = vector.shape_cast %swap3A_199 : vector<1x16xf32> to vector<16xf32>
      %swap3A_201 = vector.shape_cast %broadcast_in_dim3A_192 : vector<16xf32> to vector<1x16xf32>
      tpu.vector_store %swap3A_196[%swap3A_197, %swap3A_198], %swap3A_201 {strides = array<i32>} : memref<64x128xf32, #tpu.memory_space<vmem>>, vector<1x16xf32>,
      %broadcast_in_dim3A_202 = arith.constant 0.000000e+00 : f32
      %broadcast_in_dim3A_203 = vector.broadcast %broadcast_in_dim3A_202 : f32 to vector<16xf32>
      %swap3A_204 = arith.constant 0 : i32
      %swap3A_205 = arith.constant 0 : i32
      %swap3A_206 = tpu.memref_slice %arg8[%scan3A, %swap3A_204, %swap3A_205] : memref<4x64x128xf32, #tpu.memory_space<vmem>> -> memref<1x64x128xf32, #tpu.memory_space<vmem>>
      %swap3A_207 = tpu.memref_squeeze %swap3A_206 : memref<1x64x128xf32, #tpu.memory_space<vmem>> -> memref<64x128xf32, #tpu.memory_space<vmem>>
      %swap3A_208 = arith.index_cast %scan3A_136 : i32 to index
      %swap3A_209 = arith.constant 96 : index
      %swap3A_210 = tpu.vector_load %swap3A_207[%swap3A_208, %swap3A_209] {strides = array<i32>} : memref<64x128xf32, #tpu.memory_space<vmem>>, vector<1x16xf32>,
      %swap3A_211 = vector.shape_cast %swap3A_210 : vector<1x16xf32> to vector<16xf32>
      %swap3A_212 = vector.shape_cast %broadcast_in_dim3A_203 : vector<16xf32> to vector<1x16xf32>
      tpu.vector_store %swap3A_207[%swap3A_208, %swap3A_209], %swap3A_212 {strides = array<i32>} : memref<64x128xf32, #tpu.memory_space<vmem>>, vector<1x16xf32>,
      %broadcast_in_dim3A_213 = arith.constant 0.000000e+00 : f32
      %broadcast_in_dim3A_214 = vector.broadcast %broadcast_in_dim3A_213 : f32 to vector<16xf32>
      %swap3A_215 = arith.constant 0 : i32
      %swap3A_216 = arith.constant 0 : i32
      %swap3A_217 = tpu.memref_slice %arg8[%scan3A, %swap3A_215, %swap3A_216] : memref<4x64x128xf32, #tpu.memory_space<vmem>> -> memref<1x64x128xf32, #tpu.memory_space<vmem>>
      %swap3A_218 = tpu.memref_squeeze %swap3A_217 : memref<1x64x128xf32, #tpu.memory_space<vmem>> -> memref<64x128xf32, #tpu.memory_space<vmem>>
      %swap3A_219 = arith.index_cast %scan3A_136 : i32 to index
      %swap3A_220 = arith.constant 112 : index
      %swap3A_221 = tpu.vector_load %swap3A_218[%swap3A_219, %swap3A_220] {strides = array<i32>} : memref<64x128xf32, #tpu.memory_space<vmem>>, vector<1x16xf32>,
      %swap3A_222 = vector.shape_cast %swap3A_221 : vector<1x16xf32> to vector<16xf32>
      %swap3A_223 = vector.shape_cast %broadcast_in_dim3A_214 : vector<16xf32> to vector<1x16xf32>
      tpu.vector_store %swap3A_218[%swap3A_219, %swap3A_220], %swap3A_223 {strides = array<i32>} : memref<64x128xf32, #tpu.memory_space<vmem>>, vector<1x16xf32>,
      %scan3A_224 = arith.constant 0 : i32
      scf.yield %scan3A_224 : i32
    }
    %scan3A_7 = arith.constant 64 : i32
    %mul3A_8 = arith.constant 632 : i32
    %mul3A_9 = arith.muli %arg1, %mul3A_8 : i32
    %add3A_10 = arith.constant 0 : i32
    %add3A_11 = arith.addi %mul3A_9, %add3A_10 : i32
    %run_scoped3A = arith.constant 0 : i32
    "tpu.region"() ({
      %run_scoped3A_136 = tpu.sem_alloc : memref<!tpu.dma_semaphore, #tpu.memory_space<semaphore_mem>>
      %dma_start3A = arith.constant 0 : i32
      %dma_start3A_137 = arith.constant 0 : i32
      %dma_start3A_138 = tpu.memref_slice %arg8[%run_scoped3A, %dma_start3A, %dma_start3A_137] : memref<4x64x128xf32, #tpu.memory_space<vmem>> -> memref<1x64x128xf32, #tpu.memory_space<vmem>>
      %dma_start3A_139 = tpu.memref_squeeze %dma_start3A_138 : memref<1x64x128xf32, #tpu.memory_space<vmem>> -> memref<64x128xf32, #tpu.memory_space<vmem>>
      %dma_start3A_140 = arith.constant 0 : i32
      %dma_start3A_141 = tpu.memref_slice %arg9[%add3A_11, %dma_start3A_140] : memref<10112x128xf32, #tpu.memory_space<vmem_shared>> -> memref<64x128xf32, #tpu.memory_space<vmem_shared>>
      %dma_start3A_142 = arith.constant 0 : i32
      %dma_start3A_143 = tpu.memref_slice %arg9[%add3A_11, %dma_start3A_142] : memref<10112x128xf32, #tpu.memory_space<vmem_shared>> -> memref<64x128xf32, #tpu.memory_space<vmem_shared>>
      %dma_start3A_144 = arith.constant 0 : i32
      %dma_start3A_145 = arith.constant 0 : i32
      %dma_start3A_146 = tpu.memref_slice %arg8[%run_scoped3A, %dma_start3A_144, %dma_start3A_145] : memref<4x64x128xf32, #tpu.memory_space<vmem>> -> memref<1x64x128xf32, #tpu.memory_space<vmem>>
      %dma_start3A_147 = tpu.memref_squeeze %dma_start3A_146 : memref<1x64x128xf32, #tpu.memory_space<vmem>> -> memref<64x128xf32, #tpu.memory_space<vmem>>
      tpu.enqueue_dma source(%dma_start3A_147 : memref<64x128xf32, #tpu.memory_space<vmem>>) target(%dma_start3A_143 : memref<64x128xf32, #tpu.memory_space<vmem_shared>>) target_semaphore(%run_scoped3A_136 : memref<!tpu.dma_semaphore, #tpu.memory_space<semaphore_mem>>)
      %dma_wait3A = arith.constant 0 : i32
      %dma_wait3A_148 = arith.constant 0 : i32
      %dma_wait3A_149 = tpu.memref_slice %arg8[%run_scoped3A, %dma_wait3A, %dma_wait3A_148] : memref<4x64x128xf32, #tpu.memory_space<vmem>> -> memref<1x64x128xf32, #tpu.memory_space<vmem>>
      %dma_wait3A_150 = tpu.memref_squeeze %dma_wait3A_149 : memref<1x64x128xf32, #tpu.memory_space<vmem>> -> memref<64x128xf32, #tpu.memory_space<vmem>>
      %dma_wait3A_151 = arith.constant 0 : i32
      %dma_wait3A_152 = tpu.memref_slice %arg9[%add3A_11, %dma_wait3A_151] : memref<10112x128xf32, #tpu.memory_space<vmem_shared>> -> memref<64x128xf32, #tpu.memory_space<vmem_shared>>
      %dma_wait3A_153 = arith.constant 0 : i32
      %dma_wait3A_154 = tpu.memref_slice %arg9[%add3A_11, %dma_wait3A_153] : memref<10112x128xf32, #tpu.memory_space<vmem_shared>> -> memref<64x128xf32, #tpu.memory_space<vmem_shared>>
      %dma_wait3A_155 = arith.constant 0 : i32
      %dma_wait3A_156 = arith.constant 0 : i32
      %dma_wait3A_157 = tpu.memref_slice %arg8[%run_scoped3A, %dma_wait3A_155, %dma_wait3A_156] : memref<4x64x128xf32, #tpu.memory_space<vmem>> -> memref<1x64x128xf32, #tpu.memory_space<vmem>>
      %dma_wait3A_158 = tpu.memref_squeeze %dma_wait3A_157 : memref<1x64x128xf32, #tpu.memory_space<vmem>> -> memref<64x128xf32, #tpu.memory_space<vmem>>
      tpu.wait_dma2 semaphore(%run_scoped3A_136 : memref<!tpu.dma_semaphore, #tpu.memory_space<semaphore_mem>>) src(%dma_wait3A_158 : memref<64x128xf32, #tpu.memory_space<vmem>>) dst(%dma_wait3A_154 : memref<64x128xf32, #tpu.memory_space<vmem_shared>>)
      tpu.yield
    }) : () -> ()
    %mul3A_12 = arith.constant 632 : i32
    %mul3A_13 = arith.muli %arg1, %mul3A_12 : i32
    %add3A_14 = arith.constant 64 : i32
    %add3A_15 = arith.addi %mul3A_13, %add3A_14 : i32
    %run_scoped3A_16 = arith.constant 0 : i32
    "tpu.region"() ({
      %run_scoped3A_136 = tpu.sem_alloc : memref<!tpu.dma_semaphore, #tpu.memory_space<semaphore_mem>>
      %dma_start3A = arith.constant 0 : i32
      %dma_start3A_137 = arith.constant 0 : i32
      %dma_start3A_138 = tpu.memref_slice %arg8[%run_scoped3A_16, %dma_start3A, %dma_start3A_137] : memref<4x64x128xf32, #tpu.memory_space<vmem>> -> memref<1x64x128xf32, #tpu.memory_space<vmem>>
      %dma_start3A_139 = tpu.memref_squeeze %dma_start3A_138 : memref<1x64x128xf32, #tpu.memory_space<vmem>> -> memref<64x128xf32, #tpu.memory_space<vmem>>
      %dma_start3A_140 = arith.constant 0 : i32
      %dma_start3A_141 = tpu.memref_slice %arg9[%add3A_15, %dma_start3A_140] : memref<10112x128xf32, #tpu.memory_space<vmem_shared>> -> memref<64x128xf32, #tpu.memory_space<vmem_shared>>
      %dma_start3A_142 = arith.constant 0 : i32
      %dma_start3A_143 = tpu.memref_slice %arg9[%add3A_15, %dma_start3A_142] : memref<10112x128xf32, #tpu.memory_space<vmem_shared>> -> memref<64x128xf32, #tpu.memory_space<vmem_shared>>
      %dma_start3A_144 = arith.constant 0 : i32
      %dma_start3A_145 = arith.constant 0 : i32
      %dma_start3A_146 = tpu.memref_slice %arg8[%run_scoped3A_16, %dma_start3A_144, %dma_start3A_145] : memref<4x64x128xf32, #tpu.memory_space<vmem>> -> memref<1x64x128xf32, #tpu.memory_space<vmem>>
      %dma_start3A_147 = tpu.memref_squeeze %dma_start3A_146 : memref<1x64x128xf32, #tpu.memory_space<vmem>> -> memref<64x128xf32, #tpu.memory_space<vmem>>
      tpu.enqueue_dma source(%dma_start3A_147 : memref<64x128xf32, #tpu.memory_space<vmem>>) target(%dma_start3A_143 : memref<64x128xf32, #tpu.memory_space<vmem_shared>>) target_semaphore(%run_scoped3A_136 : memref<!tpu.dma_semaphore, #tpu.memory_space<semaphore_mem>>)
      %dma_wait3A = arith.constant 0 : i32
      %dma_wait3A_148 = arith.constant 0 : i32
      %dma_wait3A_149 = tpu.memref_slice %arg8[%run_scoped3A_16, %dma_wait3A, %dma_wait3A_148] : memref<4x64x128xf32, #tpu.memory_space<vmem>> -> memref<1x64x128xf32, #tpu.memory_space<vmem>>
      %dma_wait3A_150 = tpu.memref_squeeze %dma_wait3A_149 : memref<1x64x128xf32, #tpu.memory_space<vmem>> -> memref<64x128xf32, #tpu.memory_space<vmem>>
      %dma_wait3A_151 = arith.constant 0 : i32
      %dma_wait3A_152 = tpu.memref_slice %arg9[%add3A_15, %dma_wait3A_151] : memref<10112x128xf32, #tpu.memory_space<vmem_shared>> -> memref<64x128xf32, #tpu.memory_space<vmem_shared>>
      %dma_wait3A_153 = arith.constant 0 : i32
      %dma_wait3A_154 = tpu.memref_slice %arg9[%add3A_15, %dma_wait3A_153] : memref<10112x128xf32, #tpu.memory_space<vmem_shared>> -> memref<64x128xf32, #tpu.memory_space<vmem_shared>>
      %dma_wait3A_155 = arith.constant 0 : i32
      %dma_wait3A_156 = arith.constant 0 : i32
      %dma_wait3A_157 = tpu.memref_slice %arg8[%run_scoped3A_16, %dma_wait3A_155, %dma_wait3A_156] : memref<4x64x128xf32, #tpu.memory_space<vmem>> -> memref<1x64x128xf32, #tpu.memory_space<vmem>>
      %dma_wait3A_158 = tpu.memref_squeeze %dma_wait3A_157 : memref<1x64x128xf32, #tpu.memory_space<vmem>> -> memref<64x128xf32, #tpu.memory_space<vmem>>
      tpu.wait_dma2 semaphore(%run_scoped3A_136 : memref<!tpu.dma_semaphore, #tpu.memory_space<semaphore_mem>>) src(%dma_wait3A_158 : memref<64x128xf32, #tpu.memory_space<vmem>>) dst(%dma_wait3A_154 : memref<64x128xf32, #tpu.memory_space<vmem_shared>>)
      tpu.yield
    }) : () -> ()
    %mul3A_17 = arith.constant 632 : i32
    %mul3A_18 = arith.muli %arg1, %mul3A_17 : i32
    %add3A_19 = arith.constant 128 : i32
    %add3A_20 = arith.addi %mul3A_18, %add3A_19 : i32
    %run_scoped3A_21 = arith.constant 0 : i32
    "tpu.region"() ({
      %run_scoped3A_136 = tpu.sem_alloc : memref<!tpu.dma_semaphore, #tpu.memory_space<semaphore_mem>>
      %dma_start3A = arith.constant 0 : i32
      %dma_start3A_137 = arith.constant 0 : i32
      %dma_start3A_138 = tpu.memref_slice %arg8[%run_scoped3A_21, %dma_start3A, %dma_start3A_137] : memref<4x64x128xf32, #tpu.memory_space<vmem>> -> memref<1x64x128xf32, #tpu.memory_space<vmem>>
      %dma_start3A_139 = tpu.memref_squeeze %dma_start3A_138 : memref<1x64x128xf32, #tpu.memory_space<vmem>> -> memref<64x128xf32, #tpu.memory_space<vmem>>
      %dma_start3A_140 = arith.constant 0 : i32
      %dma_start3A_141 = tpu.memref_slice %arg9[%add3A_20, %dma_start3A_140] : memref<10112x128xf32, #tpu.memory_space<vmem_shared>> -> memref<64x128xf32, #tpu.memory_space<vmem_shared>>
      %dma_start3A_142 = arith.constant 0 : i32
      %dma_start3A_143 = tpu.memref_slice %arg9[%add3A_20, %dma_start3A_142] : memref<10112x128xf32, #tpu.memory_space<vmem_shared>> -> memref<64x128xf32, #tpu.memory_space<vmem_shared>>
      %dma_start3A_144 = arith.constant 0 : i32
      %dma_start3A_145 = arith.constant 0 : i32
      %dma_start3A_146 = tpu.memref_slice %arg8[%run_scoped3A_21, %dma_start3A_144, %dma_start3A_145] : memref<4x64x128xf32, #tpu.memory_space<vmem>> -> memref<1x64x128xf32, #tpu.memory_space<vmem>>
      %dma_start3A_147 = tpu.memref_squeeze %dma_start3A_146 : memref<1x64x128xf32, #tpu.memory_space<vmem>> -> memref<64x128xf32, #tpu.memory_space<vmem>>
      tpu.enqueue_dma source(%dma_start3A_147 : memref<64x128xf32, #tpu.memory_space<vmem>>) target(%dma_start3A_143 : memref<64x128xf32, #tpu.memory_space<vmem_shared>>) target_semaphore(%run_scoped3A_136 : memref<!tpu.dma_semaphore, #tpu.memory_space<semaphore_mem>>)
      %dma_wait3A = arith.constant 0 : i32
      %dma_wait3A_148 = arith.constant 0 : i32
      %dma_wait3A_149 = tpu.memref_slice %arg8[%run_scoped3A_21, %dma_wait3A, %dma_wait3A_148] : memref<4x64x128xf32, #tpu.memory_space<vmem>> -> memref<1x64x128xf32, #tpu.memory_space<vmem>>
      %dma_wait3A_150 = tpu.memref_squeeze %dma_wait3A_149 : memref<1x64x128xf32, #tpu.memory_space<vmem>> -> memref<64x128xf32, #tpu.memory_space<vmem>>
      %dma_wait3A_151 = arith.constant 0 : i32
      %dma_wait3A_152 = tpu.memref_slice %arg9[%add3A_20, %dma_wait3A_151] : memref<10112x128xf32, #tpu.memory_space<vmem_shared>> -> memref<64x128xf32, #tpu.memory_space<vmem_shared>>
      %dma_wait3A_153 = arith.constant 0 : i32
      %dma_wait3A_154 = tpu.memref_slice %arg9[%add3A_20, %dma_wait3A_153] : memref<10112x128xf32, #tpu.memory_space<vmem_shared>> -> memref<64x128xf32, #tpu.memory_space<vmem_shared>>
      %dma_wait3A_155 = arith.constant 0 : i32
      %dma_wait3A_156 = arith.constant 0 : i32
      %dma_wait3A_157 = tpu.memref_slice %arg8[%run_scoped3A_21, %dma_wait3A_155, %dma_wait3A_156] : memref<4x64x128xf32, #tpu.memory_space<vmem>> -> memref<1x64x128xf32, #tpu.memory_space<vmem>>
      %dma_wait3A_158 = tpu.memref_squeeze %dma_wait3A_157 : memref<1x64x128xf32, #tpu.memory_space<vmem>> -> memref<64x128xf32, #tpu.memory_space<vmem>>
      tpu.wait_dma2 semaphore(%run_scoped3A_136 : memref<!tpu.dma_semaphore, #tpu.memory_space<semaphore_mem>>) src(%dma_wait3A_158 : memref<64x128xf32, #tpu.memory_space<vmem>>) dst(%dma_wait3A_154 : memref<64x128xf32, #tpu.memory_space<vmem_shared>>)
      tpu.yield
    }) : () -> ()
    %mul3A_22 = arith.constant 632 : i32
    %mul3A_23 = arith.muli %arg1, %mul3A_22 : i32
    %add3A_24 = arith.constant 192 : i32
    %add3A_25 = arith.addi %mul3A_23, %add3A_24 : i32
    %run_scoped3A_26 = arith.constant 0 : i32
    "tpu.region"() ({
      %run_scoped3A_136 = tpu.sem_alloc : memref<!tpu.dma_semaphore, #tpu.memory_space<semaphore_mem>>
      %dma_start3A = arith.constant 0 : i32
      %dma_start3A_137 = arith.constant 0 : i32
      %dma_start3A_138 = tpu.memref_slice %arg8[%run_scoped3A_26, %dma_start3A, %dma_start3A_137] : memref<4x64x128xf32, #tpu.memory_space<vmem>> -> memref<1x64x128xf32, #tpu.memory_space<vmem>>
      %dma_start3A_139 = tpu.memref_squeeze %dma_start3A_138 : memref<1x64x128xf32, #tpu.memory_space<vmem>> -> memref<64x128xf32, #tpu.memory_space<vmem>>
      %dma_start3A_140 = arith.constant 0 : i32
      %dma_start3A_141 = tpu.memref_slice %arg9[%add3A_25, %dma_start3A_140] : memref<10112x128xf32, #tpu.memory_space<vmem_shared>> -> memref<64x128xf32, #tpu.memory_space<vmem_shared>>
      %dma_start3A_142 = arith.constant 0 : i32
      %dma_start3A_143 = tpu.memref_slice %arg9[%add3A_25, %dma_start3A_142] : memref<10112x128xf32, #tpu.memory_space<vmem_shared>> -> memref<64x128xf32, #tpu.memory_space<vmem_shared>>
      %dma_start3A_144 = arith.constant 0 : i32
      %dma_start3A_145 = arith.constant 0 : i32
      %dma_start3A_146 = tpu.memref_slice %arg8[%run_scoped3A_26, %dma_start3A_144, %dma_start3A_145] : memref<4x64x128xf32, #tpu.memory_space<vmem>> -> memref<1x64x128xf32, #tpu.memory_space<vmem>>
      %dma_start3A_147 = tpu.memref_squeeze %dma_start3A_146 : memref<1x64x128xf32, #tpu.memory_space<vmem>> -> memref<64x128xf32, #tpu.memory_space<vmem>>
      tpu.enqueue_dma source(%dma_start3A_147 : memref<64x128xf32, #tpu.memory_space<vmem>>) target(%dma_start3A_143 : memref<64x128xf32, #tpu.memory_space<vmem_shared>>) target_semaphore(%run_scoped3A_136 : memref<!tpu.dma_semaphore, #tpu.memory_space<semaphore_mem>>)
      %dma_wait3A = arith.constant 0 : i32
      %dma_wait3A_148 = arith.constant 0 : i32
      %dma_wait3A_149 = tpu.memref_slice %arg8[%run_scoped3A_26, %dma_wait3A, %dma_wait3A_148] : memref<4x64x128xf32, #tpu.memory_space<vmem>> -> memref<1x64x128xf32, #tpu.memory_space<vmem>>
      %dma_wait3A_150 = tpu.memref_squeeze %dma_wait3A_149 : memref<1x64x128xf32, #tpu.memory_space<vmem>> -> memref<64x128xf32, #tpu.memory_space<vmem>>
      %dma_wait3A_151 = arith.constant 0 : i32
      %dma_wait3A_152 = tpu.memref_slice %arg9[%add3A_25, %dma_wait3A_151] : memref<10112x128xf32, #tpu.memory_space<vmem_shared>> -> memref<64x128xf32, #tpu.memory_space<vmem_shared>>
      %dma_wait3A_153 = arith.constant 0 : i32
      %dma_wait3A_154 = tpu.memref_slice %arg9[%add3A_25, %dma_wait3A_153] : memref<10112x128xf32, #tpu.memory_space<vmem_shared>> -> memref<64x128xf32, #tpu.memory_space<vmem_shared>>
      %dma_wait3A_155 = arith.constant 0 : i32
      %dma_wait3A_156 = arith.constant 0 : i32
      %dma_wait3A_157 = tpu.memref_slice %arg8[%run_scoped3A_26, %dma_wait3A_155, %dma_wait3A_156] : memref<4x64x128xf32, #tpu.memory_space<vmem>> -> memref<1x64x128xf32, #tpu.memory_space<vmem>>
      %dma_wait3A_158 = tpu.memref_squeeze %dma_wait3A_157 : memref<1x64x128xf32, #tpu.memory_space<vmem>> -> memref<64x128xf32, #tpu.memory_space<vmem>>
      tpu.wait_dma2 semaphore(%run_scoped3A_136 : memref<!tpu.dma_semaphore, #tpu.memory_space<semaphore_mem>>) src(%dma_wait3A_158 : memref<64x128xf32, #tpu.memory_space<vmem>>) dst(%dma_wait3A_154 : memref<64x128xf32, #tpu.memory_space<vmem_shared>>)
      tpu.yield
    }) : () -> ()
    %mul3A_27 = arith.constant 632 : i32
    %mul3A_28 = arith.muli %arg1, %mul3A_27 : i32
    %add3A_29 = arith.constant 256 : i32
    %add3A_30 = arith.addi %mul3A_28, %add3A_29 : i32
    %run_scoped3A_31 = arith.constant 0 : i32
    "tpu.region"() ({
      %run_scoped3A_136 = tpu.sem_alloc : memref<!tpu.dma_semaphore, #tpu.memory_space<semaphore_mem>>
      %dma_start3A = arith.constant 0 : i32
      %dma_start3A_137 = arith.constant 0 : i32
      %dma_start3A_138 = tpu.memref_slice %arg8[%run_scoped3A_31, %dma_start3A, %dma_start3A_137] : memref<4x64x128xf32, #tpu.memory_space<vmem>> -> memref<1x64x128xf32, #tpu.memory_space<vmem>>
      %dma_start3A_139 = tpu.memref_squeeze %dma_start3A_138 : memref<1x64x128xf32, #tpu.memory_space<vmem>> -> memref<64x128xf32, #tpu.memory_space<vmem>>
      %dma_start3A_140 = arith.constant 0 : i32
      %dma_start3A_141 = tpu.memref_slice %arg9[%add3A_30, %dma_start3A_140] : memref<10112x128xf32, #tpu.memory_space<vmem_shared>> -> memref<64x128xf32, #tpu.memory_space<vmem_shared>>
      %dma_start3A_142 = arith.constant 0 : i32
      %dma_start3A_143 = tpu.memref_slice %arg9[%add3A_30, %dma_start3A_142] : memref<10112x128xf32, #tpu.memory_space<vmem_shared>> -> memref<64x128xf32, #tpu.memory_space<vmem_shared>>
      %dma_start3A_144 = arith.constant 0 : i32
      %dma_start3A_145 = arith.constant 0 : i32
      %dma_start3A_146 = tpu.memref_slice %arg8[%run_scoped3A_31, %dma_start3A_144, %dma_start3A_145] : memref<4x64x128xf32, #tpu.memory_space<vmem>> -> memref<1x64x128xf32, #tpu.memory_space<vmem>>
      %dma_start3A_147 = tpu.memref_squeeze %dma_start3A_146 : memref<1x64x128xf32, #tpu.memory_space<vmem>> -> memref<64x128xf32, #tpu.memory_space<vmem>>
      tpu.enqueue_dma source(%dma_start3A_147 : memref<64x128xf32, #tpu.memory_space<vmem>>) target(%dma_start3A_143 : memref<64x128xf32, #tpu.memory_space<vmem_shared>>) target_semaphore(%run_scoped3A_136 : memref<!tpu.dma_semaphore, #tpu.memory_space<semaphore_mem>>)
      %dma_wait3A = arith.constant 0 : i32
      %dma_wait3A_148 = arith.constant 0 : i32
      %dma_wait3A_149 = tpu.memref_slice %arg8[%run_scoped3A_31, %dma_wait3A, %dma_wait3A_148] : memref<4x64x128xf32, #tpu.memory_space<vmem>> -> memref<1x64x128xf32, #tpu.memory_space<vmem>>
      %dma_wait3A_150 = tpu.memref_squeeze %dma_wait3A_149 : memref<1x64x128xf32, #tpu.memory_space<vmem>> -> memref<64x128xf32, #tpu.memory_space<vmem>>
      %dma_wait3A_151 = arith.constant 0 : i32
      %dma_wait3A_152 = tpu.memref_slice %arg9[%add3A_30, %dma_wait3A_151] : memref<10112x128xf32, #tpu.memory_space<vmem_shared>> -> memref<64x128xf32, #tpu.memory_space<vmem_shared>>
      %dma_wait3A_153 = arith.constant 0 : i32
      %dma_wait3A_154 = tpu.memref_slice %arg9[%add3A_30, %dma_wait3A_153] : memref<10112x128xf32, #tpu.memory_space<vmem_shared>> -> memref<64x128xf32, #tpu.memory_space<vmem_shared>>
      %dma_wait3A_155 = arith.constant 0 : i32
      %dma_wait3A_156 = arith.constant 0 : i32
      %dma_wait3A_157 = tpu.memref_slice %arg8[%run_scoped3A_31, %dma_wait3A_155, %dma_wait3A_156] : memref<4x64x128xf32, #tpu.memory_space<vmem>> -> memref<1x64x128xf32, #tpu.memory_space<vmem>>
      %dma_wait3A_158 = tpu.memref_squeeze %dma_wait3A_157 : memref<1x64x128xf32, #tpu.memory_space<vmem>> -> memref<64x128xf32, #tpu.memory_space<vmem>>
      tpu.wait_dma2 semaphore(%run_scoped3A_136 : memref<!tpu.dma_semaphore, #tpu.memory_space<semaphore_mem>>) src(%dma_wait3A_158 : memref<64x128xf32, #tpu.memory_space<vmem>>) dst(%dma_wait3A_154 : memref<64x128xf32, #tpu.memory_space<vmem_shared>>)
      tpu.yield
    }) : () -> ()
    %mul3A_32 = arith.constant 632 : i32
    %mul3A_33 = arith.muli %arg1, %mul3A_32 : i32
    %add3A_34 = arith.constant 320 : i32
    %add3A_35 = arith.addi %mul3A_33, %add3A_34 : i32
    %run_scoped3A_36 = arith.constant 0 : i32
    "tpu.region"() ({
      %run_scoped3A_136 = tpu.sem_alloc : memref<!tpu.dma_semaphore, #tpu.memory_space<semaphore_mem>>
      %dma_start3A = arith.constant 0 : i32
      %dma_start3A_137 = arith.constant 0 : i32
      %dma_start3A_138 = tpu.memref_slice %arg8[%run_scoped3A_36, %dma_start3A, %dma_start3A_137] : memref<4x64x128xf32, #tpu.memory_space<vmem>> -> memref<1x64x128xf32, #tpu.memory_space<vmem>>
      %dma_start3A_139 = tpu.memref_squeeze %dma_start3A_138 : memref<1x64x128xf32, #tpu.memory_space<vmem>> -> memref<64x128xf32, #tpu.memory_space<vmem>>
      %dma_start3A_140 = arith.constant 0 : i32
      %dma_start3A_141 = tpu.memref_slice %arg9[%add3A_35, %dma_start3A_140] : memref<10112x128xf32, #tpu.memory_space<vmem_shared>> -> memref<64x128xf32, #tpu.memory_space<vmem_shared>>
      %dma_start3A_142 = arith.constant 0 : i32
      %dma_start3A_143 = tpu.memref_slice %arg9[%add3A_35, %dma_start3A_142] : memref<10112x128xf32, #tpu.memory_space<vmem_shared>> -> memref<64x128xf32, #tpu.memory_space<vmem_shared>>
      %dma_start3A_144 = arith.constant 0 : i32
      %dma_start3A_145 = arith.constant 0 : i32
      %dma_start3A_146 = tpu.memref_slice %arg8[%run_scoped3A_36, %dma_start3A_144, %dma_start3A_145] : memref<4x64x128xf32, #tpu.memory_space<vmem>> -> memref<1x64x128xf32, #tpu.memory_space<vmem>>
      %dma_start3A_147 = tpu.memref_squeeze %dma_start3A_146 : memref<1x64x128xf32, #tpu.memory_space<vmem>> -> memref<64x128xf32, #tpu.memory_space<vmem>>
      tpu.enqueue_dma source(%dma_start3A_147 : memref<64x128xf32, #tpu.memory_space<vmem>>) target(%dma_start3A_143 : memref<64x128xf32, #tpu.memory_space<vmem_shared>>) target_semaphore(%run_scoped3A_136 : memref<!tpu.dma_semaphore, #tpu.memory_space<semaphore_mem>>)
      %dma_wait3A = arith.constant 0 : i32
      %dma_wait3A_148 = arith.constant 0 : i32
      %dma_wait3A_149 = tpu.memref_slice %arg8[%run_scoped3A_36, %dma_wait3A, %dma_wait3A_148] : memref<4x64x128xf32, #tpu.memory_space<vmem>> -> memref<1x64x128xf32, #tpu.memory_space<vmem>>
      %dma_wait3A_150 = tpu.memref_squeeze %dma_wait3A_149 : memref<1x64x128xf32, #tpu.memory_space<vmem>> -> memref<64x128xf32, #tpu.memory_space<vmem>>
      %dma_wait3A_151 = arith.constant 0 : i32
      %dma_wait3A_152 = tpu.memref_slice %arg9[%add3A_35, %dma_wait3A_151] : memref<10112x128xf32, #tpu.memory_space<vmem_shared>> -> memref<64x128xf32, #tpu.memory_space<vmem_shared>>
      %dma_wait3A_153 = arith.constant 0 : i32
      %dma_wait3A_154 = tpu.memref_slice %arg9[%add3A_35, %dma_wait3A_153] : memref<10112x128xf32, #tpu.memory_space<vmem_shared>> -> memref<64x128xf32, #tpu.memory_space<vmem_shared>>
      %dma_wait3A_155 = arith.constant 0 : i32
      %dma_wait3A_156 = arith.constant 0 : i32
      %dma_wait3A_157 = tpu.memref_slice %arg8[%run_scoped3A_36, %dma_wait3A_155, %dma_wait3A_156] : memref<4x64x128xf32, #tpu.memory_space<vmem>> -> memref<1x64x128xf32, #tpu.memory_space<vmem>>
      %dma_wait3A_158 = tpu.memref_squeeze %dma_wait3A_157 : memref<1x64x128xf32, #tpu.memory_space<vmem>> -> memref<64x128xf32, #tpu.memory_space<vmem>>
      tpu.wait_dma2 semaphore(%run_scoped3A_136 : memref<!tpu.dma_semaphore, #tpu.memory_space<semaphore_mem>>) src(%dma_wait3A_158 : memref<64x128xf32, #tpu.memory_space<vmem>>) dst(%dma_wait3A_154 : memref<64x128xf32, #tpu.memory_space<vmem_shared>>)
      tpu.yield
    }) : () -> ()
    %mul3A_37 = arith.constant 632 : i32
    %mul3A_38 = arith.muli %arg1, %mul3A_37 : i32
    %add3A_39 = arith.constant 384 : i32
    %add3A_40 = arith.addi %mul3A_38, %add3A_39 : i32
    %run_scoped3A_41 = arith.constant 0 : i32
    "tpu.region"() ({
      %run_scoped3A_136 = tpu.sem_alloc : memref<!tpu.dma_semaphore, #tpu.memory_space<semaphore_mem>>
      %dma_start3A = arith.constant 0 : i32
      %dma_start3A_137 = arith.constant 0 : i32
      %dma_start3A_138 = tpu.memref_slice %arg8[%run_scoped3A_41, %dma_start3A, %dma_start3A_137] : memref<4x64x128xf32, #tpu.memory_space<vmem>> -> memref<1x64x128xf32, #tpu.memory_space<vmem>>
      %dma_start3A_139 = tpu.memref_squeeze %dma_start3A_138 : memref<1x64x128xf32, #tpu.memory_space<vmem>> -> memref<64x128xf32, #tpu.memory_space<vmem>>
      %dma_start3A_140 = arith.constant 0 : i32
      %dma_start3A_141 = tpu.memref_slice %arg9[%add3A_40, %dma_start3A_140] : memref<10112x128xf32, #tpu.memory_space<vmem_shared>> -> memref<64x128xf32, #tpu.memory_space<vmem_shared>>
      %dma_start3A_142 = arith.constant 0 : i32
      %dma_start3A_143 = tpu.memref_slice %arg9[%add3A_40, %dma_start3A_142] : memref<10112x128xf32, #tpu.memory_space<vmem_shared>> -> memref<64x128xf32, #tpu.memory_space<vmem_shared>>
      %dma_start3A_144 = arith.constant 0 : i32
      %dma_start3A_145 = arith.constant 0 : i32
      %dma_start3A_146 = tpu.memref_slice %arg8[%run_scoped3A_41, %dma_start3A_144, %dma_start3A_145] : memref<4x64x128xf32, #tpu.memory_space<vmem>> -> memref<1x64x128xf32, #tpu.memory_space<vmem>>
      %dma_start3A_147 = tpu.memref_squeeze %dma_start3A_146 : memref<1x64x128xf32, #tpu.memory_space<vmem>> -> memref<64x128xf32, #tpu.memory_space<vmem>>
      tpu.enqueue_dma source(%dma_start3A_147 : memref<64x128xf32, #tpu.memory_space<vmem>>) target(%dma_start3A_143 : memref<64x128xf32, #tpu.memory_space<vmem_shared>>) target_semaphore(%run_scoped3A_136 : memref<!tpu.dma_semaphore, #tpu.memory_space<semaphore_mem>>)
      %dma_wait3A = arith.constant 0 : i32
      %dma_wait3A_148 = arith.constant 0 : i32
      %dma_wait3A_149 = tpu.memref_slice %arg8[%run_scoped3A_41, %dma_wait3A, %dma_wait3A_148] : memref<4x64x128xf32, #tpu.memory_space<vmem>> -> memref<1x64x128xf32, #tpu.memory_space<vmem>>
      %dma_wait3A_150 = tpu.memref_squeeze %dma_wait3A_149 : memref<1x64x128xf32, #tpu.memory_space<vmem>> -> memref<64x128xf32, #tpu.memory_space<vmem>>
      %dma_wait3A_151 = arith.constant 0 : i32
      %dma_wait3A_152 = tpu.memref_slice %arg9[%add3A_40, %dma_wait3A_151] : memref<10112x128xf32, #tpu.memory_space<vmem_shared>> -> memref<64x128xf32, #tpu.memory_space<vmem_shared>>
      %dma_wait3A_153 = arith.constant 0 : i32
      %dma_wait3A_154 = tpu.memref_slice %arg9[%add3A_40, %dma_wait3A_153] : memref<10112x128xf32, #tpu.memory_space<vmem_shared>> -> memref<64x128xf32, #tpu.memory_space<vmem_shared>>
      %dma_wait3A_155 = arith.constant 0 : i32
      %dma_wait3A_156 = arith.constant 0 : i32
      %dma_wait3A_157 = tpu.memref_slice %arg8[%run_scoped3A_41, %dma_wait3A_155, %dma_wait3A_156] : memref<4x64x128xf32, #tpu.memory_space<vmem>> -> memref<1x64x128xf32, #tpu.memory_space<vmem>>
      %dma_wait3A_158 = tpu.memref_squeeze %dma_wait3A_157 : memref<1x64x128xf32, #tpu.memory_space<vmem>> -> memref<64x128xf32, #tpu.memory_space<vmem>>
      tpu.wait_dma2 semaphore(%run_scoped3A_136 : memref<!tpu.dma_semaphore, #tpu.memory_space<semaphore_mem>>) src(%dma_wait3A_158 : memref<64x128xf32, #tpu.memory_space<vmem>>) dst(%dma_wait3A_154 : memref<64x128xf32, #tpu.memory_space<vmem_shared>>)
      tpu.yield
    }) : () -> ()
    %mul3A_42 = arith.constant 632 : i32
    %mul3A_43 = arith.muli %arg1, %mul3A_42 : i32
    %add3A_44 = arith.constant 448 : i32
    %add3A_45 = arith.addi %mul3A_43, %add3A_44 : i32
    %run_scoped3A_46 = arith.constant 0 : i32
    "tpu.region"() ({
      %run_scoped3A_136 = tpu.sem_alloc : memref<!tpu.dma_semaphore, #tpu.memory_space<semaphore_mem>>
      %dma_start3A = arith.constant 0 : i32
      %dma_start3A_137 = arith.constant 0 : i32
      %dma_start3A_138 = tpu.memref_slice %arg8[%run_scoped3A_46, %dma_start3A, %dma_start3A_137] : memref<4x64x128xf32, #tpu.memory_space<vmem>> -> memref<1x64x128xf32, #tpu.memory_space<vmem>>
      %dma_start3A_139 = tpu.memref_squeeze %dma_start3A_138 : memref<1x64x128xf32, #tpu.memory_space<vmem>> -> memref<64x128xf32, #tpu.memory_space<vmem>>
      %dma_start3A_140 = arith.constant 0 : i32
      %dma_start3A_141 = tpu.memref_slice %arg9[%add3A_45, %dma_start3A_140] : memref<10112x128xf32, #tpu.memory_space<vmem_shared>> -> memref<64x128xf32, #tpu.memory_space<vmem_shared>>
      %dma_start3A_142 = arith.constant 0 : i32
      %dma_start3A_143 = tpu.memref_slice %arg9[%add3A_45, %dma_start3A_142] : memref<10112x128xf32, #tpu.memory_space<vmem_shared>> -> memref<64x128xf32, #tpu.memory_space<vmem_shared>>
      %dma_start3A_144 = arith.constant 0 : i32
      %dma_start3A_145 = arith.constant 0 : i32
      %dma_start3A_146 = tpu.memref_slice %arg8[%run_scoped3A_46, %dma_start3A_144, %dma_start3A_145] : memref<4x64x128xf32, #tpu.memory_space<vmem>> -> memref<1x64x128xf32, #tpu.memory_space<vmem>>
      %dma_start3A_147 = tpu.memref_squeeze %dma_start3A_146 : memref<1x64x128xf32, #tpu.memory_space<vmem>> -> memref<64x128xf32, #tpu.memory_space<vmem>>
      tpu.enqueue_dma source(%dma_start3A_147 : memref<64x128xf32, #tpu.memory_space<vmem>>) target(%dma_start3A_143 : memref<64x128xf32, #tpu.memory_space<vmem_shared>>) target_semaphore(%run_scoped3A_136 : memref<!tpu.dma_semaphore, #tpu.memory_space<semaphore_mem>>)
      %dma_wait3A = arith.constant 0 : i32
      %dma_wait3A_148 = arith.constant 0 : i32
      %dma_wait3A_149 = tpu.memref_slice %arg8[%run_scoped3A_46, %dma_wait3A, %dma_wait3A_148] : memref<4x64x128xf32, #tpu.memory_space<vmem>> -> memref<1x64x128xf32, #tpu.memory_space<vmem>>
      %dma_wait3A_150 = tpu.memref_squeeze %dma_wait3A_149 : memref<1x64x128xf32, #tpu.memory_space<vmem>> -> memref<64x128xf32, #tpu.memory_space<vmem>>
      %dma_wait3A_151 = arith.constant 0 : i32
      %dma_wait3A_152 = tpu.memref_slice %arg9[%add3A_45, %dma_wait3A_151] : memref<10112x128xf32, #tpu.memory_space<vmem_shared>> -> memref<64x128xf32, #tpu.memory_space<vmem_shared>>
      %dma_wait3A_153 = arith.constant 0 : i32
      %dma_wait3A_154 = tpu.memref_slice %arg9[%add3A_45, %dma_wait3A_153] : memref<10112x128xf32, #tpu.memory_space<vmem_shared>> -> memref<64x128xf32, #tpu.memory_space<vmem_shared>>
      %dma_wait3A_155 = arith.constant 0 : i32
      %dma_wait3A_156 = arith.constant 0 : i32
      %dma_wait3A_157 = tpu.memref_slice %arg8[%run_scoped3A_46, %dma_wait3A_155, %dma_wait3A_156] : memref<4x64x128xf32, #tpu.memory_space<vmem>> -> memref<1x64x128xf32, #tpu.memory_space<vmem>>
      %dma_wait3A_158 = tpu.memref_squeeze %dma_wait3A_157 : memref<1x64x128xf32, #tpu.memory_space<vmem>> -> memref<64x128xf32, #tpu.memory_space<vmem>>
      tpu.wait_dma2 semaphore(%run_scoped3A_136 : memref<!tpu.dma_semaphore, #tpu.memory_space<semaphore_mem>>) src(%dma_wait3A_158 : memref<64x128xf32, #tpu.memory_space<vmem>>) dst(%dma_wait3A_154 : memref<64x128xf32, #tpu.memory_space<vmem_shared>>)
      tpu.yield
    }) : () -> ()
    %mul3A_47 = arith.constant 632 : i32
    %mul3A_48 = arith.muli %arg1, %mul3A_47 : i32
    %add3A_49 = arith.constant 512 : i32
    %add3A_50 = arith.addi %mul3A_48, %add3A_49 : i32
    %run_scoped3A_51 = arith.constant 0 : i32
    "tpu.region"() ({
      %run_scoped3A_136 = tpu.sem_alloc : memref<!tpu.dma_semaphore, #tpu.memory_space<semaphore_mem>>
      %dma_start3A = arith.constant 0 : i32
      %dma_start3A_137 = arith.constant 0 : i32
      %dma_start3A_138 = tpu.memref_slice %arg8[%run_scoped3A_51, %dma_start3A, %dma_start3A_137] : memref<4x64x128xf32, #tpu.memory_space<vmem>> -> memref<1x64x128xf32, #tpu.memory_space<vmem>>
      %dma_start3A_139 = tpu.memref_squeeze %dma_start3A_138 : memref<1x64x128xf32, #tpu.memory_space<vmem>> -> memref<64x128xf32, #tpu.memory_space<vmem>>
      %dma_start3A_140 = arith.constant 0 : i32
      %dma_start3A_141 = tpu.memref_slice %arg9[%add3A_50, %dma_start3A_140] : memref<10112x128xf32, #tpu.memory_space<vmem_shared>> -> memref<64x128xf32, #tpu.memory_space<vmem_shared>>
      %dma_start3A_142 = arith.constant 0 : i32
      %dma_start3A_143 = tpu.memref_slice %arg9[%add3A_50, %dma_start3A_142] : memref<10112x128xf32, #tpu.memory_space<vmem_shared>> -> memref<64x128xf32, #tpu.memory_space<vmem_shared>>
      %dma_start3A_144 = arith.constant 0 : i32
      %dma_start3A_145 = arith.constant 0 : i32
      %dma_start3A_146 = tpu.memref_slice %arg8[%run_scoped3A_51, %dma_start3A_144, %dma_start3A_145] : memref<4x64x128xf32, #tpu.memory_space<vmem>> -> memref<1x64x128xf32, #tpu.memory_space<vmem>>
      %dma_start3A_147 = tpu.memref_squeeze %dma_start3A_146 : memref<1x64x128xf32, #tpu.memory_space<vmem>> -> memref<64x128xf32, #tpu.memory_space<vmem>>
      tpu.enqueue_dma source(%dma_start3A_147 : memref<64x128xf32, #tpu.memory_space<vmem>>) target(%dma_start3A_143 : memref<64x128xf32, #tpu.memory_space<vmem_shared>>) target_semaphore(%run_scoped3A_136 : memref<!tpu.dma_semaphore, #tpu.memory_space<semaphore_mem>>)
      %dma_wait3A = arith.constant 0 : i32
      %dma_wait3A_148 = arith.constant 0 : i32
      %dma_wait3A_149 = tpu.memref_slice %arg8[%run_scoped3A_51, %dma_wait3A, %dma_wait3A_148] : memref<4x64x128xf32, #tpu.memory_space<vmem>> -> memref<1x64x128xf32, #tpu.memory_space<vmem>>
      %dma_wait3A_150 = tpu.memref_squeeze %dma_wait3A_149 : memref<1x64x128xf32, #tpu.memory_space<vmem>> -> memref<64x128xf32, #tpu.memory_space<vmem>>
      %dma_wait3A_151 = arith.constant 0 : i32
      %dma_wait3A_152 = tpu.memref_slice %arg9[%add3A_50, %dma_wait3A_151] : memref<10112x128xf32, #tpu.memory_space<vmem_shared>> -> memref<64x128xf32, #tpu.memory_space<vmem_shared>>
      %dma_wait3A_153 = arith.constant 0 : i32
      %dma_wait3A_154 = tpu.memref_slice %arg9[%add3A_50, %dma_wait3A_153] : memref<10112x128xf32, #tpu.memory_space<vmem_shared>> -> memref<64x128xf32, #tpu.memory_space<vmem_shared>>
      %dma_wait3A_155 = arith.constant 0 : i32
      %dma_wait3A_156 = arith.constant 0 : i32
      %dma_wait3A_157 = tpu.memref_slice %arg8[%run_scoped3A_51, %dma_wait3A_155, %dma_wait3A_156] : memref<4x64x128xf32, #tpu.memory_space<vmem>> -> memref<1x64x128xf32, #tpu.memory_space<vmem>>
      %dma_wait3A_158 = tpu.memref_squeeze %dma_wait3A_157 : memref<1x64x128xf32, #tpu.memory_space<vmem>> -> memref<64x128xf32, #tpu.memory_space<vmem>>
      tpu.wait_dma2 semaphore(%run_scoped3A_136 : memref<!tpu.dma_semaphore, #tpu.memory_space<semaphore_mem>>) src(%dma_wait3A_158 : memref<64x128xf32, #tpu.memory_space<vmem>>) dst(%dma_wait3A_154 : memref<64x128xf32, #tpu.memory_space<vmem_shared>>)
      tpu.yield
    }) : () -> ()
    %mul3A_52 = arith.constant 632 : i32
    %mul3A_53 = arith.muli %arg1, %mul3A_52 : i32
    %add3A_54 = arith.constant 576 : i32
    %add3A_55 = arith.addi %mul3A_53, %add3A_54 : i32
    %run_scoped3A_56 = arith.constant 0 : i32
    "tpu.region"() ({
      %run_scoped3A_136 = tpu.sem_alloc : memref<!tpu.dma_semaphore, #tpu.memory_space<semaphore_mem>>
      %dma_start3A = arith.constant 0 : i32
      %dma_start3A_137 = arith.constant 0 : i32
      %dma_start3A_138 = tpu.memref_slice %arg8[%run_scoped3A_56, %dma_start3A, %dma_start3A_137] : memref<4x64x128xf32, #tpu.memory_space<vmem>> -> memref<1x56x128xf32, #tpu.memory_space<vmem>>
      %dma_start3A_139 = tpu.memref_squeeze %dma_start3A_138 : memref<1x56x128xf32, #tpu.memory_space<vmem>> -> memref<56x128xf32, #tpu.memory_space<vmem>>
      %dma_start3A_140 = arith.constant 0 : i32
      %dma_start3A_141 = tpu.memref_slice %arg9[%add3A_55, %dma_start3A_140] : memref<10112x128xf32, #tpu.memory_space<vmem_shared>> -> memref<56x128xf32, #tpu.memory_space<vmem_shared>>
      %dma_start3A_142 = arith.constant 0 : i32
      %dma_start3A_143 = tpu.memref_slice %arg9[%add3A_55, %dma_start3A_142] : memref<10112x128xf32, #tpu.memory_space<vmem_shared>> -> memref<56x128xf32, #tpu.memory_space<vmem_shared>>
      %dma_start3A_144 = arith.constant 0 : i32
      %dma_start3A_145 = arith.constant 0 : i32
      %dma_start3A_146 = tpu.memref_slice %arg8[%run_scoped3A_56, %dma_start3A_144, %dma_start3A_145] : memref<4x64x128xf32, #tpu.memory_space<vmem>> -> memref<1x56x128xf32, #tpu.memory_space<vmem>>
      %dma_start3A_147 = tpu.memref_squeeze %dma_start3A_146 : memref<1x56x128xf32, #tpu.memory_space<vmem>> -> memref<56x128xf32, #tpu.memory_space<vmem>>
      tpu.enqueue_dma source(%dma_start3A_147 : memref<56x128xf32, #tpu.memory_space<vmem>>) target(%dma_start3A_143 : memref<56x128xf32, #tpu.memory_space<vmem_shared>>) target_semaphore(%run_scoped3A_136 : memref<!tpu.dma_semaphore, #tpu.memory_space<semaphore_mem>>)
      %dma_wait3A = arith.constant 0 : i32
      %dma_wait3A_148 = arith.constant 0 : i32
      %dma_wait3A_149 = tpu.memref_slice %arg8[%run_scoped3A_56, %dma_wait3A, %dma_wait3A_148] : memref<4x64x128xf32, #tpu.memory_space<vmem>> -> memref<1x56x128xf32, #tpu.memory_space<vmem>>
      %dma_wait3A_150 = tpu.memref_squeeze %dma_wait3A_149 : memref<1x56x128xf32, #tpu.memory_space<vmem>> -> memref<56x128xf32, #tpu.memory_space<vmem>>
      %dma_wait3A_151 = arith.constant 0 : i32
      %dma_wait3A_152 = tpu.memref_slice %arg9[%add3A_55, %dma_wait3A_151] : memref<10112x128xf32, #tpu.memory_space<vmem_shared>> -> memref<56x128xf32, #tpu.memory_space<vmem_shared>>
      %dma_wait3A_153 = arith.constant 0 : i32
      %dma_wait3A_154 = tpu.memref_slice %arg9[%add3A_55, %dma_wait3A_153] : memref<10112x128xf32, #tpu.memory_space<vmem_shared>> -> memref<56x128xf32, #tpu.memory_space<vmem_shared>>
      %dma_wait3A_155 = arith.constant 0 : i32
      %dma_wait3A_156 = arith.constant 0 : i32
      %dma_wait3A_157 = tpu.memref_slice %arg8[%run_scoped3A_56, %dma_wait3A_155, %dma_wait3A_156] : memref<4x64x128xf32, #tpu.memory_space<vmem>> -> memref<1x56x128xf32, #tpu.memory_space<vmem>>
      %dma_wait3A_158 = tpu.memref_squeeze %dma_wait3A_157 : memref<1x56x128xf32, #tpu.memory_space<vmem>> -> memref<56x128xf32, #tpu.memory_space<vmem>>
      tpu.wait_dma2 semaphore(%run_scoped3A_136 : memref<!tpu.dma_semaphore, #tpu.memory_space<semaphore_mem>>) src(%dma_wait3A_158 : memref<56x128xf32, #tpu.memory_space<vmem>>) dst(%dma_wait3A_154 : memref<56x128xf32, #tpu.memory_space<vmem_shared>>)
      tpu.yield
    }) : () -> ()
    %mul3A_57 = arith.constant 320 : i32
    %mul3A_58 = arith.muli %add3A, %mul3A_57 : i32
    %run_scoped3A_59 = arith.constant 0 : i32
    "tpu.region"() ({
      %run_scoped3A_136 = tpu.sem_alloc : memref<!tpu.dma_semaphore, #tpu.memory_space<semaphore_mem>>
      %dma_start3A = arith.constant 0 : i32
      %dma_start3A_137 = arith.constant 0 : i32
      %dma_start3A_138 = tpu.memref_slice %arg6[%run_scoped3A_59, %dma_start3A, %dma_start3A_137] : memref<2x32x64xi32, #tpu.memory_space<vmem>> -> memref<1x32x64xi32, #tpu.memory_space<vmem>>
      %dma_start3A_139 = tpu.memref_squeeze %dma_start3A_138 : memref<1x32x64xi32, #tpu.memory_space<vmem>> -> memref<32x64xi32, #tpu.memory_space<vmem>>
      %dma_start3A_140 = arith.constant 0 : i32
      %dma_start3A_141 = tpu.memref_slice %arg3[%mul3A_58, %dma_start3A_140] : memref<10240x64xi32, #tpu.memory_space<hbm>> -> memref<32x64xi32, #tpu.memory_space<hbm>>
      %dma_start3A_142 = arith.constant 0 : i32
      %dma_start3A_143 = arith.constant 0 : i32
      %dma_start3A_144 = tpu.memref_slice %arg6[%run_scoped3A_59, %dma_start3A_142, %dma_start3A_143] : memref<2x32x64xi32, #tpu.memory_space<vmem>> -> memref<1x32x64xi32, #tpu.memory_space<vmem>>
      %dma_start3A_145 = tpu.memref_squeeze %dma_start3A_144 : memref<1x32x64xi32, #tpu.memory_space<vmem>> -> memref<32x64xi32, #tpu.memory_space<vmem>>
      %dma_start3A_146 = arith.constant 0 : i32
      %dma_start3A_147 = tpu.memref_slice %arg3[%mul3A_58, %dma_start3A_146] : memref<10240x64xi32, #tpu.memory_space<hbm>> -> memref<32x64xi32, #tpu.memory_space<hbm>>
      tpu.enqueue_dma source(%dma_start3A_147 : memref<32x64xi32, #tpu.memory_space<hbm>>) target(%dma_start3A_145 : memref<32x64xi32, #tpu.memory_space<vmem>>) target_semaphore(%run_scoped3A_136 : memref<!tpu.dma_semaphore, #tpu.memory_space<semaphore_mem>>)
      %dma_wait3A = arith.constant 0 : i32
      %dma_wait3A_148 = arith.constant 0 : i32
      %dma_wait3A_149 = tpu.memref_slice %arg6[%run_scoped3A_59, %dma_wait3A, %dma_wait3A_148] : memref<2x32x64xi32, #tpu.memory_space<vmem>> -> memref<1x32x64xi32, #tpu.memory_space<vmem>>
      %dma_wait3A_150 = tpu.memref_squeeze %dma_wait3A_149 : memref<1x32x64xi32, #tpu.memory_space<vmem>> -> memref<32x64xi32, #tpu.memory_space<vmem>>
      %dma_wait3A_151 = arith.constant 0 : i32
      %dma_wait3A_152 = tpu.memref_slice %arg3[%mul3A_58, %dma_wait3A_151] : memref<10240x64xi32, #tpu.memory_space<hbm>> -> memref<32x64xi32, #tpu.memory_space<hbm>>
      %dma_wait3A_153 = arith.constant 0 : i32
      %dma_wait3A_154 = arith.constant 0 : i32
      %dma_wait3A_155 = tpu.memref_slice %arg6[%run_scoped3A_59, %dma_wait3A_153, %dma_wait3A_154] : memref<2x32x64xi32, #tpu.memory_space<vmem>> -> memref<1x32x64xi32, #tpu.memory_space<vmem>>
      %dma_wait3A_156 = tpu.memref_squeeze %dma_wait3A_155 : memref<1x32x64xi32, #tpu.memory_space<vmem>> -> memref<32x64xi32, #tpu.memory_space<vmem>>
      %dma_wait3A_157 = arith.constant 0 : i32
      %dma_wait3A_158 = tpu.memref_slice %arg3[%mul3A_58, %dma_wait3A_157] : memref<10240x64xi32, #tpu.memory_space<hbm>> -> memref<32x64xi32, #tpu.memory_space<hbm>>
      tpu.wait_dma2 semaphore(%run_scoped3A_136 : memref<!tpu.dma_semaphore, #tpu.memory_space<semaphore_mem>>) src(%dma_wait3A_158 : memref<32x64xi32, #tpu.memory_space<hbm>>) dst(%dma_wait3A_156 : memref<32x64xi32, #tpu.memory_space<vmem>>)
      tpu.yield
    }) : () -> ()
    %mul3A_60 = arith.constant 320 : i32
    %mul3A_61 = arith.muli %add3A, %mul3A_60 : i32
    %run_scoped3A_62 = arith.constant 0 : i32
    "tpu.region"() ({
      %run_scoped3A_136 = tpu.sem_alloc : memref<!tpu.dma_semaphore, #tpu.memory_space<semaphore_mem>>
      %dma_start3A = arith.constant 0 : i32
      %dma_start3A_137 = arith.constant 0 : i32
      %dma_start3A_138 = tpu.memref_slice %arg7[%run_scoped3A_62, %dma_start3A, %dma_start3A_137] : memref<2x32x64xi32, #tpu.memory_space<vmem>> -> memref<1x32x64xi32, #tpu.memory_space<vmem>>
      %dma_start3A_139 = tpu.memref_squeeze %dma_start3A_138 : memref<1x32x64xi32, #tpu.memory_space<vmem>> -> memref<32x64xi32, #tpu.memory_space<vmem>>
      %dma_start3A_140 = arith.constant 0 : i32
      %dma_start3A_141 = tpu.memref_slice %arg4[%mul3A_61, %dma_start3A_140] : memref<10240x64xi32, #tpu.memory_space<hbm>> -> memref<32x64xi32, #tpu.memory_space<hbm>>
      %dma_start3A_142 = arith.constant 0 : i32
      %dma_start3A_143 = arith.constant 0 : i32
      %dma_start3A_144 = tpu.memref_slice %arg7[%run_scoped3A_62, %dma_start3A_142, %dma_start3A_143] : memref<2x32x64xi32, #tpu.memory_space<vmem>> -> memref<1x32x64xi32, #tpu.memory_space<vmem>>
      %dma_start3A_145 = tpu.memref_squeeze %dma_start3A_144 : memref<1x32x64xi32, #tpu.memory_space<vmem>> -> memref<32x64xi32, #tpu.memory_space<vmem>>
      %dma_start3A_146 = arith.constant 0 : i32
      %dma_start3A_147 = tpu.memref_slice %arg4[%mul3A_61, %dma_start3A_146] : memref<10240x64xi32, #tpu.memory_space<hbm>> -> memref<32x64xi32, #tpu.memory_space<hbm>>
      tpu.enqueue_dma source(%dma_start3A_147 : memref<32x64xi32, #tpu.memory_space<hbm>>) target(%dma_start3A_145 : memref<32x64xi32, #tpu.memory_space<vmem>>) target_semaphore(%run_scoped3A_136 : memref<!tpu.dma_semaphore, #tpu.memory_space<semaphore_mem>>)
      %dma_wait3A = arith.constant 0 : i32
      %dma_wait3A_148 = arith.constant 0 : i32
      %dma_wait3A_149 = tpu.memref_slice %arg7[%run_scoped3A_62, %dma_wait3A, %dma_wait3A_148] : memref<2x32x64xi32, #tpu.memory_space<vmem>> -> memref<1x32x64xi32, #tpu.memory_space<vmem>>
      %dma_wait3A_150 = tpu.memref_squeeze %dma_wait3A_149 : memref<1x32x64xi32, #tpu.memory_space<vmem>> -> memref<32x64xi32, #tpu.memory_space<vmem>>
      %dma_wait3A_151 = arith.constant 0 : i32
      %dma_wait3A_152 = tpu.memref_slice %arg4[%mul3A_61, %dma_wait3A_151] : memref<10240x64xi32, #tpu.memory_space<hbm>> -> memref<32x64xi32, #tpu.memory_space<hbm>>
      %dma_wait3A_153 = arith.constant 0 : i32
      %dma_wait3A_154 = arith.constant 0 : i32
      %dma_wait3A_155 = tpu.memref_slice %arg7[%run_scoped3A_62, %dma_wait3A_153, %dma_wait3A_154] : memref<2x32x64xi32, #tpu.memory_space<vmem>> -> memref<1x32x64xi32, #tpu.memory_space<vmem>>
      %dma_wait3A_156 = tpu.memref_squeeze %dma_wait3A_155 : memref<1x32x64xi32, #tpu.memory_space<vmem>> -> memref<32x64xi32, #tpu.memory_space<vmem>>
      %dma_wait3A_157 = arith.constant 0 : i32
      %dma_wait3A_158 = tpu.memref_slice %arg4[%mul3A_61, %dma_wait3A_157] : memref<10240x64xi32, #tpu.memory_space<hbm>> -> memref<32x64xi32, #tpu.memory_space<hbm>>
      tpu.wait_dma2 semaphore(%run_scoped3A_136 : memref<!tpu.dma_semaphore, #tpu.memory_space<semaphore_mem>>) src(%dma_wait3A_158 : memref<32x64xi32, #tpu.memory_space<hbm>>) dst(%dma_wait3A_156 : memref<32x64xi32, #tpu.memory_space<vmem>>)
      tpu.yield
    }) : () -> ()
    %barrier3A = arith.constant 0 : index
    tpu.barrier barrier_id(%barrier3A)
    %scan3A_63 = arith.constant 0 : i32
    %scan3A_64 = arith.constant 0 : i32
    %scan3A_65 = arith.constant 10 : i32
    %scan3A_66 = arith.addi %scan3A_64, %scan3A_65 : i32
    %scan3A_67 = arith.constant 1 : i32
    %scan3A_68 = scf.for %scan3A_136 = %scan3A_64 to %scan3A_66 step %scan3A_67 iter_args(%scan3A_137 = %scan3A_63) -> (i32)  : i32 {
      %rem3A = arith.constant 2 : i32
      %rem3A_138 = arith.remsi %scan3A_136, %rem3A : i32
      %mul3A_139 = arith.constant 320 : i32
      %mul3A_140 = arith.muli %add3A, %mul3A_139 : i32
      %mul3A_141 = arith.constant 32 : i32
      %mul3A_142 = arith.muli %scan3A_136, %mul3A_141 : i32
      %add3A_143 = arith.addi %mul3A_140, %mul3A_142 : i32
      %gt3A = arith.constant 0 : i32
      %gt3A_144 = arith.cmpi sgt, %scan3A_136, %gt3A : i32
      %convert_element_type3A = arith.extui %gt3A_144 : i1 to i32
      %cond3A = arith.constant 0 : i32
      %cond3A_145 = arith.cmpi ne, %convert_element_type3A, %cond3A : i32
      scf.if %cond3A_145 {
        %dma_wait3A = arith.constant 0 : i32
        %dma_wait3A_195 = arith.constant 0 : i32
        %dma_wait3A_196 = tpu.memref_slice %arg6[%rem3A_138, %dma_wait3A, %dma_wait3A_195] : memref<2x32x64xi32, #tpu.memory_space<vmem>> -> memref<1x32x64xi32, #tpu.memory_space<vmem>>
        %dma_wait3A_197 = tpu.memref_squeeze %dma_wait3A_196 : memref<1x32x64xi32, #tpu.memory_space<vmem>> -> memref<32x64xi32, #tpu.memory_space<vmem>>
        %dma_wait3A_198 = arith.constant 0 : i32
        %dma_wait3A_199 = tpu.memref_slice %arg3[%add3A_143, %dma_wait3A_198] : memref<10240x64xi32, #tpu.memory_space<hbm>> -> memref<32x64xi32, #tpu.memory_space<hbm>>
        %dma_wait3A_200 = arith.constant 0 : i32
        %dma_wait3A_201 = arith.constant 0 : i32
        %dma_wait3A_202 = tpu.memref_slice %arg6[%rem3A_138, %dma_wait3A_200, %dma_wait3A_201] : memref<2x32x64xi32, #tpu.memory_space<vmem>> -> memref<1x32x64xi32, #tpu.memory_space<vmem>>
        %dma_wait3A_203 = tpu.memref_squeeze %dma_wait3A_202 : memref<1x32x64xi32, #tpu.memory_space<vmem>> -> memref<32x64xi32, #tpu.memory_space<vmem>>
        %dma_wait3A_204 = arith.constant 0 : i32
        %dma_wait3A_205 = tpu.memref_slice %arg3[%add3A_143, %dma_wait3A_204] : memref<10240x64xi32, #tpu.memory_space<hbm>> -> memref<32x64xi32, #tpu.memory_space<hbm>>
        tpu.wait_dma2 semaphore(%arg11 : memref<!tpu.dma_semaphore, #tpu.memory_space<semaphore_mem>>) src(%dma_wait3A_205 : memref<32x64xi32, #tpu.memory_space<hbm>>) dst(%dma_wait3A_203 : memref<32x64xi32, #tpu.memory_space<vmem>>)
        %dma_wait3A_206 = arith.constant 0 : i32
        %dma_wait3A_207 = arith.constant 0 : i32
        %dma_wait3A_208 = tpu.memref_slice %arg7[%rem3A_138, %dma_wait3A_206, %dma_wait3A_207] : memref<2x32x64xi32, #tpu.memory_space<vmem>> -> memref<1x32x64xi32, #tpu.memory_space<vmem>>
        %dma_wait3A_209 = tpu.memref_squeeze %dma_wait3A_208 : memref<1x32x64xi32, #tpu.memory_space<vmem>> -> memref<32x64xi32, #tpu.memory_space<vmem>>
        %dma_wait3A_210 = arith.constant 0 : i32
        %dma_wait3A_211 = tpu.memref_slice %arg4[%add3A_143, %dma_wait3A_210] : memref<10240x64xi32, #tpu.memory_space<hbm>> -> memref<32x64xi32, #tpu.memory_space<hbm>>
        %dma_wait3A_212 = arith.constant 0 : i32
        %dma_wait3A_213 = arith.constant 0 : i32
        %dma_wait3A_214 = tpu.memref_slice %arg7[%rem3A_138, %dma_wait3A_212, %dma_wait3A_213] : memref<2x32x64xi32, #tpu.memory_space<vmem>> -> memref<1x32x64xi32, #tpu.memory_space<vmem>>
        %dma_wait3A_215 = tpu.memref_squeeze %dma_wait3A_214 : memref<1x32x64xi32, #tpu.memory_space<vmem>> -> memref<32x64xi32, #tpu.memory_space<vmem>>
        %dma_wait3A_216 = arith.constant 0 : i32
        %dma_wait3A_217 = tpu.memref_slice %arg4[%add3A_143, %dma_wait3A_216] : memref<10240x64xi32, #tpu.memory_space<hbm>> -> memref<32x64xi32, #tpu.memory_space<hbm>>
        tpu.wait_dma2 semaphore(%arg11 : memref<!tpu.dma_semaphore, #tpu.memory_space<semaphore_mem>>) src(%dma_wait3A_217 : memref<32x64xi32, #tpu.memory_space<hbm>>) dst(%dma_wait3A_215 : memref<32x64xi32, #tpu.memory_space<vmem>>)
      } else {
      }
      %add3A_146 = arith.constant 1 : i32
      %add3A_147 = arith.addi %scan3A_136, %add3A_146 : i32
      %lt3A = arith.constant 10 : i32
      %lt3A_148 = arith.cmpi slt, %add3A_147, %lt3A : i32
      %convert_element_type3A_149 = arith.extui %lt3A_148 : i1 to i32
      %cond3A_150 = arith.constant 0 : i32
      %cond3A_151 = arith.cmpi ne, %convert_element_type3A_149, %cond3A_150 : i32
      scf.if %cond3A_151 {
        %add3A_195 = arith.constant 32 : i32
        %add3A_196 = arith.addi %add3A_143, %add3A_195 : i32
        %sub3A = arith.constant 1 : i32
        %sub3A_197 = arith.subi %sub3A, %rem3A_138 : i32
        %dma_start3A_198 = arith.constant 0 : i32
        %dma_start3A_199 = arith.constant 0 : i32
        %dma_start3A_200 = tpu.memref_slice %arg6[%sub3A_197, %dma_start3A_198, %dma_start3A_199] : memref<2x32x64xi32, #tpu.memory_space<vmem>> -> memref<1x32x64xi32, #tpu.memory_space<vmem>>
        %dma_start3A_201 = tpu.memref_squeeze %dma_start3A_200 : memref<1x32x64xi32, #tpu.memory_space<vmem>> -> memref<32x64xi32, #tpu.memory_space<vmem>>
        %dma_start3A_202 = arith.constant 0 : i32
        %dma_start3A_203 = tpu.memref_slice %arg3[%add3A_196, %dma_start3A_202] : memref<10240x64xi32, #tpu.memory_space<hbm>> -> memref<32x64xi32, #tpu.memory_space<hbm>>
        %dma_start3A_204 = arith.constant 0 : i32
        %dma_start3A_205 = arith.constant 0 : i32
        %dma_start3A_206 = tpu.memref_slice %arg6[%sub3A_197, %dma_start3A_204, %dma_start3A_205] : memref<2x32x64xi32, #tpu.memory_space<vmem>> -> memref<1x32x64xi32, #tpu.memory_space<vmem>>
        %dma_start3A_207 = tpu.memref_squeeze %dma_start3A_206 : memref<1x32x64xi32, #tpu.memory_space<vmem>> -> memref<32x64xi32, #tpu.memory_space<vmem>>
        %dma_start3A_208 = arith.constant 0 : i32
        %dma_start3A_209 = tpu.memref_slice %arg3[%add3A_196, %dma_start3A_208] : memref<10240x64xi32, #tpu.memory_space<hbm>> -> memref<32x64xi32, #tpu.memory_space<hbm>>
        tpu.enqueue_dma source(%dma_start3A_209 : memref<32x64xi32, #tpu.memory_space<hbm>>) target(%dma_start3A_207 : memref<32x64xi32, #tpu.memory_space<vmem>>) target_semaphore(%arg11 : memref<!tpu.dma_semaphore, #tpu.memory_space<semaphore_mem>>)
        %add3A_210 = arith.constant 32 : i32
        %add3A_211 = arith.addi %add3A_143, %add3A_210 : i32
        %sub3A_212 = arith.constant 1 : i32
        %sub3A_213 = arith.subi %sub3A_212, %rem3A_138 : i32
        %dma_start3A_214 = arith.constant 0 : i32
        %dma_start3A_215 = arith.constant 0 : i32
        %dma_start3A_216 = tpu.memref_slice %arg7[%sub3A_213, %dma_start3A_214, %dma_start3A_215] : memref<2x32x64xi32, #tpu.memory_space<vmem>> -> memref<1x32x64xi32, #tpu.memory_space<vmem>>
        %dma_start3A_217 = tpu.memref_squeeze %dma_start3A_216 : memref<1x32x64xi32, #tpu.memory_space<vmem>> -> memref<32x64xi32, #tpu.memory_space<vmem>>
        %dma_start3A_218 = arith.constant 0 : i32
        %dma_start3A_219 = tpu.memref_slice %arg4[%add3A_211, %dma_start3A_218] : memref<10240x64xi32, #tpu.memory_space<hbm>> -> memref<32x64xi32, #tpu.memory_space<hbm>>
        %dma_start3A_220 = arith.constant 0 : i32
        %dma_start3A_221 = arith.constant 0 : i32
        %dma_start3A_222 = tpu.memref_slice %arg7[%sub3A_213, %dma_start3A_220, %dma_start3A_221] : memref<2x32x64xi32, #tpu.memory_space<vmem>> -> memref<1x32x64xi32, #tpu.memory_space<vmem>>
        %dma_start3A_223 = tpu.memref_squeeze %dma_start3A_222 : memref<1x32x64xi32, #tpu.memory_space<vmem>> -> memref<32x64xi32, #tpu.memory_space<vmem>>
        %dma_start3A_224 = arith.constant 0 : i32
        %dma_start3A_225 = tpu.memref_slice %arg4[%add3A_211, %dma_start3A_224] : memref<10240x64xi32, #tpu.memory_space<hbm>> -> memref<32x64xi32, #tpu.memory_space<hbm>>
        tpu.enqueue_dma source(%dma_start3A_225 : memref<32x64xi32, #tpu.memory_space<hbm>>) target(%dma_start3A_223 : memref<32x64xi32, #tpu.memory_space<vmem>>) target_semaphore(%arg11 : memref<!tpu.dma_semaphore, #tpu.memory_space<semaphore_mem>>)
      } else {
      }
      %dma_start3A = arith.constant 0 : i32
      %dma_start3A_152 = arith.constant 0 : i32
      %dma_start3A_153 = arith.constant 0 : i32
      %dma_start3A_154 = arith.constant 0 : i32
      %dma_start3A_155 = tpu.memref_slice %arg8[%dma_start3A_152, %dma_start3A_153, %dma_start3A_154] : memref<4x64x128xf32, #tpu.memory_space<vmem>> -> memref<1x64x128xf32, #tpu.memory_space<vmem>>
      %dma_start3A_156 = tpu.memref_squeeze %dma_start3A_155 : memref<1x64x128xf32, #tpu.memory_space<vmem>> -> memref<64x128xf32, #tpu.memory_space<vmem>>
      %dma_start3A_157 = arith.constant 0 : i32
      %dma_start3A_158 = tpu.memref_slice %arg6[%rem3A_138, %dma_start3A, %dma_start3A_157] : memref<2x32x64xi32, #tpu.memory_space<vmem>> -> memref<1x1x64xi32, #tpu.memory_space<vmem>>
      %dma_start3A_159 = tpu.memref_squeeze %dma_start3A_158 : memref<1x1x64xi32, #tpu.memory_space<vmem>> -> memref<64xi32, #tpu.memory_space<vmem>>
      %dma_start3A_160 = arith.constant 0 : i32
      %dma_start3A_161 = arith.constant 0 : i32
      %dma_start3A_162 = tpu.memref_slice %arg2[%dma_start3A_160, %dma_start3A_161] : memref<20224x128xf32, #tpu.memory_space<hbm>> -> memref<20224x128xf32, #tpu.memory_space<hbm>>
      tpu.enqueue_indirect_dma source(%dma_start3A_162 : memref<20224x128xf32, #tpu.memory_space<hbm>>) target(%dma_start3A_156 : memref<64x128xf32, #tpu.memory_space<vmem>>) offsets(%dma_start3A_159 : memref<64xi32, #tpu.memory_space<vmem>>) semaphore(%arg10 : memref<!tpu.dma_semaphore, #tpu.memory_space<semaphore_mem>>)
      %dma_start3A_163 = arith.constant 1 : i32
      %dma_start3A_164 = arith.constant 1 : i32
      %dma_start3A_165 = arith.constant 0 : i32
      %dma_start3A_166 = arith.constant 0 : i32
      %dma_start3A_167 = tpu.memref_slice %arg8[%dma_start3A_164, %dma_start3A_165, %dma_start3A_166] : memref<4x64x128xf32, #tpu.memory_space<vmem>> -> memref<1x64x128xf32, #tpu.memory_space<vmem>>
      %dma_start3A_168 = tpu.memref_squeeze %dma_start3A_167 : memref<1x64x128xf32, #tpu.memory_space<vmem>> -> memref<64x128xf32, #tpu.memory_space<vmem>>
      %dma_start3A_169 = arith.constant 0 : i32
      %dma_start3A_170 = tpu.memref_slice %arg6[%rem3A_138, %dma_start3A_163, %dma_start3A_169] : memref<2x32x64xi32, #tpu.memory_space<vmem>> -> memref<1x1x64xi32, #tpu.memory_space<vmem>>
      %dma_start3A_171 = tpu.memref_squeeze %dma_start3A_170 : memref<1x1x64xi32, #tpu.memory_space<vmem>> -> memref<64xi32, #tpu.memory_space<vmem>>
      %dma_start3A_172 = arith.constant 0 : i32
      %dma_start3A_173 = arith.constant 0 : i32
      %dma_start3A_174 = tpu.memref_slice %arg2[%dma_start3A_172, %dma_start3A_173] : memref<20224x128xf32, #tpu.memory_space<hbm>> -> memref<20224x128xf32, #tpu.memory_space<hbm>>
      tpu.enqueue_indirect_dma source(%dma_start3A_174 : memref<20224x128xf32, #tpu.memory_space<hbm>>) target(%dma_start3A_168 : memref<64x128xf32, #tpu.memory_space<vmem>>) offsets(%dma_start3A_171 : memref<64xi32, #tpu.memory_space<vmem>>) semaphore(%arg10 : memref<!tpu.dma_semaphore, #tpu.memory_space<semaphore_mem>>)
      %dma_start3A_175 = arith.constant 2 : i32
      %dma_start3A_176 = arith.constant 2 : i32
      %dma_start3A_177 = arith.constant 0 : i32
      %dma_start3A_178 = arith.constant 0 : i32
      %dma_start3A_179 = tpu.memref_slice %arg8[%dma_start3A_176, %dma_start3A_177, %dma_start3A_178] : memref<4x64x128xf32, #tpu.memory_space<vmem>> -> memref<1x64x128xf32, #tpu.memory_space<vmem>>
      %dma_start3A_180 = tpu.memref_squeeze %dma_start3A_179 : memref<1x64x128xf32, #tpu.memory_space<vmem>> -> memref<64x128xf32, #tpu.memory_space<vmem>>
      %dma_start3A_181 = arith.constant 0 : i32
      %dma_start3A_182 = tpu.memref_slice %arg6[%rem3A_138, %dma_start3A_175, %dma_start3A_181] : memref<2x32x64xi32, #tpu.memory_space<vmem>> -> memref<1x1x64xi32, #tpu.memory_space<vmem>>
      %dma_start3A_183 = tpu.memref_squeeze %dma_start3A_182 : memref<1x1x64xi32, #tpu.memory_space<vmem>> -> memref<64xi32, #tpu.memory_space<vmem>>
      %dma_start3A_184 = arith.constant 0 : i32
      %dma_start3A_185 = arith.constant 0 : i32
      %dma_start3A_186 = tpu.memref_slice %arg2[%dma_start3A_184, %dma_start3A_185] : memref<20224x128xf32, #tpu.memory_space<hbm>> -> memref<20224x128xf32, #tpu.memory_space<hbm>>
      tpu.enqueue_indirect_dma source(%dma_start3A_186 : memref<20224x128xf32, #tpu.memory_space<hbm>>) target(%dma_start3A_180 : memref<64x128xf32, #tpu.memory_space<vmem>>) offsets(%dma_start3A_183 : memref<64xi32, #tpu.memory_space<vmem>>) semaphore(%arg10 : memref<!tpu.dma_semaphore, #tpu.memory_space<semaphore_mem>>)
      %scan3A_187 = arith.constant 0 : i32
      %scan3A_188 = arith.constant 0 : i32
      %scan3A_189 = arith.constant 32 : i32
      %scan3A_190 = arith.addi %scan3A_188, %scan3A_189 : i32
      %scan3A_191 = arith.constant 1 : i32
      %scan3A_192 = scf.for %scan3A_195 = %scan3A_188 to %scan3A_190 step %scan3A_191 iter_args(%scan3A_196 = %scan3A_187) -> (i32)  : i32 {
        %rem3A_197 = arith.constant 4 : i32
        %rem3A_198 = arith.remsi %scan3A_195, %rem3A_197 : i32
        %dma_wait3A = arith.constant 0 : i32
        %dma_wait3A_199 = arith.constant 0 : i32
        %dma_wait3A_200 = tpu.memref_slice %arg8[%rem3A_198, %dma_wait3A, %dma_wait3A_199] : memref<4x64x128xf32, #tpu.memory_space<vmem>> -> memref<1x64x128xf32, #tpu.memory_space<vmem>>
        %dma_wait3A_201 = tpu.memref_squeeze %dma_wait3A_200 : memref<1x64x128xf32, #tpu.memory_space<vmem>> -> memref<64x128xf32, #tpu.memory_space<vmem>>
        %dma_wait3A_202 = arith.constant 0 : i32
        %dma_wait3A_203 = arith.constant 0 : i32
        %dma_wait3A_204 = tpu.memref_slice %arg2[%dma_wait3A_202, %dma_wait3A_203] : memref<20224x128xf32, #tpu.memory_space<hbm>> -> memref<64x128xf32, #tpu.memory_space<hbm>>
        %dma_wait3A_205 = arith.constant 0 : i32
        %dma_wait3A_206 = arith.constant 0 : i32
        %dma_wait3A_207 = tpu.memref_slice %arg8[%rem3A_198, %dma_wait3A_205, %dma_wait3A_206] : memref<4x64x128xf32, #tpu.memory_space<vmem>> -> memref<1x64x128xf32, #tpu.memory_space<vmem>>
        %dma_wait3A_208 = tpu.memref_squeeze %dma_wait3A_207 : memref<1x64x128xf32, #tpu.memory_space<vmem>> -> memref<64x128xf32, #tpu.memory_space<vmem>>
        %dma_wait3A_209 = arith.constant 0 : i32
        %dma_wait3A_210 = arith.constant 0 : i32
        %dma_wait3A_211 = tpu.memref_slice %arg2[%dma_wait3A_209, %dma_wait3A_210] : memref<20224x128xf32, #tpu.memory_space<hbm>> -> memref<64x128xf32, #tpu.memory_space<hbm>>
        tpu.wait_dma2 semaphore(%arg10 : memref<!tpu.dma_semaphore, #tpu.memory_space<semaphore_mem>>) src(%dma_wait3A_211 : memref<64x128xf32, #tpu.memory_space<hbm>>) dst(%dma_wait3A_208 : memref<64x128xf32, #tpu.memory_space<vmem>>)
        "tpu.region"() ({
          %run_scoped3A_220 = tpu.sem_alloc : memref<!tpu.dma_semaphore, #tpu.memory_space<semaphore_mem>>
          %dma_start3A_221 = arith.constant 0 : i32
          %dma_start3A_222 = arith.constant 0 : i32
          %dma_start3A_223 = tpu.memref_slice %arg8[%rem3A_198, %dma_start3A_221, %dma_start3A_222] : memref<4x64x128xf32, #tpu.memory_space<vmem>> -> memref<1x64x128xf32, #tpu.memory_space<vmem>>
          %dma_start3A_224 = tpu.memref_squeeze %dma_start3A_223 : memref<1x64x128xf32, #tpu.memory_space<vmem>> -> memref<64x128xf32, #tpu.memory_space<vmem>>
          %dma_start3A_225 = arith.constant 0 : i32
          %dma_start3A_226 = tpu.memref_slice %arg7[%rem3A_138, %scan3A_195, %dma_start3A_225] : memref<2x32x64xi32, #tpu.memory_space<vmem>> -> memref<1x1x64xi32, #tpu.memory_space<vmem>>
          %dma_start3A_227 = tpu.memref_squeeze %dma_start3A_226 : memref<1x1x64xi32, #tpu.memory_space<vmem>> -> memref<64xi32, #tpu.memory_space<vmem>>
          %dma_start3A_228 = arith.constant 0 : i32
          %dma_start3A_229 = arith.constant 0 : i32
          %dma_start3A_230 = tpu.memref_slice %arg9[%dma_start3A_228, %dma_start3A_229] : memref<10112x128xf32, #tpu.memory_space<vmem_shared>> -> memref<10112x128xf32, #tpu.memory_space<vmem_shared>>
          tpu.enqueue_indirect_dma source(%dma_start3A_224 : memref<64x128xf32, #tpu.memory_space<vmem>>) target(%dma_start3A_230 : memref<10112x128xf32, #tpu.memory_space<vmem_shared>>) offsets(%dma_start3A_227 : memref<64xi32, #tpu.memory_space<vmem>>) semaphore(%run_scoped3A_220 : memref<!tpu.dma_semaphore, #tpu.memory_space<semaphore_mem>>) {add = true}
          %dma_wait3A_231 = arith.constant 0 : i32
          %dma_wait3A_232 = arith.constant 0 : i32
          %dma_wait3A_233 = tpu.memref_slice %arg8[%rem3A_198, %dma_wait3A_231, %dma_wait3A_232] : memref<4x64x128xf32, #tpu.memory_space<vmem>> -> memref<1x64x128xf32, #tpu.memory_space<vmem>>
          %dma_wait3A_234 = tpu.memref_squeeze %dma_wait3A_233 : memref<1x64x128xf32, #tpu.memory_space<vmem>> -> memref<64x128xf32, #tpu.memory_space<vmem>>
          %dma_wait3A_235 = arith.constant 0 : i32
          %dma_wait3A_236 = tpu.memref_slice %arg7[%rem3A_138, %scan3A_195, %dma_wait3A_235] : memref<2x32x64xi32, #tpu.memory_space<vmem>> -> memref<1x1x64xi32, #tpu.memory_space<vmem>>
          %dma_wait3A_237 = tpu.memref_squeeze %dma_wait3A_236 : memref<1x1x64xi32, #tpu.memory_space<vmem>> -> memref<64xi32, #tpu.memory_space<vmem>>
          %dma_wait3A_238 = arith.constant 0 : i32
          %dma_wait3A_239 = arith.constant 0 : i32
          %dma_wait3A_240 = tpu.memref_slice %arg9[%dma_wait3A_238, %dma_wait3A_239] : memref<10112x128xf32, #tpu.memory_space<vmem_shared>> -> memref<10112x128xf32, #tpu.memory_space<vmem_shared>>
          tpu.wait_indirect_dma semaphore(%run_scoped3A_220 : memref<!tpu.dma_semaphore, #tpu.memory_space<semaphore_mem>>) src(%dma_wait3A_234 : memref<64x128xf32, #tpu.memory_space<vmem>>) dst(%dma_wait3A_240 : memref<10112x128xf32, #tpu.memory_space<vmem_shared>>)
          tpu.yield
        }) : () -> ()
        %add3A_212 = arith.constant 3 : i32
        %add3A_213 = arith.addi %scan3A_195, %add3A_212 : i32
        %lt3A_214 = arith.constant 32 : i32
        %lt3A_215 = arith.cmpi slt, %add3A_213, %lt3A_214 : i32
        %convert_element_type3A_216 = arith.extui %lt3A_215 : i1 to i32
        %cond3A_217 = arith.constant 0 : i32
        %cond3A_218 = arith.cmpi ne, %convert_element_type3A_216, %cond3A_217 : i32
        scf.if %cond3A_218 {
          %add3A_220 = arith.constant 3 : i32
          %add3A_221 = arith.addi %scan3A_195, %add3A_220 : i32
          %add3A_222 = arith.constant 3 : i32
          %add3A_223 = arith.addi %scan3A_195, %add3A_222 : i32
          %rem3A_224 = arith.constant 4 : i32
          %rem3A_225 = arith.remsi %add3A_223, %rem3A_224 : i32
          %dma_start3A_226 = arith.constant 0 : i32
          %dma_start3A_227 = arith.constant 0 : i32
          %dma_start3A_228 = tpu.memref_slice %arg8[%rem3A_225, %dma_start3A_226, %dma_start3A_227] : memref<4x64x128xf32, #tpu.memory_space<vmem>> -> memref<1x64x128xf32, #tpu.memory_space<vmem>>
          %dma_start3A_229 = tpu.memref_squeeze %dma_start3A_228 : memref<1x64x128xf32, #tpu.memory_space<vmem>> -> memref<64x128xf32, #tpu.memory_space<vmem>>
          %dma_start3A_230 = arith.constant 0 : i32
          %dma_start3A_231 = tpu.memref_slice %arg6[%rem3A_138, %add3A_221, %dma_start3A_230] : memref<2x32x64xi32, #tpu.memory_space<vmem>> -> memref<1x1x64xi32, #tpu.memory_space<vmem>>
          %dma_start3A_232 = tpu.memref_squeeze %dma_start3A_231 : memref<1x1x64xi32, #tpu.memory_space<vmem>> -> memref<64xi32, #tpu.memory_space<vmem>>
          %dma_start3A_233 = arith.constant 0 : i32
          %dma_start3A_234 = arith.constant 0 : i32
          %dma_start3A_235 = tpu.memref_slice %arg2[%dma_start3A_233, %dma_start3A_234] : memref<20224x128xf32, #tpu.memory_space<hbm>> -> memref<20224x128xf32, #tpu.memory_space<hbm>>
          tpu.enqueue_indirect_dma source(%dma_start3A_235 : memref<20224x128xf32, #tpu.memory_space<hbm>>) target(%dma_start3A_229 : memref<64x128xf32, #tpu.memory_space<vmem>>) offsets(%dma_start3A_232 : memref<64xi32, #tpu.memory_space<vmem>>) semaphore(%arg10 : memref<!tpu.dma_semaphore, #tpu.memory_space<semaphore_mem>>)
        } else {
        }
        %scan3A_219 = arith.constant 0 : i32
        scf.yield %scan3A_219 : i32
      }
      %scan3A_193 = arith.constant 32 : i32
      %scan3A_194 = arith.constant 0 : i32
      scf.yield %scan3A_194 : i32
    }
    %scan3A_69 = arith.constant 10 : i32
    %barrier3A_70 = arith.constant 0 : index
    tpu.barrier barrier_id(%barrier3A_70)
    %mul3A_71 = arith.constant 10112 : i32
    %mul3A_72 = arith.muli %arg0, %mul3A_71 : i32
    %mul3A_73 = arith.constant 632 : i32
    %mul3A_74 = arith.muli %arg1, %mul3A_73 : i32
    %add3A_75 = arith.addi %mul3A_72, %mul3A_74 : i32
    %mul3A_76 = arith.constant 632 : i32
    %mul3A_77 = arith.muli %arg1, %mul3A_76 : i32
    %add3A_78 = arith.constant 0 : i32
    %add3A_79 = arith.addi %mul3A_77, %add3A_78 : i32
    %add3A_80 = arith.constant 0 : i32
    %add3A_81 = arith.addi %add3A_75, %add3A_80 : i32
    "tpu.region"() ({
      %run_scoped3A_136 = tpu.sem_alloc : memref<!tpu.dma_semaphore, #tpu.memory_space<semaphore_mem>>
      %dma_start3A = arith.constant 0 : i32
      %dma_start3A_137 = tpu.memref_slice %arg5[%add3A_81, %dma_start3A] : memref<20224x128xf32, #tpu.memory_space<hbm>> -> memref<64x128xf32, #tpu.memory_space<hbm>>
      %dma_start3A_138 = arith.constant 0 : i32
      %dma_start3A_139 = tpu.memref_slice %arg9[%add3A_79, %dma_start3A_138] : memref<10112x128xf32, #tpu.memory_space<vmem_shared>> -> memref<64x128xf32, #tpu.memory_space<vmem_shared>>
      tpu.enqueue_dma source(%dma_start3A_139 : memref<64x128xf32, #tpu.memory_space<vmem_shared>>) target(%dma_start3A_137 : memref<64x128xf32, #tpu.memory_space<hbm>>) target_semaphore(%run_scoped3A_136 : memref<!tpu.dma_semaphore, #tpu.memory_space<semaphore_mem>>)
      %dma_wait3A = arith.constant 0 : i32
      %dma_wait3A_140 = tpu.memref_slice %arg5[%add3A_81, %dma_wait3A] : memref<20224x128xf32, #tpu.memory_space<hbm>> -> memref<64x128xf32, #tpu.memory_space<hbm>>
      %dma_wait3A_141 = arith.constant 0 : i32
      %dma_wait3A_142 = tpu.memref_slice %arg9[%add3A_79, %dma_wait3A_141] : memref<10112x128xf32, #tpu.memory_space<vmem_shared>> -> memref<64x128xf32, #tpu.memory_space<vmem_shared>>
      tpu.wait_dma2 semaphore(%run_scoped3A_136 : memref<!tpu.dma_semaphore, #tpu.memory_space<semaphore_mem>>) src(%dma_wait3A_142 : memref<64x128xf32, #tpu.memory_space<vmem_shared>>) dst(%dma_wait3A_140 : memref<64x128xf32, #tpu.memory_space<hbm>>)
      tpu.yield
    }) : () -> ()
    %mul3A_82 = arith.constant 632 : i32
    %mul3A_83 = arith.muli %arg1, %mul3A_82 : i32
    %add3A_84 = arith.constant 64 : i32
    %add3A_85 = arith.addi %mul3A_83, %add3A_84 : i32
    %add3A_86 = arith.constant 64 : i32
    %add3A_87 = arith.addi %add3A_75, %add3A_86 : i32
    "tpu.region"() ({
      %run_scoped3A_136 = tpu.sem_alloc : memref<!tpu.dma_semaphore, #tpu.memory_space<semaphore_mem>>
      %dma_start3A = arith.constant 0 : i32
      %dma_start3A_137 = tpu.memref_slice %arg5[%add3A_87, %dma_start3A] : memref<20224x128xf32, #tpu.memory_space<hbm>> -> memref<64x128xf32, #tpu.memory_space<hbm>>
      %dma_start3A_138 = arith.constant 0 : i32
      %dma_start3A_139 = tpu.memref_slice %arg9[%add3A_85, %dma_start3A_138] : memref<10112x128xf32, #tpu.memory_space<vmem_shared>> -> memref<64x128xf32, #tpu.memory_space<vmem_shared>>
      tpu.enqueue_dma source(%dma_start3A_139 : memref<64x128xf32, #tpu.memory_space<vmem_shared>>) target(%dma_start3A_137 : memref<64x128xf32, #tpu.memory_space<hbm>>) target_semaphore(%run_scoped3A_136 : memref<!tpu.dma_semaphore, #tpu.memory_space<semaphore_mem>>)
      %dma_wait3A = arith.constant 0 : i32
      %dma_wait3A_140 = tpu.memref_slice %arg5[%add3A_87, %dma_wait3A] : memref<20224x128xf32, #tpu.memory_space<hbm>> -> memref<64x128xf32, #tpu.memory_space<hbm>>
      %dma_wait3A_141 = arith.constant 0 : i32
      %dma_wait3A_142 = tpu.memref_slice %arg9[%add3A_85, %dma_wait3A_141] : memref<10112x128xf32, #tpu.memory_space<vmem_shared>> -> memref<64x128xf32, #tpu.memory_space<vmem_shared>>
      tpu.wait_dma2 semaphore(%run_scoped3A_136 : memref<!tpu.dma_semaphore, #tpu.memory_space<semaphore_mem>>) src(%dma_wait3A_142 : memref<64x128xf32, #tpu.memory_space<vmem_shared>>) dst(%dma_wait3A_140 : memref<64x128xf32, #tpu.memory_space<hbm>>)
      tpu.yield
    }) : () -> ()
    %mul3A_88 = arith.constant 632 : i32
    %mul3A_89 = arith.muli %arg1, %mul3A_88 : i32
    %add3A_90 = arith.constant 128 : i32
    %add3A_91 = arith.addi %mul3A_89, %add3A_90 : i32
    %add3A_92 = arith.constant 128 : i32
    %add3A_93 = arith.addi %add3A_75, %add3A_92 : i32
    "tpu.region"() ({
      %run_scoped3A_136 = tpu.sem_alloc : memref<!tpu.dma_semaphore, #tpu.memory_space<semaphore_mem>>
      %dma_start3A = arith.constant 0 : i32
      %dma_start3A_137 = tpu.memref_slice %arg5[%add3A_93, %dma_start3A] : memref<20224x128xf32, #tpu.memory_space<hbm>> -> memref<64x128xf32, #tpu.memory_space<hbm>>
      %dma_start3A_138 = arith.constant 0 : i32
      %dma_start3A_139 = tpu.memref_slice %arg9[%add3A_91, %dma_start3A_138] : memref<10112x128xf32, #tpu.memory_space<vmem_shared>> -> memref<64x128xf32, #tpu.memory_space<vmem_shared>>
      tpu.enqueue_dma source(%dma_start3A_139 : memref<64x128xf32, #tpu.memory_space<vmem_shared>>) target(%dma_start3A_137 : memref<64x128xf32, #tpu.memory_space<hbm>>) target_semaphore(%run_scoped3A_136 : memref<!tpu.dma_semaphore, #tpu.memory_space<semaphore_mem>>)
      %dma_wait3A = arith.constant 0 : i32
      %dma_wait3A_140 = tpu.memref_slice %arg5[%add3A_93, %dma_wait3A] : memref<20224x128xf32, #tpu.memory_space<hbm>> -> memref<64x128xf32, #tpu.memory_space<hbm>>
      %dma_wait3A_141 = arith.constant 0 : i32
      %dma_wait3A_142 = tpu.memref_slice %arg9[%add3A_91, %dma_wait3A_141] : memref<10112x128xf32, #tpu.memory_space<vmem_shared>> -> memref<64x128xf32, #tpu.memory_space<vmem_shared>>
      tpu.wait_dma2 semaphore(%run_scoped3A_136 : memref<!tpu.dma_semaphore, #tpu.memory_space<semaphore_mem>>) src(%dma_wait3A_142 : memref<64x128xf32, #tpu.memory_space<vmem_shared>>) dst(%dma_wait3A_140 : memref<64x128xf32, #tpu.memory_space<hbm>>)
      tpu.yield
    }) : () -> ()
    %mul3A_94 = arith.constant 632 : i32
    %mul3A_95 = arith.muli %arg1, %mul3A_94 : i32
    %add3A_96 = arith.constant 192 : i32
    %add3A_97 = arith.addi %mul3A_95, %add3A_96 : i32
    %add3A_98 = arith.constant 192 : i32
    %add3A_99 = arith.addi %add3A_75, %add3A_98 : i32
    "tpu.region"() ({
      %run_scoped3A_136 = tpu.sem_alloc : memref<!tpu.dma_semaphore, #tpu.memory_space<semaphore_mem>>
      %dma_start3A = arith.constant 0 : i32
      %dma_start3A_137 = tpu.memref_slice %arg5[%add3A_99, %dma_start3A] : memref<20224x128xf32, #tpu.memory_space<hbm>> -> memref<64x128xf32, #tpu.memory_space<hbm>>
      %dma_start3A_138 = arith.constant 0 : i32
      %dma_start3A_139 = tpu.memref_slice %arg9[%add3A_97, %dma_start3A_138] : memref<10112x128xf32, #tpu.memory_space<vmem_shared>> -> memref<64x128xf32, #tpu.memory_space<vmem_shared>>
      tpu.enqueue_dma source(%dma_start3A_139 : memref<64x128xf32, #tpu.memory_space<vmem_shared>>) target(%dma_start3A_137 : memref<64x128xf32, #tpu.memory_space<hbm>>) target_semaphore(%run_scoped3A_136 : memref<!tpu.dma_semaphore, #tpu.memory_space<semaphore_mem>>)
      %dma_wait3A = arith.constant 0 : i32
      %dma_wait3A_140 = tpu.memref_slice %arg5[%add3A_99, %dma_wait3A] : memref<20224x128xf32, #tpu.memory_space<hbm>> -> memref<64x128xf32, #tpu.memory_space<hbm>>
      %dma_wait3A_141 = arith.constant 0 : i32
      %dma_wait3A_142 = tpu.memref_slice %arg9[%add3A_97, %dma_wait3A_141] : memref<10112x128xf32, #tpu.memory_space<vmem_shared>> -> memref<64x128xf32, #tpu.memory_space<vmem_shared>>
      tpu.wait_dma2 semaphore(%run_scoped3A_136 : memref<!tpu.dma_semaphore, #tpu.memory_space<semaphore_mem>>) src(%dma_wait3A_142 : memref<64x128xf32, #tpu.memory_space<vmem_shared>>) dst(%dma_wait3A_140 : memref<64x128xf32, #tpu.memory_space<hbm>>)
      tpu.yield
    }) : () -> ()
    %mul3A_100 = arith.constant 632 : i32
    %mul3A_101 = arith.muli %arg1, %mul3A_100 : i32
    %add3A_102 = arith.constant 256 : i32
    %add3A_103 = arith.addi %mul3A_101, %add3A_102 : i32
    %add3A_104 = arith.constant 256 : i32
    %add3A_105 = arith.addi %add3A_75, %add3A_104 : i32
    "tpu.region"() ({
      %run_scoped3A_136 = tpu.sem_alloc : memref<!tpu.dma_semaphore, #tpu.memory_space<semaphore_mem>>
      %dma_start3A = arith.constant 0 : i32
      %dma_start3A_137 = tpu.memref_slice %arg5[%add3A_105, %dma_start3A] : memref<20224x128xf32, #tpu.memory_space<hbm>> -> memref<64x128xf32, #tpu.memory_space<hbm>>
      %dma_start3A_138 = arith.constant 0 : i32
      %dma_start3A_139 = tpu.memref_slice %arg9[%add3A_103, %dma_start3A_138] : memref<10112x128xf32, #tpu.memory_space<vmem_shared>> -> memref<64x128xf32, #tpu.memory_space<vmem_shared>>
      tpu.enqueue_dma source(%dma_start3A_139 : memref<64x128xf32, #tpu.memory_space<vmem_shared>>) target(%dma_start3A_137 : memref<64x128xf32, #tpu.memory_space<hbm>>) target_semaphore(%run_scoped3A_136 : memref<!tpu.dma_semaphore, #tpu.memory_space<semaphore_mem>>)
      %dma_wait3A = arith.constant 0 : i32
      %dma_wait3A_140 = tpu.memref_slice %arg5[%add3A_105, %dma_wait3A] : memref<20224x128xf32, #tpu.memory_space<hbm>> -> memref<64x128xf32, #tpu.memory_space<hbm>>
      %dma_wait3A_141 = arith.constant 0 : i32
      %dma_wait3A_142 = tpu.memref_slice %arg9[%add3A_103, %dma_wait3A_141] : memref<10112x128xf32, #tpu.memory_space<vmem_shared>> -> memref<64x128xf32, #tpu.memory_space<vmem_shared>>
      tpu.wait_dma2 semaphore(%run_scoped3A_136 : memref<!tpu.dma_semaphore, #tpu.memory_space<semaphore_mem>>) src(%dma_wait3A_142 : memref<64x128xf32, #tpu.memory_space<vmem_shared>>) dst(%dma_wait3A_140 : memref<64x128xf32, #tpu.memory_space<hbm>>)
      tpu.yield
    }) : () -> ()
    %mul3A_106 = arith.constant 632 : i32
    %mul3A_107 = arith.muli %arg1, %mul3A_106 : i32
    %add3A_108 = arith.constant 320 : i32
    %add3A_109 = arith.addi %mul3A_107, %add3A_108 : i32
    %add3A_110 = arith.constant 320 : i32
    %add3A_111 = arith.addi %add3A_75, %add3A_110 : i32
    "tpu.region"() ({
      %run_scoped3A_136 = tpu.sem_alloc : memref<!tpu.dma_semaphore, #tpu.memory_space<semaphore_mem>>
      %dma_start3A = arith.constant 0 : i32
      %dma_start3A_137 = tpu.memref_slice %arg5[%add3A_111, %dma_start3A] : memref<20224x128xf32, #tpu.memory_space<hbm>> -> memref<64x128xf32, #tpu.memory_space<hbm>>
      %dma_start3A_138 = arith.constant 0 : i32
      %dma_start3A_139 = tpu.memref_slice %arg9[%add3A_109, %dma_start3A_138] : memref<10112x128xf32, #tpu.memory_space<vmem_shared>> -> memref<64x128xf32, #tpu.memory_space<vmem_shared>>
      tpu.enqueue_dma source(%dma_start3A_139 : memref<64x128xf32, #tpu.memory_space<vmem_shared>>) target(%dma_start3A_137 : memref<64x128xf32, #tpu.memory_space<hbm>>) target_semaphore(%run_scoped3A_136 : memref<!tpu.dma_semaphore, #tpu.memory_space<semaphore_mem>>)
      %dma_wait3A = arith.constant 0 : i32
      %dma_wait3A_140 = tpu.memref_slice %arg5[%add3A_111, %dma_wait3A] : memref<20224x128xf32, #tpu.memory_space<hbm>> -> memref<64x128xf32, #tpu.memory_space<hbm>>
      %dma_wait3A_141 = arith.constant 0 : i32
      %dma_wait3A_142 = tpu.memref_slice %arg9[%add3A_109, %dma_wait3A_141] : memref<10112x128xf32, #tpu.memory_space<vmem_shared>> -> memref<64x128xf32, #tpu.memory_space<vmem_shared>>
      tpu.wait_dma2 semaphore(%run_scoped3A_136 : memref<!tpu.dma_semaphore, #tpu.memory_space<semaphore_mem>>) src(%dma_wait3A_142 : memref<64x128xf32, #tpu.memory_space<vmem_shared>>) dst(%dma_wait3A_140 : memref<64x128xf32, #tpu.memory_space<hbm>>)
      tpu.yield
    }) : () -> ()
    %mul3A_112 = arith.constant 632 : i32
    %mul3A_113 = arith.muli %arg1, %mul3A_112 : i32
    %add3A_114 = arith.constant 384 : i32
    %add3A_115 = arith.addi %mul3A_113, %add3A_114 : i32
    %add3A_116 = arith.constant 384 : i32
    %add3A_117 = arith.addi %add3A_75, %add3A_116 : i32
    "tpu.region"() ({
      %run_scoped3A_136 = tpu.sem_alloc : memref<!tpu.dma_semaphore, #tpu.memory_space<semaphore_mem>>
      %dma_start3A = arith.constant 0 : i32
      %dma_start3A_137 = tpu.memref_slice %arg5[%add3A_117, %dma_start3A] : memref<20224x128xf32, #tpu.memory_space<hbm>> -> memref<64x128xf32, #tpu.memory_space<hbm>>
      %dma_start3A_138 = arith.constant 0 : i32
      %dma_start3A_139 = tpu.memref_slice %arg9[%add3A_115, %dma_start3A_138] : memref<10112x128xf32, #tpu.memory_space<vmem_shared>> -> memref<64x128xf32, #tpu.memory_space<vmem_shared>>
      tpu.enqueue_dma source(%dma_start3A_139 : memref<64x128xf32, #tpu.memory_space<vmem_shared>>) target(%dma_start3A_137 : memref<64x128xf32, #tpu.memory_space<hbm>>) target_semaphore(%run_scoped3A_136 : memref<!tpu.dma_semaphore, #tpu.memory_space<semaphore_mem>>)
      %dma_wait3A = arith.constant 0 : i32
      %dma_wait3A_140 = tpu.memref_slice %arg5[%add3A_117, %dma_wait3A] : memref<20224x128xf32, #tpu.memory_space<hbm>> -> memref<64x128xf32, #tpu.memory_space<hbm>>
      %dma_wait3A_141 = arith.constant 0 : i32
      %dma_wait3A_142 = tpu.memref_slice %arg9[%add3A_115, %dma_wait3A_141] : memref<10112x128xf32, #tpu.memory_space<vmem_shared>> -> memref<64x128xf32, #tpu.memory_space<vmem_shared>>
      tpu.wait_dma2 semaphore(%run_scoped3A_136 : memref<!tpu.dma_semaphore, #tpu.memory_space<semaphore_mem>>) src(%dma_wait3A_142 : memref<64x128xf32, #tpu.memory_space<vmem_shared>>) dst(%dma_wait3A_140 : memref<64x128xf32, #tpu.memory_space<hbm>>)
      tpu.yield
    }) : () -> ()
    %mul3A_118 = arith.constant 632 : i32
    %mul3A_119 = arith.muli %arg1, %mul3A_118 : i32
    %add3A_120 = arith.constant 448 : i32
    %add3A_121 = arith.addi %mul3A_119, %add3A_120 : i32
    %add3A_122 = arith.constant 448 : i32
    %add3A_123 = arith.addi %add3A_75, %add3A_122 : i32
    "tpu.region"() ({
      %run_scoped3A_136 = tpu.sem_alloc : memref<!tpu.dma_semaphore, #tpu.memory_space<semaphore_mem>>
      %dma_start3A = arith.constant 0 : i32
      %dma_start3A_137 = tpu.memref_slice %arg5[%add3A_123, %dma_start3A] : memref<20224x128xf32, #tpu.memory_space<hbm>> -> memref<64x128xf32, #tpu.memory_space<hbm>>
      %dma_start3A_138 = arith.constant 0 : i32
      %dma_start3A_139 = tpu.memref_slice %arg9[%add3A_121, %dma_start3A_138] : memref<10112x128xf32, #tpu.memory_space<vmem_shared>> -> memref<64x128xf32, #tpu.memory_space<vmem_shared>>
      tpu.enqueue_dma source(%dma_start3A_139 : memref<64x128xf32, #tpu.memory_space<vmem_shared>>) target(%dma_start3A_137 : memref<64x128xf32, #tpu.memory_space<hbm>>) target_semaphore(%run_scoped3A_136 : memref<!tpu.dma_semaphore, #tpu.memory_space<semaphore_mem>>)
      %dma_wait3A = arith.constant 0 : i32
      %dma_wait3A_140 = tpu.memref_slice %arg5[%add3A_123, %dma_wait3A] : memref<20224x128xf32, #tpu.memory_space<hbm>> -> memref<64x128xf32, #tpu.memory_space<hbm>>
      %dma_wait3A_141 = arith.constant 0 : i32
      %dma_wait3A_142 = tpu.memref_slice %arg9[%add3A_121, %dma_wait3A_141] : memref<10112x128xf32, #tpu.memory_space<vmem_shared>> -> memref<64x128xf32, #tpu.memory_space<vmem_shared>>
      tpu.wait_dma2 semaphore(%run_scoped3A_136 : memref<!tpu.dma_semaphore, #tpu.memory_space<semaphore_mem>>) src(%dma_wait3A_142 : memref<64x128xf32, #tpu.memory_space<vmem_shared>>) dst(%dma_wait3A_140 : memref<64x128xf32, #tpu.memory_space<hbm>>)
      tpu.yield
    }) : () -> ()
    %mul3A_124 = arith.constant 632 : i32
    %mul3A_125 = arith.muli %arg1, %mul3A_124 : i32
    %add3A_126 = arith.constant 512 : i32
    %add3A_127 = arith.addi %mul3A_125, %add3A_126 : i32
    %add3A_128 = arith.constant 512 : i32
    %add3A_129 = arith.addi %add3A_75, %add3A_128 : i32
    "tpu.region"() ({
      %run_scoped3A_136 = tpu.sem_alloc : memref<!tpu.dma_semaphore, #tpu.memory_space<semaphore_mem>>
      %dma_start3A = arith.constant 0 : i32
      %dma_start3A_137 = tpu.memref_slice %arg5[%add3A_129, %dma_start3A] : memref<20224x128xf32, #tpu.memory_space<hbm>> -> memref<64x128xf32, #tpu.memory_space<hbm>>
      %dma_start3A_138 = arith.constant 0 : i32
      %dma_start3A_139 = tpu.memref_slice %arg9[%add3A_127, %dma_start3A_138] : memref<10112x128xf32, #tpu.memory_space<vmem_shared>> -> memref<64x128xf32, #tpu.memory_space<vmem_shared>>
      tpu.enqueue_dma source(%dma_start3A_139 : memref<64x128xf32, #tpu.memory_space<vmem_shared>>) target(%dma_start3A_137 : memref<64x128xf32, #tpu.memory_space<hbm>>) target_semaphore(%run_scoped3A_136 : memref<!tpu.dma_semaphore, #tpu.memory_space<semaphore_mem>>)
      %dma_wait3A = arith.constant 0 : i32
      %dma_wait3A_140 = tpu.memref_slice %arg5[%add3A_129, %dma_wait3A] : memref<20224x128xf32, #tpu.memory_space<hbm>> -> memref<64x128xf32, #tpu.memory_space<hbm>>
      %dma_wait3A_141 = arith.constant 0 : i32
      %dma_wait3A_142 = tpu.memref_slice %arg9[%add3A_127, %dma_wait3A_141] : memref<10112x128xf32, #tpu.memory_space<vmem_shared>> -> memref<64x128xf32, #tpu.memory_space<vmem_shared>>
      tpu.wait_dma2 semaphore(%run_scoped3A_136 : memref<!tpu.dma_semaphore, #tpu.memory_space<semaphore_mem>>) src(%dma_wait3A_142 : memref<64x128xf32, #tpu.memory_space<vmem_shared>>) dst(%dma_wait3A_140 : memref<64x128xf32, #tpu.memory_space<hbm>>)
      tpu.yield
    }) : () -> ()
    %mul3A_130 = arith.constant 632 : i32
    %mul3A_131 = arith.muli %arg1, %mul3A_130 : i32
    %add3A_132 = arith.constant 576 : i32
    %add3A_133 = arith.addi %mul3A_131, %add3A_132 : i32
    %add3A_134 = arith.constant 576 : i32
    %add3A_135 = arith.addi %add3A_75, %add3A_134 : i32
    "tpu.region"() ({
      %run_scoped3A_136 = tpu.sem_alloc : memref<!tpu.dma_semaphore, #tpu.memory_space<semaphore_mem>>
      %dma_start3A = arith.constant 0 : i32
      %dma_start3A_137 = tpu.memref_slice %arg5[%add3A_135, %dma_start3A] : memref<20224x128xf32, #tpu.memory_space<hbm>> -> memref<56x128xf32, #tpu.memory_space<hbm>>
      %dma_start3A_138 = arith.constant 0 : i32
      %dma_start3A_139 = tpu.memref_slice %arg9[%add3A_133, %dma_start3A_138] : memref<10112x128xf32, #tpu.memory_space<vmem_shared>> -> memref<56x128xf32, #tpu.memory_space<vmem_shared>>
      tpu.enqueue_dma source(%dma_start3A_139 : memref<56x128xf32, #tpu.memory_space<vmem_shared>>) target(%dma_start3A_137 : memref<56x128xf32, #tpu.memory_space<hbm>>) target_semaphore(%run_scoped3A_136 : memref<!tpu.dma_semaphore, #tpu.memory_space<semaphore_mem>>)
      %dma_wait3A = arith.constant 0 : i32
      %dma_wait3A_140 = tpu.memref_slice %arg5[%add3A_135, %dma_wait3A] : memref<20224x128xf32, #tpu.memory_space<hbm>> -> memref<56x128xf32, #tpu.memory_space<hbm>>
      %dma_wait3A_141 = arith.constant 0 : i32
      %dma_wait3A_142 = tpu.memref_slice %arg9[%add3A_133, %dma_wait3A_141] : memref<10112x128xf32, #tpu.memory_space<vmem_shared>> -> memref<56x128xf32, #tpu.memory_space<vmem_shared>>
      tpu.wait_dma2 semaphore(%run_scoped3A_136 : memref<!tpu.dma_semaphore, #tpu.memory_space<semaphore_mem>>) src(%dma_wait3A_142 : memref<56x128xf32, #tpu.memory_space<vmem_shared>>) dst(%dma_wait3A_140 : memref<56x128xf32, #tpu.memory_space<hbm>>)
      tpu.yield
    }) : () -> ()
    return
  }
}

#map = affine_map<(d0, d1) -> (0, 0)>
module attributes {stable_mosaic.version = 14 : i64} {
  func.func @sc_scatter(%arg0: i32, %arg1: i32, %arg2: memref<20224x128xf32, #tpu.memory_space<hbm>>, %arg3: memref<10240x64xi32, #tpu.memory_space<hbm>>, %arg4: memref<10240x64xi32, #tpu.memory_space<hbm>>, %arg5: memref<20224x128xf32, #tpu.memory_space<hbm>>, %arg6: memref<2x32x64xi32, #tpu.memory_space<vmem>>, %arg7: memref<2x32x64xi32, #tpu.memory_space<vmem>>, %arg8: memref<4x64x128xf32, #tpu.memory_space<vmem>>, %arg9: memref<10112x128xf32, #tpu.memory_space<vmem_shared>>, %arg10: memref<!tpu.dma_semaphore, #tpu.memory_space<semaphore_mem>>, %arg11: memref<!tpu.dma_semaphore, #tpu.memory_space<semaphore_mem>>) attributes {dimension_semantics = [#tpu.dimension_semantics<core_parallel>, #tpu.dimension_semantics<subcore_parallel>], iteration_bounds = array<i64: 2, 16>, scalar_prefetch = 0 : i64, scratch_operands = 6 : i64, tpu.core_type = #tpu.core_type<sc_vector_subcore>, window_params = [{transform_indices = #map}, {transform_indices = #map}, {transform_indices = #map}, {transform_indices = #map}]} {
    %mul3A = arith.constant 16 : i32
    %mul3A_0 = arith.muli %arg0, %mul3A : i32
    %add3A = arith.addi %mul3A_0, %arg1 : i32
    %scan3A = arith.constant 0 : i32
    %scan3A_1 = arith.constant 0 : i32
    %scan3A_2 = arith.constant 0 : i32
    %scan3A_3 = arith.constant 64 : i32
    %scan3A_4 = arith.addi %scan3A_2, %scan3A_3 : i32
    %scan3A_5 = arith.constant 1 : i32
    %scan3A_6 = scf.for %scan3A_136 = %scan3A_2 to %scan3A_4 step %scan3A_5 iter_args(%scan3A_137 = %scan3A_1) -> (i32)  : i32 {
      %broadcast_in_dim3A = arith.constant 0.000000e+00 : f32
      %broadcast_in_dim3A_138 = vector.broadcast %broadcast_in_dim3A : f32 to vector<16xf32>
      %swap3A = arith.constant 0 : i32
      %swap3A_139 = arith.constant 0 : i32
      %swap3A_140 = tpu.memref_slice %arg8[%scan3A, %swap3A, %swap3A_139] : memref<4x64x128xf32, #tpu.memory_space<vmem>> -> memref<1x64x128xf32, #tpu.memory_space<vmem>>
      %swap3A_141 = tpu.memref_squeeze %swap3A_140 : memref<1x64x128xf32, #tpu.memory_space<vmem>> -> memref<64x128xf32, #tpu.memory_space<vmem>>
      %swap3A_142 = arith.index_cast %scan3A_136 : i32 to index
      %swap3A_143 = arith.constant 0 : index
      %swap3A_144 = tpu.vector_load %swap3A_141[%swap3A_142, %swap3A_143] {strides = array<i32>} : memref<64x128xf32, #tpu.memory_space<vmem>>, vector<1x16xf32>,
      %swap3A_145 = vector.shape_cast %swap3A_144 : vector<1x16xf32> to vector<16xf32>
      %swap3A_146 = vector.shape_cast %broadcast_in_dim3A_138 : vector<16xf32> to vector<1x16xf32>
      tpu.vector_store %swap3A_141[%swap3A_142, %swap3A_143], %swap3A_146 {strides = array<i32>} : memref<64x128xf32, #tpu.memory_space<vmem>>, vector<1x16xf32>,
      %broadcast_in_dim3A_147 = arith.constant 0.000000e+00 : f32
      %broadcast_in_dim3A_148 = vector.broadcast %broadcast_in_dim3A_147 : f32 to vector<16xf32>
      %swap3A_149 = arith.constant 0 : i32
      %swap3A_150 = arith.constant 0 : i32
      %swap3A_151 = tpu.memref_slice %arg8[%scan3A, %swap3A_149, %swap3A_150] : memref<4x64x128xf32, #tpu.memory_space<vmem>> -> memref<1x64x128xf32, #tpu.memory_space<vmem>>
      %swap3A_152 = tpu.memref_squeeze %swap3A_151 : memref<1x64x128xf32, #tpu.memory_space<vmem>> -> memref<64x128xf32, #tpu.memory_space<vmem>>
      %swap3A_153 = arith.index_cast %scan3A_136 : i32 to index
      %swap3A_154 = arith.constant 16 : index
      %swap3A_155 = tpu.vector_load %swap3A_152[%swap3A_153, %swap3A_154] {strides = array<i32>} : memref<64x128xf32, #tpu.memory_space<vmem>>, vector<1x16xf32>,
      %swap3A_156 = vector.shape_cast %swap3A_155 : vector<1x16xf32> to vector<16xf32>
      %swap3A_157 = vector.shape_cast %broadcast_in_dim3A_148 : vector<16xf32> to vector<1x16xf32>
      tpu.vector_store %swap3A_152[%swap3A_153, %swap3A_154], %swap3A_157 {strides = array<i32>} : memref<64x128xf32, #tpu.memory_space<vmem>>, vector<1x16xf32>,
      %broadcast_in_dim3A_158 = arith.constant 0.000000e+00 : f32
      %broadcast_in_dim3A_159 = vector.broadcast %broadcast_in_dim3A_158 : f32 to vector<16xf32>
      %swap3A_160 = arith.constant 0 : i32
      %swap3A_161 = arith.constant 0 : i32
      %swap3A_162 = tpu.memref_slice %arg8[%scan3A, %swap3A_160, %swap3A_161] : memref<4x64x128xf32, #tpu.memory_space<vmem>> -> memref<1x64x128xf32, #tpu.memory_space<vmem>>
      %swap3A_163 = tpu.memref_squeeze %swap3A_162 : memref<1x64x128xf32, #tpu.memory_space<vmem>> -> memref<64x128xf32, #tpu.memory_space<vmem>>
      %swap3A_164 = arith.index_cast %scan3A_136 : i32 to index
      %swap3A_165 = arith.constant 32 : index
      %swap3A_166 = tpu.vector_load %swap3A_163[%swap3A_164, %swap3A_165] {strides = array<i32>} : memref<64x128xf32, #tpu.memory_space<vmem>>, vector<1x16xf32>,
      %swap3A_167 = vector.shape_cast %swap3A_166 : vector<1x16xf32> to vector<16xf32>
      %swap3A_168 = vector.shape_cast %broadcast_in_dim3A_159 : vector<16xf32> to vector<1x16xf32>
      tpu.vector_store %swap3A_163[%swap3A_164, %swap3A_165], %swap3A_168 {strides = array<i32>} : memref<64x128xf32, #tpu.memory_space<vmem>>, vector<1x16xf32>,
      %broadcast_in_dim3A_169 = arith.constant 0.000000e+00 : f32
      %broadcast_in_dim3A_170 = vector.broadcast %broadcast_in_dim3A_169 : f32 to vector<16xf32>
      %swap3A_171 = arith.constant 0 : i32
      %swap3A_172 = arith.constant 0 : i32
      %swap3A_173 = tpu.memref_slice %arg8[%scan3A, %swap3A_171, %swap3A_172] : memref<4x64x128xf32, #tpu.memory_space<vmem>> -> memref<1x64x128xf32, #tpu.memory_space<vmem>>
      %swap3A_174 = tpu.memref_squeeze %swap3A_173 : memref<1x64x128xf32, #tpu.memory_space<vmem>> -> memref<64x128xf32, #tpu.memory_space<vmem>>
      %swap3A_175 = arith.index_cast %scan3A_136 : i32 to index
      %swap3A_176 = arith.constant 48 : index
      %swap3A_177 = tpu.vector_load %swap3A_174[%swap3A_175, %swap3A_176] {strides = array<i32>} : memref<64x128xf32, #tpu.memory_space<vmem>>, vector<1x16xf32>,
      %swap3A_178 = vector.shape_cast %swap3A_177 : vector<1x16xf32> to vector<16xf32>
      %swap3A_179 = vector.shape_cast %broadcast_in_dim3A_170 : vector<16xf32> to vector<1x16xf32>
      tpu.vector_store %swap3A_174[%swap3A_175, %swap3A_176], %swap3A_179 {strides = array<i32>} : memref<64x128xf32, #tpu.memory_space<vmem>>, vector<1x16xf32>,
      %broadcast_in_dim3A_180 = arith.constant 0.000000e+00 : f32
      %broadcast_in_dim3A_181 = vector.broadcast %broadcast_in_dim3A_180 : f32 to vector<16xf32>
      %swap3A_182 = arith.constant 0 : i32
      %swap3A_183 = arith.constant 0 : i32
      %swap3A_184 = tpu.memref_slice %arg8[%scan3A, %swap3A_182, %swap3A_183] : memref<4x64x128xf32, #tpu.memory_space<vmem>> -> memref<1x64x128xf32, #tpu.memory_space<vmem>>
      %swap3A_185 = tpu.memref_squeeze %swap3A_184 : memref<1x64x128xf32, #tpu.memory_space<vmem>> -> memref<64x128xf32, #tpu.memory_space<vmem>>
      %swap3A_186 = arith.index_cast %scan3A_136 : i32 to index
      %swap3A_187 = arith.constant 64 : index
      %swap3A_188 = tpu.vector_load %swap3A_185[%swap3A_186, %swap3A_187] {strides = array<i32>} : memref<64x128xf32, #tpu.memory_space<vmem>>, vector<1x16xf32>,
      %swap3A_189 = vector.shape_cast %swap3A_188 : vector<1x16xf32> to vector<16xf32>
      %swap3A_190 = vector.shape_cast %broadcast_in_dim3A_181 : vector<16xf32> to vector<1x16xf32>
      tpu.vector_store %swap3A_185[%swap3A_186, %swap3A_187], %swap3A_190 {strides = array<i32>} : memref<64x128xf32, #tpu.memory_space<vmem>>, vector<1x16xf32>,
      %broadcast_in_dim3A_191 = arith.constant 0.000000e+00 : f32
      %broadcast_in_dim3A_192 = vector.broadcast %broadcast_in_dim3A_191 : f32 to vector<16xf32>
      %swap3A_193 = arith.constant 0 : i32
      %swap3A_194 = arith.constant 0 : i32
      %swap3A_195 = tpu.memref_slice %arg8[%scan3A, %swap3A_193, %swap3A_194] : memref<4x64x128xf32, #tpu.memory_space<vmem>> -> memref<1x64x128xf32, #tpu.memory_space<vmem>>
      %swap3A_196 = tpu.memref_squeeze %swap3A_195 : memref<1x64x128xf32, #tpu.memory_space<vmem>> -> memref<64x128xf32, #tpu.memory_space<vmem>>
      %swap3A_197 = arith.index_cast %scan3A_136 : i32 to index
      %swap3A_198 = arith.constant 80 : index
      %swap3A_199 = tpu.vector_load %swap3A_196[%swap3A_197, %swap3A_198] {strides = array<i32>} : memref<64x128xf32, #tpu.memory_space<vmem>>, vector<1x16xf32>,
      %swap3A_200 = vector.shape_cast %swap3A_199 : vector<1x16xf32> to vector<16xf32>
      %swap3A_201 = vector.shape_cast %broadcast_in_dim3A_192 : vector<16xf32> to vector<1x16xf32>
      tpu.vector_store %swap3A_196[%swap3A_197, %swap3A_198], %swap3A_201 {strides = array<i32>} : memref<64x128xf32, #tpu.memory_space<vmem>>, vector<1x16xf32>,
      %broadcast_in_dim3A_202 = arith.constant 0.000000e+00 : f32
      %broadcast_in_dim3A_203 = vector.broadcast %broadcast_in_dim3A_202 : f32 to vector<16xf32>
      %swap3A_204 = arith.constant 0 : i32
      %swap3A_205 = arith.constant 0 : i32
      %swap3A_206 = tpu.memref_slice %arg8[%scan3A, %swap3A_204, %swap3A_205] : memref<4x64x128xf32, #tpu.memory_space<vmem>> -> memref<1x64x128xf32, #tpu.memory_space<vmem>>
      %swap3A_207 = tpu.memref_squeeze %swap3A_206 : memref<1x64x128xf32, #tpu.memory_space<vmem>> -> memref<64x128xf32, #tpu.memory_space<vmem>>
      %swap3A_208 = arith.index_cast %scan3A_136 : i32 to index
      %swap3A_209 = arith.constant 96 : index
      %swap3A_210 = tpu.vector_load %swap3A_207[%swap3A_208, %swap3A_209] {strides = array<i32>} : memref<64x128xf32, #tpu.memory_space<vmem>>, vector<1x16xf32>,
      %swap3A_211 = vector.shape_cast %swap3A_210 : vector<1x16xf32> to vector<16xf32>
      %swap3A_212 = vector.shape_cast %broadcast_in_dim3A_203 : vector<16xf32> to vector<1x16xf32>
      tpu.vector_store %swap3A_207[%swap3A_208, %swap3A_209], %swap3A_212 {strides = array<i32>} : memref<64x128xf32, #tpu.memory_space<vmem>>, vector<1x16xf32>,
      %broadcast_in_dim3A_213 = arith.constant 0.000000e+00 : f32
      %broadcast_in_dim3A_214 = vector.broadcast %broadcast_in_dim3A_213 : f32 to vector<16xf32>
      %swap3A_215 = arith.constant 0 : i32
      %swap3A_216 = arith.constant 0 : i32
      %swap3A_217 = tpu.memref_slice %arg8[%scan3A, %swap3A_215, %swap3A_216] : memref<4x64x128xf32, #tpu.memory_space<vmem>> -> memref<1x64x128xf32, #tpu.memory_space<vmem>>
      %swap3A_218 = tpu.memref_squeeze %swap3A_217 : memref<1x64x128xf32, #tpu.memory_space<vmem>> -> memref<64x128xf32, #tpu.memory_space<vmem>>
      %swap3A_219 = arith.index_cast %scan3A_136 : i32 to index
      %swap3A_220 = arith.constant 112 : index
      %swap3A_221 = tpu.vector_load %swap3A_218[%swap3A_219, %swap3A_220] {strides = array<i32>} : memref<64x128xf32, #tpu.memory_space<vmem>>, vector<1x16xf32>,
      %swap3A_222 = vector.shape_cast %swap3A_221 : vector<1x16xf32> to vector<16xf32>
      %swap3A_223 = vector.shape_cast %broadcast_in_dim3A_214 : vector<16xf32> to vector<1x16xf32>
      tpu.vector_store %swap3A_218[%swap3A_219, %swap3A_220], %swap3A_223 {strides = array<i32>} : memref<64x128xf32, #tpu.memory_space<vmem>>, vector<1x16xf32>,
      %scan3A_224 = arith.constant 0 : i32
      scf.yield %scan3A_224 : i32
    }
    %scan3A_7 = arith.constant 64 : i32
    %mul3A_8 = arith.constant 632 : i32
    %mul3A_9 = arith.muli %arg1, %mul3A_8 : i32
    %add3A_10 = arith.constant 0 : i32
    %add3A_11 = arith.addi %mul3A_9, %add3A_10 : i32
    %run_scoped3A = arith.constant 0 : i32
    "tpu.region"() ({
      %run_scoped3A_136 = tpu.sem_alloc : memref<!tpu.dma_semaphore, #tpu.memory_space<semaphore_mem>>
      %dma_start3A = arith.constant 0 : i32
      %dma_start3A_137 = arith.constant 0 : i32
      %dma_start3A_138 = tpu.memref_slice %arg8[%run_scoped3A, %dma_start3A, %dma_start3A_137] : memref<4x64x128xf32, #tpu.memory_space<vmem>> -> memref<1x64x128xf32, #tpu.memory_space<vmem>>
      %dma_start3A_139 = tpu.memref_squeeze %dma_start3A_138 : memref<1x64x128xf32, #tpu.memory_space<vmem>> -> memref<64x128xf32, #tpu.memory_space<vmem>>
      %dma_start3A_140 = arith.constant 0 : i32
      %dma_start3A_141 = tpu.memref_slice %arg9[%add3A_11, %dma_start3A_140] : memref<10112x128xf32, #tpu.memory_space<vmem_shared>> -> memref<64x128xf32, #tpu.memory_space<vmem_shared>>
      %dma_start3A_142 = arith.constant 0 : i32
      %dma_start3A_143 = tpu.memref_slice %arg9[%add3A_11, %dma_start3A_142] : memref<10112x128xf32, #tpu.memory_space<vmem_shared>> -> memref<64x128xf32, #tpu.memory_space<vmem_shared>>
      %dma_start3A_144 = arith.constant 0 : i32
      %dma_start3A_145 = arith.constant 0 : i32
      %dma_start3A_146 = tpu.memref_slice %arg8[%run_scoped3A, %dma_start3A_144, %dma_start3A_145] : memref<4x64x128xf32, #tpu.memory_space<vmem>> -> memref<1x64x128xf32, #tpu.memory_space<vmem>>
      %dma_start3A_147 = tpu.memref_squeeze %dma_start3A_146 : memref<1x64x128xf32, #tpu.memory_space<vmem>> -> memref<64x128xf32, #tpu.memory_space<vmem>>
      tpu.enqueue_dma source(%dma_start3A_147 : memref<64x128xf32, #tpu.memory_space<vmem>>) target(%dma_start3A_143 : memref<64x128xf32, #tpu.memory_space<vmem_shared>>) target_semaphore(%run_scoped3A_136 : memref<!tpu.dma_semaphore, #tpu.memory_space<semaphore_mem>>)
      %dma_wait3A = arith.constant 0 : i32
      %dma_wait3A_148 = arith.constant 0 : i32
      %dma_wait3A_149 = tpu.memref_slice %arg8[%run_scoped3A, %dma_wait3A, %dma_wait3A_148] : memref<4x64x128xf32, #tpu.memory_space<vmem>> -> memref<1x64x128xf32, #tpu.memory_space<vmem>>
      %dma_wait3A_150 = tpu.memref_squeeze %dma_wait3A_149 : memref<1x64x128xf32, #tpu.memory_space<vmem>> -> memref<64x128xf32, #tpu.memory_space<vmem>>
      %dma_wait3A_151 = arith.constant 0 : i32
      %dma_wait3A_152 = tpu.memref_slice %arg9[%add3A_11, %dma_wait3A_151] : memref<10112x128xf32, #tpu.memory_space<vmem_shared>> -> memref<64x128xf32, #tpu.memory_space<vmem_shared>>
      %dma_wait3A_153 = arith.constant 0 : i32
      %dma_wait3A_154 = tpu.memref_slice %arg9[%add3A_11, %dma_wait3A_153] : memref<10112x128xf32, #tpu.memory_space<vmem_shared>> -> memref<64x128xf32, #tpu.memory_space<vmem_shared>>
      %dma_wait3A_155 = arith.constant 0 : i32
      %dma_wait3A_156 = arith.constant 0 : i32
      %dma_wait3A_157 = tpu.memref_slice %arg8[%run_scoped3A, %dma_wait3A_155, %dma_wait3A_156] : memref<4x64x128xf32, #tpu.memory_space<vmem>> -> memref<1x64x128xf32, #tpu.memory_space<vmem>>
      %dma_wait3A_158 = tpu.memref_squeeze %dma_wait3A_157 : memref<1x64x128xf32, #tpu.memory_space<vmem>> -> memref<64x128xf32, #tpu.memory_space<vmem>>
      tpu.wait_dma2 semaphore(%run_scoped3A_136 : memref<!tpu.dma_semaphore, #tpu.memory_space<semaphore_mem>>) src(%dma_wait3A_158 : memref<64x128xf32, #tpu.memory_space<vmem>>) dst(%dma_wait3A_154 : memref<64x128xf32, #tpu.memory_space<vmem_shared>>)
      tpu.yield
    }) : () -> ()
    %mul3A_12 = arith.constant 632 : i32
    %mul3A_13 = arith.muli %arg1, %mul3A_12 : i32
    %add3A_14 = arith.constant 64 : i32
    %add3A_15 = arith.addi %mul3A_13, %add3A_14 : i32
    %run_scoped3A_16 = arith.constant 0 : i32
    "tpu.region"() ({
      %run_scoped3A_136 = tpu.sem_alloc : memref<!tpu.dma_semaphore, #tpu.memory_space<semaphore_mem>>
      %dma_start3A = arith.constant 0 : i32
      %dma_start3A_137 = arith.constant 0 : i32
      %dma_start3A_138 = tpu.memref_slice %arg8[%run_scoped3A_16, %dma_start3A, %dma_start3A_137] : memref<4x64x128xf32, #tpu.memory_space<vmem>> -> memref<1x64x128xf32, #tpu.memory_space<vmem>>
      %dma_start3A_139 = tpu.memref_squeeze %dma_start3A_138 : memref<1x64x128xf32, #tpu.memory_space<vmem>> -> memref<64x128xf32, #tpu.memory_space<vmem>>
      %dma_start3A_140 = arith.constant 0 : i32
      %dma_start3A_141 = tpu.memref_slice %arg9[%add3A_15, %dma_start3A_140] : memref<10112x128xf32, #tpu.memory_space<vmem_shared>> -> memref<64x128xf32, #tpu.memory_space<vmem_shared>>
      %dma_start3A_142 = arith.constant 0 : i32
      %dma_start3A_143 = tpu.memref_slice %arg9[%add3A_15, %dma_start3A_142] : memref<10112x128xf32, #tpu.memory_space<vmem_shared>> -> memref<64x128xf32, #tpu.memory_space<vmem_shared>>
      %dma_start3A_144 = arith.constant 0 : i32
      %dma_start3A_145 = arith.constant 0 : i32
      %dma_start3A_146 = tpu.memref_slice %arg8[%run_scoped3A_16, %dma_start3A_144, %dma_start3A_145] : memref<4x64x128xf32, #tpu.memory_space<vmem>> -> memref<1x64x128xf32, #tpu.memory_space<vmem>>
      %dma_start3A_147 = tpu.memref_squeeze %dma_start3A_146 : memref<1x64x128xf32, #tpu.memory_space<vmem>> -> memref<64x128xf32, #tpu.memory_space<vmem>>
      tpu.enqueue_dma source(%dma_start3A_147 : memref<64x128xf32, #tpu.memory_space<vmem>>) target(%dma_start3A_143 : memref<64x128xf32, #tpu.memory_space<vmem_shared>>) target_semaphore(%run_scoped3A_136 : memref<!tpu.dma_semaphore, #tpu.memory_space<semaphore_mem>>)
      %dma_wait3A = arith.constant 0 : i32
      %dma_wait3A_148 = arith.constant 0 : i32
      %dma_wait3A_149 = tpu.memref_slice %arg8[%run_scoped3A_16, %dma_wait3A, %dma_wait3A_148] : memref<4x64x128xf32, #tpu.memory_space<vmem>> -> memref<1x64x128xf32, #tpu.memory_space<vmem>>
      %dma_wait3A_150 = tpu.memref_squeeze %dma_wait3A_149 : memref<1x64x128xf32, #tpu.memory_space<vmem>> -> memref<64x128xf32, #tpu.memory_space<vmem>>
      %dma_wait3A_151 = arith.constant 0 : i32
      %dma_wait3A_152 = tpu.memref_slice %arg9[%add3A_15, %dma_wait3A_151] : memref<10112x128xf32, #tpu.memory_space<vmem_shared>> -> memref<64x128xf32, #tpu.memory_space<vmem_shared>>
      %dma_wait3A_153 = arith.constant 0 : i32
      %dma_wait3A_154 = tpu.memref_slice %arg9[%add3A_15, %dma_wait3A_153] : memref<10112x128xf32, #tpu.memory_space<vmem_shared>> -> memref<64x128xf32, #tpu.memory_space<vmem_shared>>
      %dma_wait3A_155 = arith.constant 0 : i32
      %dma_wait3A_156 = arith.constant 0 : i32
      %dma_wait3A_157 = tpu.memref_slice %arg8[%run_scoped3A_16, %dma_wait3A_155, %dma_wait3A_156] : memref<4x64x128xf32, #tpu.memory_space<vmem>> -> memref<1x64x128xf32, #tpu.memory_space<vmem>>
      %dma_wait3A_158 = tpu.memref_squeeze %dma_wait3A_157 : memref<1x64x128xf32, #tpu.memory_space<vmem>> -> memref<64x128xf32, #tpu.memory_space<vmem>>
      tpu.wait_dma2 semaphore(%run_scoped3A_136 : memref<!tpu.dma_semaphore, #tpu.memory_space<semaphore_mem>>) src(%dma_wait3A_158 : memref<64x128xf32, #tpu.memory_space<vmem>>) dst(%dma_wait3A_154 : memref<64x128xf32, #tpu.memory_space<vmem_shared>>)
      tpu.yield
    }) : () -> ()
    %mul3A_17 = arith.constant 632 : i32
    %mul3A_18 = arith.muli %arg1, %mul3A_17 : i32
    %add3A_19 = arith.constant 128 : i32
    %add3A_20 = arith.addi %mul3A_18, %add3A_19 : i32
    %run_scoped3A_21 = arith.constant 0 : i32
    "tpu.region"() ({
      %run_scoped3A_136 = tpu.sem_alloc : memref<!tpu.dma_semaphore, #tpu.memory_space<semaphore_mem>>
      %dma_start3A = arith.constant 0 : i32
      %dma_start3A_137 = arith.constant 0 : i32
      %dma_start3A_138 = tpu.memref_slice %arg8[%run_scoped3A_21, %dma_start3A, %dma_start3A_137] : memref<4x64x128xf32, #tpu.memory_space<vmem>> -> memref<1x64x128xf32, #tpu.memory_space<vmem>>
      %dma_start3A_139 = tpu.memref_squeeze %dma_start3A_138 : memref<1x64x128xf32, #tpu.memory_space<vmem>> -> memref<64x128xf32, #tpu.memory_space<vmem>>
      %dma_start3A_140 = arith.constant 0 : i32
      %dma_start3A_141 = tpu.memref_slice %arg9[%add3A_20, %dma_start3A_140] : memref<10112x128xf32, #tpu.memory_space<vmem_shared>> -> memref<64x128xf32, #tpu.memory_space<vmem_shared>>
      %dma_start3A_142 = arith.constant 0 : i32
      %dma_start3A_143 = tpu.memref_slice %arg9[%add3A_20, %dma_start3A_142] : memref<10112x128xf32, #tpu.memory_space<vmem_shared>> -> memref<64x128xf32, #tpu.memory_space<vmem_shared>>
      %dma_start3A_144 = arith.constant 0 : i32
      %dma_start3A_145 = arith.constant 0 : i32
      %dma_start3A_146 = tpu.memref_slice %arg8[%run_scoped3A_21, %dma_start3A_144, %dma_start3A_145] : memref<4x64x128xf32, #tpu.memory_space<vmem>> -> memref<1x64x128xf32, #tpu.memory_space<vmem>>
      %dma_start3A_147 = tpu.memref_squeeze %dma_start3A_146 : memref<1x64x128xf32, #tpu.memory_space<vmem>> -> memref<64x128xf32, #tpu.memory_space<vmem>>
      tpu.enqueue_dma source(%dma_start3A_147 : memref<64x128xf32, #tpu.memory_space<vmem>>) target(%dma_start3A_143 : memref<64x128xf32, #tpu.memory_space<vmem_shared>>) target_semaphore(%run_scoped3A_136 : memref<!tpu.dma_semaphore, #tpu.memory_space<semaphore_mem>>)
      %dma_wait3A = arith.constant 0 : i32
      %dma_wait3A_148 = arith.constant 0 : i32
      %dma_wait3A_149 = tpu.memref_slice %arg8[%run_scoped3A_21, %dma_wait3A, %dma_wait3A_148] : memref<4x64x128xf32, #tpu.memory_space<vmem>> -> memref<1x64x128xf32, #tpu.memory_space<vmem>>
      %dma_wait3A_150 = tpu.memref_squeeze %dma_wait3A_149 : memref<1x64x128xf32, #tpu.memory_space<vmem>> -> memref<64x128xf32, #tpu.memory_space<vmem>>
      %dma_wait3A_151 = arith.constant 0 : i32
      %dma_wait3A_152 = tpu.memref_slice %arg9[%add3A_20, %dma_wait3A_151] : memref<10112x128xf32, #tpu.memory_space<vmem_shared>> -> memref<64x128xf32, #tpu.memory_space<vmem_shared>>
      %dma_wait3A_153 = arith.constant 0 : i32
      %dma_wait3A_154 = tpu.memref_slice %arg9[%add3A_20, %dma_wait3A_153] : memref<10112x128xf32, #tpu.memory_space<vmem_shared>> -> memref<64x128xf32, #tpu.memory_space<vmem_shared>>
      %dma_wait3A_155 = arith.constant 0 : i32
      %dma_wait3A_156 = arith.constant 0 : i32
      %dma_wait3A_157 = tpu.memref_slice %arg8[%run_scoped3A_21, %dma_wait3A_155, %dma_wait3A_156] : memref<4x64x128xf32, #tpu.memory_space<vmem>> -> memref<1x64x128xf32, #tpu.memory_space<vmem>>
      %dma_wait3A_158 = tpu.memref_squeeze %dma_wait3A_157 : memref<1x64x128xf32, #tpu.memory_space<vmem>> -> memref<64x128xf32, #tpu.memory_space<vmem>>
      tpu.wait_dma2 semaphore(%run_scoped3A_136 : memref<!tpu.dma_semaphore, #tpu.memory_space<semaphore_mem>>) src(%dma_wait3A_158 : memref<64x128xf32, #tpu.memory_space<vmem>>) dst(%dma_wait3A_154 : memref<64x128xf32, #tpu.memory_space<vmem_shared>>)
      tpu.yield
    }) : () -> ()
    %mul3A_22 = arith.constant 632 : i32
    %mul3A_23 = arith.muli %arg1, %mul3A_22 : i32
    %add3A_24 = arith.constant 192 : i32
    %add3A_25 = arith.addi %mul3A_23, %add3A_24 : i32
    %run_scoped3A_26 = arith.constant 0 : i32
    "tpu.region"() ({
      %run_scoped3A_136 = tpu.sem_alloc : memref<!tpu.dma_semaphore, #tpu.memory_space<semaphore_mem>>
      %dma_start3A = arith.constant 0 : i32
      %dma_start3A_137 = arith.constant 0 : i32
      %dma_start3A_138 = tpu.memref_slice %arg8[%run_scoped3A_26, %dma_start3A, %dma_start3A_137] : memref<4x64x128xf32, #tpu.memory_space<vmem>> -> memref<1x64x128xf32, #tpu.memory_space<vmem>>
      %dma_start3A_139 = tpu.memref_squeeze %dma_start3A_138 : memref<1x64x128xf32, #tpu.memory_space<vmem>> -> memref<64x128xf32, #tpu.memory_space<vmem>>
      %dma_start3A_140 = arith.constant 0 : i32
      %dma_start3A_141 = tpu.memref_slice %arg9[%add3A_25, %dma_start3A_140] : memref<10112x128xf32, #tpu.memory_space<vmem_shared>> -> memref<64x128xf32, #tpu.memory_space<vmem_shared>>
      %dma_start3A_142 = arith.constant 0 : i32
      %dma_start3A_143 = tpu.memref_slice %arg9[%add3A_25, %dma_start3A_142] : memref<10112x128xf32, #tpu.memory_space<vmem_shared>> -> memref<64x128xf32, #tpu.memory_space<vmem_shared>>
      %dma_start3A_144 = arith.constant 0 : i32
      %dma_start3A_145 = arith.constant 0 : i32
      %dma_start3A_146 = tpu.memref_slice %arg8[%run_scoped3A_26, %dma_start3A_144, %dma_start3A_145] : memref<4x64x128xf32, #tpu.memory_space<vmem>> -> memref<1x64x128xf32, #tpu.memory_space<vmem>>
      %dma_start3A_147 = tpu.memref_squeeze %dma_start3A_146 : memref<1x64x128xf32, #tpu.memory_space<vmem>> -> memref<64x128xf32, #tpu.memory_space<vmem>>
      tpu.enqueue_dma source(%dma_start3A_147 : memref<64x128xf32, #tpu.memory_space<vmem>>) target(%dma_start3A_143 : memref<64x128xf32, #tpu.memory_space<vmem_shared>>) target_semaphore(%run_scoped3A_136 : memref<!tpu.dma_semaphore, #tpu.memory_space<semaphore_mem>>)
      %dma_wait3A = arith.constant 0 : i32
      %dma_wait3A_148 = arith.constant 0 : i32
      %dma_wait3A_149 = tpu.memref_slice %arg8[%run_scoped3A_26, %dma_wait3A, %dma_wait3A_148] : memref<4x64x128xf32, #tpu.memory_space<vmem>> -> memref<1x64x128xf32, #tpu.memory_space<vmem>>
      %dma_wait3A_150 = tpu.memref_squeeze %dma_wait3A_149 : memref<1x64x128xf32, #tpu.memory_space<vmem>> -> memref<64x128xf32, #tpu.memory_space<vmem>>
      %dma_wait3A_151 = arith.constant 0 : i32
      %dma_wait3A_152 = tpu.memref_slice %arg9[%add3A_25, %dma_wait3A_151] : memref<10112x128xf32, #tpu.memory_space<vmem_shared>> -> memref<64x128xf32, #tpu.memory_space<vmem_shared>>
      %dma_wait3A_153 = arith.constant 0 : i32
      %dma_wait3A_154 = tpu.memref_slice %arg9[%add3A_25, %dma_wait3A_153] : memref<10112x128xf32, #tpu.memory_space<vmem_shared>> -> memref<64x128xf32, #tpu.memory_space<vmem_shared>>
      %dma_wait3A_155 = arith.constant 0 : i32
      %dma_wait3A_156 = arith.constant 0 : i32
      %dma_wait3A_157 = tpu.memref_slice %arg8[%run_scoped3A_26, %dma_wait3A_155, %dma_wait3A_156] : memref<4x64x128xf32, #tpu.memory_space<vmem>> -> memref<1x64x128xf32, #tpu.memory_space<vmem>>
      %dma_wait3A_158 = tpu.memref_squeeze %dma_wait3A_157 : memref<1x64x128xf32, #tpu.memory_space<vmem>> -> memref<64x128xf32, #tpu.memory_space<vmem>>
      tpu.wait_dma2 semaphore(%run_scoped3A_136 : memref<!tpu.dma_semaphore, #tpu.memory_space<semaphore_mem>>) src(%dma_wait3A_158 : memref<64x128xf32, #tpu.memory_space<vmem>>) dst(%dma_wait3A_154 : memref<64x128xf32, #tpu.memory_space<vmem_shared>>)
      tpu.yield
    }) : () -> ()
    %mul3A_27 = arith.constant 632 : i32
    %mul3A_28 = arith.muli %arg1, %mul3A_27 : i32
    %add3A_29 = arith.constant 256 : i32
    %add3A_30 = arith.addi %mul3A_28, %add3A_29 : i32
    %run_scoped3A_31 = arith.constant 0 : i32
    "tpu.region"() ({
      %run_scoped3A_136 = tpu.sem_alloc : memref<!tpu.dma_semaphore, #tpu.memory_space<semaphore_mem>>
      %dma_start3A = arith.constant 0 : i32
      %dma_start3A_137 = arith.constant 0 : i32
      %dma_start3A_138 = tpu.memref_slice %arg8[%run_scoped3A_31, %dma_start3A, %dma_start3A_137] : memref<4x64x128xf32, #tpu.memory_space<vmem>> -> memref<1x64x128xf32, #tpu.memory_space<vmem>>
      %dma_start3A_139 = tpu.memref_squeeze %dma_start3A_138 : memref<1x64x128xf32, #tpu.memory_space<vmem>> -> memref<64x128xf32, #tpu.memory_space<vmem>>
      %dma_start3A_140 = arith.constant 0 : i32
      %dma_start3A_141 = tpu.memref_slice %arg9[%add3A_30, %dma_start3A_140] : memref<10112x128xf32, #tpu.memory_space<vmem_shared>> -> memref<64x128xf32, #tpu.memory_space<vmem_shared>>
      %dma_start3A_142 = arith.constant 0 : i32
      %dma_start3A_143 = tpu.memref_slice %arg9[%add3A_30, %dma_start3A_142] : memref<10112x128xf32, #tpu.memory_space<vmem_shared>> -> memref<64x128xf32, #tpu.memory_space<vmem_shared>>
      %dma_start3A_144 = arith.constant 0 : i32
      %dma_start3A_145 = arith.constant 0 : i32
      %dma_start3A_146 = tpu.memref_slice %arg8[%run_scoped3A_31, %dma_start3A_144, %dma_start3A_145] : memref<4x64x128xf32, #tpu.memory_space<vmem>> -> memref<1x64x128xf32, #tpu.memory_space<vmem>>
      %dma_start3A_147 = tpu.memref_squeeze %dma_start3A_146 : memref<1x64x128xf32, #tpu.memory_space<vmem>> -> memref<64x128xf32, #tpu.memory_space<vmem>>
      tpu.enqueue_dma source(%dma_start3A_147 : memref<64x128xf32, #tpu.memory_space<vmem>>) target(%dma_start3A_143 : memref<64x128xf32, #tpu.memory_space<vmem_shared>>) target_semaphore(%run_scoped3A_136 : memref<!tpu.dma_semaphore, #tpu.memory_space<semaphore_mem>>)
      %dma_wait3A = arith.constant 0 : i32
      %dma_wait3A_148 = arith.constant 0 : i32
      %dma_wait3A_149 = tpu.memref_slice %arg8[%run_scoped3A_31, %dma_wait3A, %dma_wait3A_148] : memref<4x64x128xf32, #tpu.memory_space<vmem>> -> memref<1x64x128xf32, #tpu.memory_space<vmem>>
      %dma_wait3A_150 = tpu.memref_squeeze %dma_wait3A_149 : memref<1x64x128xf32, #tpu.memory_space<vmem>> -> memref<64x128xf32, #tpu.memory_space<vmem>>
      %dma_wait3A_151 = arith.constant 0 : i32
      %dma_wait3A_152 = tpu.memref_slice %arg9[%add3A_30, %dma_wait3A_151] : memref<10112x128xf32, #tpu.memory_space<vmem_shared>> -> memref<64x128xf32, #tpu.memory_space<vmem_shared>>
      %dma_wait3A_153 = arith.constant 0 : i32
      %dma_wait3A_154 = tpu.memref_slice %arg9[%add3A_30, %dma_wait3A_153] : memref<10112x128xf32, #tpu.memory_space<vmem_shared>> -> memref<64x128xf32, #tpu.memory_space<vmem_shared>>
      %dma_wait3A_155 = arith.constant 0 : i32
      %dma_wait3A_156 = arith.constant 0 : i32
      %dma_wait3A_157 = tpu.memref_slice %arg8[%run_scoped3A_31, %dma_wait3A_155, %dma_wait3A_156] : memref<4x64x128xf32, #tpu.memory_space<vmem>> -> memref<1x64x128xf32, #tpu.memory_space<vmem>>
      %dma_wait3A_158 = tpu.memref_squeeze %dma_wait3A_157 : memref<1x64x128xf32, #tpu.memory_space<vmem>> -> memref<64x128xf32, #tpu.memory_space<vmem>>
      tpu.wait_dma2 semaphore(%run_scoped3A_136 : memref<!tpu.dma_semaphore, #tpu.memory_space<semaphore_mem>>) src(%dma_wait3A_158 : memref<64x128xf32, #tpu.memory_space<vmem>>) dst(%dma_wait3A_154 : memref<64x128xf32, #tpu.memory_space<vmem_shared>>)
      tpu.yield
    }) : () -> ()
    %mul3A_32 = arith.constant 632 : i32
    %mul3A_33 = arith.muli %arg1, %mul3A_32 : i32
    %add3A_34 = arith.constant 320 : i32
    %add3A_35 = arith.addi %mul3A_33, %add3A_34 : i32
    %run_scoped3A_36 = arith.constant 0 : i32
    "tpu.region"() ({
      %run_scoped3A_136 = tpu.sem_alloc : memref<!tpu.dma_semaphore, #tpu.memory_space<semaphore_mem>>
      %dma_start3A = arith.constant 0 : i32
      %dma_start3A_137 = arith.constant 0 : i32
      %dma_start3A_138 = tpu.memref_slice %arg8[%run_scoped3A_36, %dma_start3A, %dma_start3A_137] : memref<4x64x128xf32, #tpu.memory_space<vmem>> -> memref<1x64x128xf32, #tpu.memory_space<vmem>>
      %dma_start3A_139 = tpu.memref_squeeze %dma_start3A_138 : memref<1x64x128xf32, #tpu.memory_space<vmem>> -> memref<64x128xf32, #tpu.memory_space<vmem>>
      %dma_start3A_140 = arith.constant 0 : i32
      %dma_start3A_141 = tpu.memref_slice %arg9[%add3A_35, %dma_start3A_140] : memref<10112x128xf32, #tpu.memory_space<vmem_shared>> -> memref<64x128xf32, #tpu.memory_space<vmem_shared>>
      %dma_start3A_142 = arith.constant 0 : i32
      %dma_start3A_143 = tpu.memref_slice %arg9[%add3A_35, %dma_start3A_142] : memref<10112x128xf32, #tpu.memory_space<vmem_shared>> -> memref<64x128xf32, #tpu.memory_space<vmem_shared>>
      %dma_start3A_144 = arith.constant 0 : i32
      %dma_start3A_145 = arith.constant 0 : i32
      %dma_start3A_146 = tpu.memref_slice %arg8[%run_scoped3A_36, %dma_start3A_144, %dma_start3A_145] : memref<4x64x128xf32, #tpu.memory_space<vmem>> -> memref<1x64x128xf32, #tpu.memory_space<vmem>>
      %dma_start3A_147 = tpu.memref_squeeze %dma_start3A_146 : memref<1x64x128xf32, #tpu.memory_space<vmem>> -> memref<64x128xf32, #tpu.memory_space<vmem>>
      tpu.enqueue_dma source(%dma_start3A_147 : memref<64x128xf32, #tpu.memory_space<vmem>>) target(%dma_start3A_143 : memref<64x128xf32, #tpu.memory_space<vmem_shared>>) target_semaphore(%run_scoped3A_136 : memref<!tpu.dma_semaphore, #tpu.memory_space<semaphore_mem>>)
      %dma_wait3A = arith.constant 0 : i32
      %dma_wait3A_148 = arith.constant 0 : i32
      %dma_wait3A_149 = tpu.memref_slice %arg8[%run_scoped3A_36, %dma_wait3A, %dma_wait3A_148] : memref<4x64x128xf32, #tpu.memory_space<vmem>> -> memref<1x64x128xf32, #tpu.memory_space<vmem>>
      %dma_wait3A_150 = tpu.memref_squeeze %dma_wait3A_149 : memref<1x64x128xf32, #tpu.memory_space<vmem>> -> memref<64x128xf32, #tpu.memory_space<vmem>>
      %dma_wait3A_151 = arith.constant 0 : i32
      %dma_wait3A_152 = tpu.memref_slice %arg9[%add3A_35, %dma_wait3A_151] : memref<10112x128xf32, #tpu.memory_space<vmem_shared>> -> memref<64x128xf32, #tpu.memory_space<vmem_shared>>
      %dma_wait3A_153 = arith.constant 0 : i32
      %dma_wait3A_154 = tpu.memref_slice %arg9[%add3A_35, %dma_wait3A_153] : memref<10112x128xf32, #tpu.memory_space<vmem_shared>> -> memref<64x128xf32, #tpu.memory_space<vmem_shared>>
      %dma_wait3A_155 = arith.constant 0 : i32
      %dma_wait3A_156 = arith.constant 0 : i32
      %dma_wait3A_157 = tpu.memref_slice %arg8[%run_scoped3A_36, %dma_wait3A_155, %dma_wait3A_156] : memref<4x64x128xf32, #tpu.memory_space<vmem>> -> memref<1x64x128xf32, #tpu.memory_space<vmem>>
      %dma_wait3A_158 = tpu.memref_squeeze %dma_wait3A_157 : memref<1x64x128xf32, #tpu.memory_space<vmem>> -> memref<64x128xf32, #tpu.memory_space<vmem>>
      tpu.wait_dma2 semaphore(%run_scoped3A_136 : memref<!tpu.dma_semaphore, #tpu.memory_space<semaphore_mem>>) src(%dma_wait3A_158 : memref<64x128xf32, #tpu.memory_space<vmem>>) dst(%dma_wait3A_154 : memref<64x128xf32, #tpu.memory_space<vmem_shared>>)
      tpu.yield
    }) : () -> ()
    %mul3A_37 = arith.constant 632 : i32
    %mul3A_38 = arith.muli %arg1, %mul3A_37 : i32
    %add3A_39 = arith.constant 384 : i32
    %add3A_40 = arith.addi %mul3A_38, %add3A_39 : i32
    %run_scoped3A_41 = arith.constant 0 : i32
    "tpu.region"() ({
      %run_scoped3A_136 = tpu.sem_alloc : memref<!tpu.dma_semaphore, #tpu.memory_space<semaphore_mem>>
      %dma_start3A = arith.constant 0 : i32
      %dma_start3A_137 = arith.constant 0 : i32
      %dma_start3A_138 = tpu.memref_slice %arg8[%run_scoped3A_41, %dma_start3A, %dma_start3A_137] : memref<4x64x128xf32, #tpu.memory_space<vmem>> -> memref<1x64x128xf32, #tpu.memory_space<vmem>>
      %dma_start3A_139 = tpu.memref_squeeze %dma_start3A_138 : memref<1x64x128xf32, #tpu.memory_space<vmem>> -> memref<64x128xf32, #tpu.memory_space<vmem>>
      %dma_start3A_140 = arith.constant 0 : i32
      %dma_start3A_141 = tpu.memref_slice %arg9[%add3A_40, %dma_start3A_140] : memref<10112x128xf32, #tpu.memory_space<vmem_shared>> -> memref<64x128xf32, #tpu.memory_space<vmem_shared>>
      %dma_start3A_142 = arith.constant 0 : i32
      %dma_start3A_143 = tpu.memref_slice %arg9[%add3A_40, %dma_start3A_142] : memref<10112x128xf32, #tpu.memory_space<vmem_shared>> -> memref<64x128xf32, #tpu.memory_space<vmem_shared>>
      %dma_start3A_144 = arith.constant 0 : i32
      %dma_start3A_145 = arith.constant 0 : i32
      %dma_start3A_146 = tpu.memref_slice %arg8[%run_scoped3A_41, %dma_start3A_144, %dma_start3A_145] : memref<4x64x128xf32, #tpu.memory_space<vmem>> -> memref<1x64x128xf32, #tpu.memory_space<vmem>>
      %dma_start3A_147 = tpu.memref_squeeze %dma_start3A_146 : memref<1x64x128xf32, #tpu.memory_space<vmem>> -> memref<64x128xf32, #tpu.memory_space<vmem>>
      tpu.enqueue_dma source(%dma_start3A_147 : memref<64x128xf32, #tpu.memory_space<vmem>>) target(%dma_start3A_143 : memref<64x128xf32, #tpu.memory_space<vmem_shared>>) target_semaphore(%run_scoped3A_136 : memref<!tpu.dma_semaphore, #tpu.memory_space<semaphore_mem>>)
      %dma_wait3A = arith.constant 0 : i32
      %dma_wait3A_148 = arith.constant 0 : i32
      %dma_wait3A_149 = tpu.memref_slice %arg8[%run_scoped3A_41, %dma_wait3A, %dma_wait3A_148] : memref<4x64x128xf32, #tpu.memory_space<vmem>> -> memref<1x64x128xf32, #tpu.memory_space<vmem>>
      %dma_wait3A_150 = tpu.memref_squeeze %dma_wait3A_149 : memref<1x64x128xf32, #tpu.memory_space<vmem>> -> memref<64x128xf32, #tpu.memory_space<vmem>>
      %dma_wait3A_151 = arith.constant 0 : i32
      %dma_wait3A_152 = tpu.memref_slice %arg9[%add3A_40, %dma_wait3A_151] : memref<10112x128xf32, #tpu.memory_space<vmem_shared>> -> memref<64x128xf32, #tpu.memory_space<vmem_shared>>
      %dma_wait3A_153 = arith.constant 0 : i32
      %dma_wait3A_154 = tpu.memref_slice %arg9[%add3A_40, %dma_wait3A_153] : memref<10112x128xf32, #tpu.memory_space<vmem_shared>> -> memref<64x128xf32, #tpu.memory_space<vmem_shared>>
      %dma_wait3A_155 = arith.constant 0 : i32
      %dma_wait3A_156 = arith.constant 0 : i32
      %dma_wait3A_157 = tpu.memref_slice %arg8[%run_scoped3A_41, %dma_wait3A_155, %dma_wait3A_156] : memref<4x64x128xf32, #tpu.memory_space<vmem>> -> memref<1x64x128xf32, #tpu.memory_space<vmem>>
      %dma_wait3A_158 = tpu.memref_squeeze %dma_wait3A_157 : memref<1x64x128xf32, #tpu.memory_space<vmem>> -> memref<64x128xf32, #tpu.memory_space<vmem>>
      tpu.wait_dma2 semaphore(%run_scoped3A_136 : memref<!tpu.dma_semaphore, #tpu.memory_space<semaphore_mem>>) src(%dma_wait3A_158 : memref<64x128xf32, #tpu.memory_space<vmem>>) dst(%dma_wait3A_154 : memref<64x128xf32, #tpu.memory_space<vmem_shared>>)
      tpu.yield
    }) : () -> ()
    %mul3A_42 = arith.constant 632 : i32
    %mul3A_43 = arith.muli %arg1, %mul3A_42 : i32
    %add3A_44 = arith.constant 448 : i32
    %add3A_45 = arith.addi %mul3A_43, %add3A_44 : i32
    %run_scoped3A_46 = arith.constant 0 : i32
    "tpu.region"() ({
      %run_scoped3A_136 = tpu.sem_alloc : memref<!tpu.dma_semaphore, #tpu.memory_space<semaphore_mem>>
      %dma_start3A = arith.constant 0 : i32
      %dma_start3A_137 = arith.constant 0 : i32
      %dma_start3A_138 = tpu.memref_slice %arg8[%run_scoped3A_46, %dma_start3A, %dma_start3A_137] : memref<4x64x128xf32, #tpu.memory_space<vmem>> -> memref<1x64x128xf32, #tpu.memory_space<vmem>>
      %dma_start3A_139 = tpu.memref_squeeze %dma_start3A_138 : memref<1x64x128xf32, #tpu.memory_space<vmem>> -> memref<64x128xf32, #tpu.memory_space<vmem>>
      %dma_start3A_140 = arith.constant 0 : i32
      %dma_start3A_141 = tpu.memref_slice %arg9[%add3A_45, %dma_start3A_140] : memref<10112x128xf32, #tpu.memory_space<vmem_shared>> -> memref<64x128xf32, #tpu.memory_space<vmem_shared>>
      %dma_start3A_142 = arith.constant 0 : i32
      %dma_start3A_143 = tpu.memref_slice %arg9[%add3A_45, %dma_start3A_142] : memref<10112x128xf32, #tpu.memory_space<vmem_shared>> -> memref<64x128xf32, #tpu.memory_space<vmem_shared>>
      %dma_start3A_144 = arith.constant 0 : i32
      %dma_start3A_145 = arith.constant 0 : i32
      %dma_start3A_146 = tpu.memref_slice %arg8[%run_scoped3A_46, %dma_start3A_144, %dma_start3A_145] : memref<4x64x128xf32, #tpu.memory_space<vmem>> -> memref<1x64x128xf32, #tpu.memory_space<vmem>>
      %dma_start3A_147 = tpu.memref_squeeze %dma_start3A_146 : memref<1x64x128xf32, #tpu.memory_space<vmem>> -> memref<64x128xf32, #tpu.memory_space<vmem>>
      tpu.enqueue_dma source(%dma_start3A_147 : memref<64x128xf32, #tpu.memory_space<vmem>>) target(%dma_start3A_143 : memref<64x128xf32, #tpu.memory_space<vmem_shared>>) target_semaphore(%run_scoped3A_136 : memref<!tpu.dma_semaphore, #tpu.memory_space<semaphore_mem>>)
      %dma_wait3A = arith.constant 0 : i32
      %dma_wait3A_148 = arith.constant 0 : i32
      %dma_wait3A_149 = tpu.memref_slice %arg8[%run_scoped3A_46, %dma_wait3A, %dma_wait3A_148] : memref<4x64x128xf32, #tpu.memory_space<vmem>> -> memref<1x64x128xf32, #tpu.memory_space<vmem>>
      %dma_wait3A_150 = tpu.memref_squeeze %dma_wait3A_149 : memref<1x64x128xf32, #tpu.memory_space<vmem>> -> memref<64x128xf32, #tpu.memory_space<vmem>>
      %dma_wait3A_151 = arith.constant 0 : i32
      %dma_wait3A_152 = tpu.memref_slice %arg9[%add3A_45, %dma_wait3A_151] : memref<10112x128xf32, #tpu.memory_space<vmem_shared>> -> memref<64x128xf32, #tpu.memory_space<vmem_shared>>
      %dma_wait3A_153 = arith.constant 0 : i32
      %dma_wait3A_154 = tpu.memref_slice %arg9[%add3A_45, %dma_wait3A_153] : memref<10112x128xf32, #tpu.memory_space<vmem_shared>> -> memref<64x128xf32, #tpu.memory_space<vmem_shared>>
      %dma_wait3A_155 = arith.constant 0 : i32
      %dma_wait3A_156 = arith.constant 0 : i32
      %dma_wait3A_157 = tpu.memref_slice %arg8[%run_scoped3A_46, %dma_wait3A_155, %dma_wait3A_156] : memref<4x64x128xf32, #tpu.memory_space<vmem>> -> memref<1x64x128xf32, #tpu.memory_space<vmem>>
      %dma_wait3A_158 = tpu.memref_squeeze %dma_wait3A_157 : memref<1x64x128xf32, #tpu.memory_space<vmem>> -> memref<64x128xf32, #tpu.memory_space<vmem>>
      tpu.wait_dma2 semaphore(%run_scoped3A_136 : memref<!tpu.dma_semaphore, #tpu.memory_space<semaphore_mem>>) src(%dma_wait3A_158 : memref<64x128xf32, #tpu.memory_space<vmem>>) dst(%dma_wait3A_154 : memref<64x128xf32, #tpu.memory_space<vmem_shared>>)
      tpu.yield
    }) : () -> ()
    %mul3A_47 = arith.constant 632 : i32
    %mul3A_48 = arith.muli %arg1, %mul3A_47 : i32
    %add3A_49 = arith.constant 512 : i32
    %add3A_50 = arith.addi %mul3A_48, %add3A_49 : i32
    %run_scoped3A_51 = arith.constant 0 : i32
    "tpu.region"() ({
      %run_scoped3A_136 = tpu.sem_alloc : memref<!tpu.dma_semaphore, #tpu.memory_space<semaphore_mem>>
      %dma_start3A = arith.constant 0 : i32
      %dma_start3A_137 = arith.constant 0 : i32
      %dma_start3A_138 = tpu.memref_slice %arg8[%run_scoped3A_51, %dma_start3A, %dma_start3A_137] : memref<4x64x128xf32, #tpu.memory_space<vmem>> -> memref<1x64x128xf32, #tpu.memory_space<vmem>>
      %dma_start3A_139 = tpu.memref_squeeze %dma_start3A_138 : memref<1x64x128xf32, #tpu.memory_space<vmem>> -> memref<64x128xf32, #tpu.memory_space<vmem>>
      %dma_start3A_140 = arith.constant 0 : i32
      %dma_start3A_141 = tpu.memref_slice %arg9[%add3A_50, %dma_start3A_140] : memref<10112x128xf32, #tpu.memory_space<vmem_shared>> -> memref<64x128xf32, #tpu.memory_space<vmem_shared>>
      %dma_start3A_142 = arith.constant 0 : i32
      %dma_start3A_143 = tpu.memref_slice %arg9[%add3A_50, %dma_start3A_142] : memref<10112x128xf32, #tpu.memory_space<vmem_shared>> -> memref<64x128xf32, #tpu.memory_space<vmem_shared>>
      %dma_start3A_144 = arith.constant 0 : i32
      %dma_start3A_145 = arith.constant 0 : i32
      %dma_start3A_146 = tpu.memref_slice %arg8[%run_scoped3A_51, %dma_start3A_144, %dma_start3A_145] : memref<4x64x128xf32, #tpu.memory_space<vmem>> -> memref<1x64x128xf32, #tpu.memory_space<vmem>>
      %dma_start3A_147 = tpu.memref_squeeze %dma_start3A_146 : memref<1x64x128xf32, #tpu.memory_space<vmem>> -> memref<64x128xf32, #tpu.memory_space<vmem>>
      tpu.enqueue_dma source(%dma_start3A_147 : memref<64x128xf32, #tpu.memory_space<vmem>>) target(%dma_start3A_143 : memref<64x128xf32, #tpu.memory_space<vmem_shared>>) target_semaphore(%run_scoped3A_136 : memref<!tpu.dma_semaphore, #tpu.memory_space<semaphore_mem>>)
      %dma_wait3A = arith.constant 0 : i32
      %dma_wait3A_148 = arith.constant 0 : i32
      %dma_wait3A_149 = tpu.memref_slice %arg8[%run_scoped3A_51, %dma_wait3A, %dma_wait3A_148] : memref<4x64x128xf32, #tpu.memory_space<vmem>> -> memref<1x64x128xf32, #tpu.memory_space<vmem>>
      %dma_wait3A_150 = tpu.memref_squeeze %dma_wait3A_149 : memref<1x64x128xf32, #tpu.memory_space<vmem>> -> memref<64x128xf32, #tpu.memory_space<vmem>>
      %dma_wait3A_151 = arith.constant 0 : i32
      %dma_wait3A_152 = tpu.memref_slice %arg9[%add3A_50, %dma_wait3A_151] : memref<10112x128xf32, #tpu.memory_space<vmem_shared>> -> memref<64x128xf32, #tpu.memory_space<vmem_shared>>
      %dma_wait3A_153 = arith.constant 0 : i32
      %dma_wait3A_154 = tpu.memref_slice %arg9[%add3A_50, %dma_wait3A_153] : memref<10112x128xf32, #tpu.memory_space<vmem_shared>> -> memref<64x128xf32, #tpu.memory_space<vmem_shared>>
      %dma_wait3A_155 = arith.constant 0 : i32
      %dma_wait3A_156 = arith.constant 0 : i32
      %dma_wait3A_157 = tpu.memref_slice %arg8[%run_scoped3A_51, %dma_wait3A_155, %dma_wait3A_156] : memref<4x64x128xf32, #tpu.memory_space<vmem>> -> memref<1x64x128xf32, #tpu.memory_space<vmem>>
      %dma_wait3A_158 = tpu.memref_squeeze %dma_wait3A_157 : memref<1x64x128xf32, #tpu.memory_space<vmem>> -> memref<64x128xf32, #tpu.memory_space<vmem>>
      tpu.wait_dma2 semaphore(%run_scoped3A_136 : memref<!tpu.dma_semaphore, #tpu.memory_space<semaphore_mem>>) src(%dma_wait3A_158 : memref<64x128xf32, #tpu.memory_space<vmem>>) dst(%dma_wait3A_154 : memref<64x128xf32, #tpu.memory_space<vmem_shared>>)
      tpu.yield
    }) : () -> ()
    %mul3A_52 = arith.constant 632 : i32
    %mul3A_53 = arith.muli %arg1, %mul3A_52 : i32
    %add3A_54 = arith.constant 576 : i32
    %add3A_55 = arith.addi %mul3A_53, %add3A_54 : i32
    %run_scoped3A_56 = arith.constant 0 : i32
    "tpu.region"() ({
      %run_scoped3A_136 = tpu.sem_alloc : memref<!tpu.dma_semaphore, #tpu.memory_space<semaphore_mem>>
      %dma_start3A = arith.constant 0 : i32
      %dma_start3A_137 = arith.constant 0 : i32
      %dma_start3A_138 = tpu.memref_slice %arg8[%run_scoped3A_56, %dma_start3A, %dma_start3A_137] : memref<4x64x128xf32, #tpu.memory_space<vmem>> -> memref<1x56x128xf32, #tpu.memory_space<vmem>>
      %dma_start3A_139 = tpu.memref_squeeze %dma_start3A_138 : memref<1x56x128xf32, #tpu.memory_space<vmem>> -> memref<56x128xf32, #tpu.memory_space<vmem>>
      %dma_start3A_140 = arith.constant 0 : i32
      %dma_start3A_141 = tpu.memref_slice %arg9[%add3A_55, %dma_start3A_140] : memref<10112x128xf32, #tpu.memory_space<vmem_shared>> -> memref<56x128xf32, #tpu.memory_space<vmem_shared>>
      %dma_start3A_142 = arith.constant 0 : i32
      %dma_start3A_143 = tpu.memref_slice %arg9[%add3A_55, %dma_start3A_142] : memref<10112x128xf32, #tpu.memory_space<vmem_shared>> -> memref<56x128xf32, #tpu.memory_space<vmem_shared>>
      %dma_start3A_144 = arith.constant 0 : i32
      %dma_start3A_145 = arith.constant 0 : i32
      %dma_start3A_146 = tpu.memref_slice %arg8[%run_scoped3A_56, %dma_start3A_144, %dma_start3A_145] : memref<4x64x128xf32, #tpu.memory_space<vmem>> -> memref<1x56x128xf32, #tpu.memory_space<vmem>>
      %dma_start3A_147 = tpu.memref_squeeze %dma_start3A_146 : memref<1x56x128xf32, #tpu.memory_space<vmem>> -> memref<56x128xf32, #tpu.memory_space<vmem>>
      tpu.enqueue_dma source(%dma_start3A_147 : memref<56x128xf32, #tpu.memory_space<vmem>>) target(%dma_start3A_143 : memref<56x128xf32, #tpu.memory_space<vmem_shared>>) target_semaphore(%run_scoped3A_136 : memref<!tpu.dma_semaphore, #tpu.memory_space<semaphore_mem>>)
      %dma_wait3A = arith.constant 0 : i32
      %dma_wait3A_148 = arith.constant 0 : i32
      %dma_wait3A_149 = tpu.memref_slice %arg8[%run_scoped3A_56, %dma_wait3A, %dma_wait3A_148] : memref<4x64x128xf32, #tpu.memory_space<vmem>> -> memref<1x56x128xf32, #tpu.memory_space<vmem>>
      %dma_wait3A_150 = tpu.memref_squeeze %dma_wait3A_149 : memref<1x56x128xf32, #tpu.memory_space<vmem>> -> memref<56x128xf32, #tpu.memory_space<vmem>>
      %dma_wait3A_151 = arith.constant 0 : i32
      %dma_wait3A_152 = tpu.memref_slice %arg9[%add3A_55, %dma_wait3A_151] : memref<10112x128xf32, #tpu.memory_space<vmem_shared>> -> memref<56x128xf32, #tpu.memory_space<vmem_shared>>
      %dma_wait3A_153 = arith.constant 0 : i32
      %dma_wait3A_154 = tpu.memref_slice %arg9[%add3A_55, %dma_wait3A_153] : memref<10112x128xf32, #tpu.memory_space<vmem_shared>> -> memref<56x128xf32, #tpu.memory_space<vmem_shared>>
      %dma_wait3A_155 = arith.constant 0 : i32
      %dma_wait3A_156 = arith.constant 0 : i32
      %dma_wait3A_157 = tpu.memref_slice %arg8[%run_scoped3A_56, %dma_wait3A_155, %dma_wait3A_156] : memref<4x64x128xf32, #tpu.memory_space<vmem>> -> memref<1x56x128xf32, #tpu.memory_space<vmem>>
      %dma_wait3A_158 = tpu.memref_squeeze %dma_wait3A_157 : memref<1x56x128xf32, #tpu.memory_space<vmem>> -> memref<56x128xf32, #tpu.memory_space<vmem>>
      tpu.wait_dma2 semaphore(%run_scoped3A_136 : memref<!tpu.dma_semaphore, #tpu.memory_space<semaphore_mem>>) src(%dma_wait3A_158 : memref<56x128xf32, #tpu.memory_space<vmem>>) dst(%dma_wait3A_154 : memref<56x128xf32, #tpu.memory_space<vmem_shared>>)
      tpu.yield
    }) : () -> ()
    %mul3A_57 = arith.constant 320 : i32
    %mul3A_58 = arith.muli %add3A, %mul3A_57 : i32
    %run_scoped3A_59 = arith.constant 0 : i32
    "tpu.region"() ({
      %run_scoped3A_136 = tpu.sem_alloc : memref<!tpu.dma_semaphore, #tpu.memory_space<semaphore_mem>>
      %dma_start3A = arith.constant 0 : i32
      %dma_start3A_137 = arith.constant 0 : i32
      %dma_start3A_138 = tpu.memref_slice %arg6[%run_scoped3A_59, %dma_start3A, %dma_start3A_137] : memref<2x32x64xi32, #tpu.memory_space<vmem>> -> memref<1x32x64xi32, #tpu.memory_space<vmem>>
      %dma_start3A_139 = tpu.memref_squeeze %dma_start3A_138 : memref<1x32x64xi32, #tpu.memory_space<vmem>> -> memref<32x64xi32, #tpu.memory_space<vmem>>
      %dma_start3A_140 = arith.constant 0 : i32
      %dma_start3A_141 = tpu.memref_slice %arg3[%mul3A_58, %dma_start3A_140] : memref<10240x64xi32, #tpu.memory_space<hbm>> -> memref<32x64xi32, #tpu.memory_space<hbm>>
      %dma_start3A_142 = arith.constant 0 : i32
      %dma_start3A_143 = arith.constant 0 : i32
      %dma_start3A_144 = tpu.memref_slice %arg6[%run_scoped3A_59, %dma_start3A_142, %dma_start3A_143] : memref<2x32x64xi32, #tpu.memory_space<vmem>> -> memref<1x32x64xi32, #tpu.memory_space<vmem>>
      %dma_start3A_145 = tpu.memref_squeeze %dma_start3A_144 : memref<1x32x64xi32, #tpu.memory_space<vmem>> -> memref<32x64xi32, #tpu.memory_space<vmem>>
      %dma_start3A_146 = arith.constant 0 : i32
      %dma_start3A_147 = tpu.memref_slice %arg3[%mul3A_58, %dma_start3A_146] : memref<10240x64xi32, #tpu.memory_space<hbm>> -> memref<32x64xi32, #tpu.memory_space<hbm>>
      tpu.enqueue_dma source(%dma_start3A_147 : memref<32x64xi32, #tpu.memory_space<hbm>>) target(%dma_start3A_145 : memref<32x64xi32, #tpu.memory_space<vmem>>) target_semaphore(%run_scoped3A_136 : memref<!tpu.dma_semaphore, #tpu.memory_space<semaphore_mem>>)
      %dma_wait3A = arith.constant 0 : i32
      %dma_wait3A_148 = arith.constant 0 : i32
      %dma_wait3A_149 = tpu.memref_slice %arg6[%run_scoped3A_59, %dma_wait3A, %dma_wait3A_148] : memref<2x32x64xi32, #tpu.memory_space<vmem>> -> memref<1x32x64xi32, #tpu.memory_space<vmem>>
      %dma_wait3A_150 = tpu.memref_squeeze %dma_wait3A_149 : memref<1x32x64xi32, #tpu.memory_space<vmem>> -> memref<32x64xi32, #tpu.memory_space<vmem>>
      %dma_wait3A_151 = arith.constant 0 : i32
      %dma_wait3A_152 = tpu.memref_slice %arg3[%mul3A_58, %dma_wait3A_151] : memref<10240x64xi32, #tpu.memory_space<hbm>> -> memref<32x64xi32, #tpu.memory_space<hbm>>
      %dma_wait3A_153 = arith.constant 0 : i32
      %dma_wait3A_154 = arith.constant 0 : i32
      %dma_wait3A_155 = tpu.memref_slice %arg6[%run_scoped3A_59, %dma_wait3A_153, %dma_wait3A_154] : memref<2x32x64xi32, #tpu.memory_space<vmem>> -> memref<1x32x64xi32, #tpu.memory_space<vmem>>
      %dma_wait3A_156 = tpu.memref_squeeze %dma_wait3A_155 : memref<1x32x64xi32, #tpu.memory_space<vmem>> -> memref<32x64xi32, #tpu.memory_space<vmem>>
      %dma_wait3A_157 = arith.constant 0 : i32
      %dma_wait3A_158 = tpu.memref_slice %arg3[%mul3A_58, %dma_wait3A_157] : memref<10240x64xi32, #tpu.memory_space<hbm>> -> memref<32x64xi32, #tpu.memory_space<hbm>>
      tpu.wait_dma2 semaphore(%run_scoped3A_136 : memref<!tpu.dma_semaphore, #tpu.memory_space<semaphore_mem>>) src(%dma_wait3A_158 : memref<32x64xi32, #tpu.memory_space<hbm>>) dst(%dma_wait3A_156 : memref<32x64xi32, #tpu.memory_space<vmem>>)
      tpu.yield
    }) : () -> ()
    %mul3A_60 = arith.constant 320 : i32
    %mul3A_61 = arith.muli %add3A, %mul3A_60 : i32
    %run_scoped3A_62 = arith.constant 0 : i32
    "tpu.region"() ({
      %run_scoped3A_136 = tpu.sem_alloc : memref<!tpu.dma_semaphore, #tpu.memory_space<semaphore_mem>>
      %dma_start3A = arith.constant 0 : i32
      %dma_start3A_137 = arith.constant 0 : i32
      %dma_start3A_138 = tpu.memref_slice %arg7[%run_scoped3A_62, %dma_start3A, %dma_start3A_137] : memref<2x32x64xi32, #tpu.memory_space<vmem>> -> memref<1x32x64xi32, #tpu.memory_space<vmem>>
      %dma_start3A_139 = tpu.memref_squeeze %dma_start3A_138 : memref<1x32x64xi32, #tpu.memory_space<vmem>> -> memref<32x64xi32, #tpu.memory_space<vmem>>
      %dma_start3A_140 = arith.constant 0 : i32
      %dma_start3A_141 = tpu.memref_slice %arg4[%mul3A_61, %dma_start3A_140] : memref<10240x64xi32, #tpu.memory_space<hbm>> -> memref<32x64xi32, #tpu.memory_space<hbm>>
      %dma_start3A_142 = arith.constant 0 : i32
      %dma_start3A_143 = arith.constant 0 : i32
      %dma_start3A_144 = tpu.memref_slice %arg7[%run_scoped3A_62, %dma_start3A_142, %dma_start3A_143] : memref<2x32x64xi32, #tpu.memory_space<vmem>> -> memref<1x32x64xi32, #tpu.memory_space<vmem>>
      %dma_start3A_145 = tpu.memref_squeeze %dma_start3A_144 : memref<1x32x64xi32, #tpu.memory_space<vmem>> -> memref<32x64xi32, #tpu.memory_space<vmem>>
      %dma_start3A_146 = arith.constant 0 : i32
      %dma_start3A_147 = tpu.memref_slice %arg4[%mul3A_61, %dma_start3A_146] : memref<10240x64xi32, #tpu.memory_space<hbm>> -> memref<32x64xi32, #tpu.memory_space<hbm>>
      tpu.enqueue_dma source(%dma_start3A_147 : memref<32x64xi32, #tpu.memory_space<hbm>>) target(%dma_start3A_145 : memref<32x64xi32, #tpu.memory_space<vmem>>) target_semaphore(%run_scoped3A_136 : memref<!tpu.dma_semaphore, #tpu.memory_space<semaphore_mem>>)
      %dma_wait3A = arith.constant 0 : i32
      %dma_wait3A_148 = arith.constant 0 : i32
      %dma_wait3A_149 = tpu.memref_slice %arg7[%run_scoped3A_62, %dma_wait3A, %dma_wait3A_148] : memref<2x32x64xi32, #tpu.memory_space<vmem>> -> memref<1x32x64xi32, #tpu.memory_space<vmem>>
      %dma_wait3A_150 = tpu.memref_squeeze %dma_wait3A_149 : memref<1x32x64xi32, #tpu.memory_space<vmem>> -> memref<32x64xi32, #tpu.memory_space<vmem>>
      %dma_wait3A_151 = arith.constant 0 : i32
      %dma_wait3A_152 = tpu.memref_slice %arg4[%mul3A_61, %dma_wait3A_151] : memref<10240x64xi32, #tpu.memory_space<hbm>> -> memref<32x64xi32, #tpu.memory_space<hbm>>
      %dma_wait3A_153 = arith.constant 0 : i32
      %dma_wait3A_154 = arith.constant 0 : i32
      %dma_wait3A_155 = tpu.memref_slice %arg7[%run_scoped3A_62, %dma_wait3A_153, %dma_wait3A_154] : memref<2x32x64xi32, #tpu.memory_space<vmem>> -> memref<1x32x64xi32, #tpu.memory_space<vmem>>
      %dma_wait3A_156 = tpu.memref_squeeze %dma_wait3A_155 : memref<1x32x64xi32, #tpu.memory_space<vmem>> -> memref<32x64xi32, #tpu.memory_space<vmem>>
      %dma_wait3A_157 = arith.constant 0 : i32
      %dma_wait3A_158 = tpu.memref_slice %arg4[%mul3A_61, %dma_wait3A_157] : memref<10240x64xi32, #tpu.memory_space<hbm>> -> memref<32x64xi32, #tpu.memory_space<hbm>>
      tpu.wait_dma2 semaphore(%run_scoped3A_136 : memref<!tpu.dma_semaphore, #tpu.memory_space<semaphore_mem>>) src(%dma_wait3A_158 : memref<32x64xi32, #tpu.memory_space<hbm>>) dst(%dma_wait3A_156 : memref<32x64xi32, #tpu.memory_space<vmem>>)
      tpu.yield
    }) : () -> ()
    %barrier3A = arith.constant 0 : index
    tpu.barrier barrier_id(%barrier3A)
    %scan3A_63 = arith.constant 0 : i32
    %scan3A_64 = arith.constant 0 : i32
    %scan3A_65 = arith.constant 10 : i32
    %scan3A_66 = arith.addi %scan3A_64, %scan3A_65 : i32
    %scan3A_67 = arith.constant 1 : i32
    %scan3A_68 = scf.for %scan3A_136 = %scan3A_64 to %scan3A_66 step %scan3A_67 iter_args(%scan3A_137 = %scan3A_63) -> (i32)  : i32 {
      %rem3A = arith.constant 2 : i32
      %rem3A_138 = arith.remsi %scan3A_136, %rem3A : i32
      %mul3A_139 = arith.constant 320 : i32
      %mul3A_140 = arith.muli %add3A, %mul3A_139 : i32
      %mul3A_141 = arith.constant 32 : i32
      %mul3A_142 = arith.muli %scan3A_136, %mul3A_141 : i32
      %add3A_143 = arith.addi %mul3A_140, %mul3A_142 : i32
      %gt3A = arith.constant 0 : i32
      %gt3A_144 = arith.cmpi sgt, %scan3A_136, %gt3A : i32
      %convert_element_type3A = arith.extui %gt3A_144 : i1 to i32
      %cond3A = arith.constant 0 : i32
      %cond3A_145 = arith.cmpi ne, %convert_element_type3A, %cond3A : i32
      scf.if %cond3A_145 {
        %dma_wait3A = arith.constant 0 : i32
        %dma_wait3A_195 = arith.constant 0 : i32
        %dma_wait3A_196 = tpu.memref_slice %arg6[%rem3A_138, %dma_wait3A, %dma_wait3A_195] : memref<2x32x64xi32, #tpu.memory_space<vmem>> -> memref<1x32x64xi32, #tpu.memory_space<vmem>>
        %dma_wait3A_197 = tpu.memref_squeeze %dma_wait3A_196 : memref<1x32x64xi32, #tpu.memory_space<vmem>> -> memref<32x64xi32, #tpu.memory_space<vmem>>
        %dma_wait3A_198 = arith.constant 0 : i32
        %dma_wait3A_199 = tpu.memref_slice %arg3[%add3A_143, %dma_wait3A_198] : memref<10240x64xi32, #tpu.memory_space<hbm>> -> memref<32x64xi32, #tpu.memory_space<hbm>>
        %dma_wait3A_200 = arith.constant 0 : i32
        %dma_wait3A_201 = arith.constant 0 : i32
        %dma_wait3A_202 = tpu.memref_slice %arg6[%rem3A_138, %dma_wait3A_200, %dma_wait3A_201] : memref<2x32x64xi32, #tpu.memory_space<vmem>> -> memref<1x32x64xi32, #tpu.memory_space<vmem>>
        %dma_wait3A_203 = tpu.memref_squeeze %dma_wait3A_202 : memref<1x32x64xi32, #tpu.memory_space<vmem>> -> memref<32x64xi32, #tpu.memory_space<vmem>>
        %dma_wait3A_204 = arith.constant 0 : i32
        %dma_wait3A_205 = tpu.memref_slice %arg3[%add3A_143, %dma_wait3A_204] : memref<10240x64xi32, #tpu.memory_space<hbm>> -> memref<32x64xi32, #tpu.memory_space<hbm>>
        tpu.wait_dma2 semaphore(%arg11 : memref<!tpu.dma_semaphore, #tpu.memory_space<semaphore_mem>>) src(%dma_wait3A_205 : memref<32x64xi32, #tpu.memory_space<hbm>>) dst(%dma_wait3A_203 : memref<32x64xi32, #tpu.memory_space<vmem>>)
        %dma_wait3A_206 = arith.constant 0 : i32
        %dma_wait3A_207 = arith.constant 0 : i32
        %dma_wait3A_208 = tpu.memref_slice %arg7[%rem3A_138, %dma_wait3A_206, %dma_wait3A_207] : memref<2x32x64xi32, #tpu.memory_space<vmem>> -> memref<1x32x64xi32, #tpu.memory_space<vmem>>
        %dma_wait3A_209 = tpu.memref_squeeze %dma_wait3A_208 : memref<1x32x64xi32, #tpu.memory_space<vmem>> -> memref<32x64xi32, #tpu.memory_space<vmem>>
        %dma_wait3A_210 = arith.constant 0 : i32
        %dma_wait3A_211 = tpu.memref_slice %arg4[%add3A_143, %dma_wait3A_210] : memref<10240x64xi32, #tpu.memory_space<hbm>> -> memref<32x64xi32, #tpu.memory_space<hbm>>
        %dma_wait3A_212 = arith.constant 0 : i32
        %dma_wait3A_213 = arith.constant 0 : i32
        %dma_wait3A_214 = tpu.memref_slice %arg7[%rem3A_138, %dma_wait3A_212, %dma_wait3A_213] : memref<2x32x64xi32, #tpu.memory_space<vmem>> -> memref<1x32x64xi32, #tpu.memory_space<vmem>>
        %dma_wait3A_215 = tpu.memref_squeeze %dma_wait3A_214 : memref<1x32x64xi32, #tpu.memory_space<vmem>> -> memref<32x64xi32, #tpu.memory_space<vmem>>
        %dma_wait3A_216 = arith.constant 0 : i32
        %dma_wait3A_217 = tpu.memref_slice %arg4[%add3A_143, %dma_wait3A_216] : memref<10240x64xi32, #tpu.memory_space<hbm>> -> memref<32x64xi32, #tpu.memory_space<hbm>>
        tpu.wait_dma2 semaphore(%arg11 : memref<!tpu.dma_semaphore, #tpu.memory_space<semaphore_mem>>) src(%dma_wait3A_217 : memref<32x64xi32, #tpu.memory_space<hbm>>) dst(%dma_wait3A_215 : memref<32x64xi32, #tpu.memory_space<vmem>>)
      } else {
      }
      %add3A_146 = arith.constant 1 : i32
      %add3A_147 = arith.addi %scan3A_136, %add3A_146 : i32
      %lt3A = arith.constant 10 : i32
      %lt3A_148 = arith.cmpi slt, %add3A_147, %lt3A : i32
      %convert_element_type3A_149 = arith.extui %lt3A_148 : i1 to i32
      %cond3A_150 = arith.constant 0 : i32
      %cond3A_151 = arith.cmpi ne, %convert_element_type3A_149, %cond3A_150 : i32
      scf.if %cond3A_151 {
        %add3A_195 = arith.constant 32 : i32
        %add3A_196 = arith.addi %add3A_143, %add3A_195 : i32
        %sub3A = arith.constant 1 : i32
        %sub3A_197 = arith.subi %sub3A, %rem3A_138 : i32
        %dma_start3A_198 = arith.constant 0 : i32
        %dma_start3A_199 = arith.constant 0 : i32
        %dma_start3A_200 = tpu.memref_slice %arg6[%sub3A_197, %dma_start3A_198, %dma_start3A_199] : memref<2x32x64xi32, #tpu.memory_space<vmem>> -> memref<1x32x64xi32, #tpu.memory_space<vmem>>
        %dma_start3A_201 = tpu.memref_squeeze %dma_start3A_200 : memref<1x32x64xi32, #tpu.memory_space<vmem>> -> memref<32x64xi32, #tpu.memory_space<vmem>>
        %dma_start3A_202 = arith.constant 0 : i32
        %dma_start3A_203 = tpu.memref_slice %arg3[%add3A_196, %dma_start3A_202] : memref<10240x64xi32, #tpu.memory_space<hbm>> -> memref<32x64xi32, #tpu.memory_space<hbm>>
        %dma_start3A_204 = arith.constant 0 : i32
        %dma_start3A_205 = arith.constant 0 : i32
        %dma_start3A_206 = tpu.memref_slice %arg6[%sub3A_197, %dma_start3A_204, %dma_start3A_205] : memref<2x32x64xi32, #tpu.memory_space<vmem>> -> memref<1x32x64xi32, #tpu.memory_space<vmem>>
        %dma_start3A_207 = tpu.memref_squeeze %dma_start3A_206 : memref<1x32x64xi32, #tpu.memory_space<vmem>> -> memref<32x64xi32, #tpu.memory_space<vmem>>
        %dma_start3A_208 = arith.constant 0 : i32
        %dma_start3A_209 = tpu.memref_slice %arg3[%add3A_196, %dma_start3A_208] : memref<10240x64xi32, #tpu.memory_space<hbm>> -> memref<32x64xi32, #tpu.memory_space<hbm>>
        tpu.enqueue_dma source(%dma_start3A_209 : memref<32x64xi32, #tpu.memory_space<hbm>>) target(%dma_start3A_207 : memref<32x64xi32, #tpu.memory_space<vmem>>) target_semaphore(%arg11 : memref<!tpu.dma_semaphore, #tpu.memory_space<semaphore_mem>>)
        %add3A_210 = arith.constant 32 : i32
        %add3A_211 = arith.addi %add3A_143, %add3A_210 : i32
        %sub3A_212 = arith.constant 1 : i32
        %sub3A_213 = arith.subi %sub3A_212, %rem3A_138 : i32
        %dma_start3A_214 = arith.constant 0 : i32
        %dma_start3A_215 = arith.constant 0 : i32
        %dma_start3A_216 = tpu.memref_slice %arg7[%sub3A_213, %dma_start3A_214, %dma_start3A_215] : memref<2x32x64xi32, #tpu.memory_space<vmem>> -> memref<1x32x64xi32, #tpu.memory_space<vmem>>
        %dma_start3A_217 = tpu.memref_squeeze %dma_start3A_216 : memref<1x32x64xi32, #tpu.memory_space<vmem>> -> memref<32x64xi32, #tpu.memory_space<vmem>>
        %dma_start3A_218 = arith.constant 0 : i32
        %dma_start3A_219 = tpu.memref_slice %arg4[%add3A_211, %dma_start3A_218] : memref<10240x64xi32, #tpu.memory_space<hbm>> -> memref<32x64xi32, #tpu.memory_space<hbm>>
        %dma_start3A_220 = arith.constant 0 : i32
        %dma_start3A_221 = arith.constant 0 : i32
        %dma_start3A_222 = tpu.memref_slice %arg7[%sub3A_213, %dma_start3A_220, %dma_start3A_221] : memref<2x32x64xi32, #tpu.memory_space<vmem>> -> memref<1x32x64xi32, #tpu.memory_space<vmem>>
        %dma_start3A_223 = tpu.memref_squeeze %dma_start3A_222 : memref<1x32x64xi32, #tpu.memory_space<vmem>> -> memref<32x64xi32, #tpu.memory_space<vmem>>
        %dma_start3A_224 = arith.constant 0 : i32
        %dma_start3A_225 = tpu.memref_slice %arg4[%add3A_211, %dma_start3A_224] : memref<10240x64xi32, #tpu.memory_space<hbm>> -> memref<32x64xi32, #tpu.memory_space<hbm>>
        tpu.enqueue_dma source(%dma_start3A_225 : memref<32x64xi32, #tpu.memory_space<hbm>>) target(%dma_start3A_223 : memref<32x64xi32, #tpu.memory_space<vmem>>) target_semaphore(%arg11 : memref<!tpu.dma_semaphore, #tpu.memory_space<semaphore_mem>>)
      } else {
      }
      %dma_start3A = arith.constant 0 : i32
      %dma_start3A_152 = arith.constant 0 : i32
      %dma_start3A_153 = arith.constant 0 : i32
      %dma_start3A_154 = arith.constant 0 : i32
      %dma_start3A_155 = tpu.memref_slice %arg8[%dma_start3A_152, %dma_start3A_153, %dma_start3A_154] : memref<4x64x128xf32, #tpu.memory_space<vmem>> -> memref<1x64x128xf32, #tpu.memory_space<vmem>>
      %dma_start3A_156 = tpu.memref_squeeze %dma_start3A_155 : memref<1x64x128xf32, #tpu.memory_space<vmem>> -> memref<64x128xf32, #tpu.memory_space<vmem>>
      %dma_start3A_157 = arith.constant 0 : i32
      %dma_start3A_158 = tpu.memref_slice %arg6[%rem3A_138, %dma_start3A, %dma_start3A_157] : memref<2x32x64xi32, #tpu.memory_space<vmem>> -> memref<1x1x64xi32, #tpu.memory_space<vmem>>
      %dma_start3A_159 = tpu.memref_squeeze %dma_start3A_158 : memref<1x1x64xi32, #tpu.memory_space<vmem>> -> memref<64xi32, #tpu.memory_space<vmem>>
      %dma_start3A_160 = arith.constant 0 : i32
      %dma_start3A_161 = arith.constant 0 : i32
      %dma_start3A_162 = tpu.memref_slice %arg2[%dma_start3A_160, %dma_start3A_161] : memref<20224x128xf32, #tpu.memory_space<hbm>> -> memref<20224x128xf32, #tpu.memory_space<hbm>>
      tpu.enqueue_indirect_dma source(%dma_start3A_162 : memref<20224x128xf32, #tpu.memory_space<hbm>>) target(%dma_start3A_156 : memref<64x128xf32, #tpu.memory_space<vmem>>) offsets(%dma_start3A_159 : memref<64xi32, #tpu.memory_space<vmem>>) semaphore(%arg10 : memref<!tpu.dma_semaphore, #tpu.memory_space<semaphore_mem>>)
      %dma_start3A_163 = arith.constant 1 : i32
      %dma_start3A_164 = arith.constant 1 : i32
      %dma_start3A_165 = arith.constant 0 : i32
      %dma_start3A_166 = arith.constant 0 : i32
      %dma_start3A_167 = tpu.memref_slice %arg8[%dma_start3A_164, %dma_start3A_165, %dma_start3A_166] : memref<4x64x128xf32, #tpu.memory_space<vmem>> -> memref<1x64x128xf32, #tpu.memory_space<vmem>>
      %dma_start3A_168 = tpu.memref_squeeze %dma_start3A_167 : memref<1x64x128xf32, #tpu.memory_space<vmem>> -> memref<64x128xf32, #tpu.memory_space<vmem>>
      %dma_start3A_169 = arith.constant 0 : i32
      %dma_start3A_170 = tpu.memref_slice %arg6[%rem3A_138, %dma_start3A_163, %dma_start3A_169] : memref<2x32x64xi32, #tpu.memory_space<vmem>> -> memref<1x1x64xi32, #tpu.memory_space<vmem>>
      %dma_start3A_171 = tpu.memref_squeeze %dma_start3A_170 : memref<1x1x64xi32, #tpu.memory_space<vmem>> -> memref<64xi32, #tpu.memory_space<vmem>>
      %dma_start3A_172 = arith.constant 0 : i32
      %dma_start3A_173 = arith.constant 0 : i32
      %dma_start3A_174 = tpu.memref_slice %arg2[%dma_start3A_172, %dma_start3A_173] : memref<20224x128xf32, #tpu.memory_space<hbm>> -> memref<20224x128xf32, #tpu.memory_space<hbm>>
      tpu.enqueue_indirect_dma source(%dma_start3A_174 : memref<20224x128xf32, #tpu.memory_space<hbm>>) target(%dma_start3A_168 : memref<64x128xf32, #tpu.memory_space<vmem>>) offsets(%dma_start3A_171 : memref<64xi32, #tpu.memory_space<vmem>>) semaphore(%arg10 : memref<!tpu.dma_semaphore, #tpu.memory_space<semaphore_mem>>)
      %dma_start3A_175 = arith.constant 2 : i32
      %dma_start3A_176 = arith.constant 2 : i32
      %dma_start3A_177 = arith.constant 0 : i32
      %dma_start3A_178 = arith.constant 0 : i32
      %dma_start3A_179 = tpu.memref_slice %arg8[%dma_start3A_176, %dma_start3A_177, %dma_start3A_178] : memref<4x64x128xf32, #tpu.memory_space<vmem>> -> memref<1x64x128xf32, #tpu.memory_space<vmem>>
      %dma_start3A_180 = tpu.memref_squeeze %dma_start3A_179 : memref<1x64x128xf32, #tpu.memory_space<vmem>> -> memref<64x128xf32, #tpu.memory_space<vmem>>
      %dma_start3A_181 = arith.constant 0 : i32
      %dma_start3A_182 = tpu.memref_slice %arg6[%rem3A_138, %dma_start3A_175, %dma_start3A_181] : memref<2x32x64xi32, #tpu.memory_space<vmem>> -> memref<1x1x64xi32, #tpu.memory_space<vmem>>
      %dma_start3A_183 = tpu.memref_squeeze %dma_start3A_182 : memref<1x1x64xi32, #tpu.memory_space<vmem>> -> memref<64xi32, #tpu.memory_space<vmem>>
      %dma_start3A_184 = arith.constant 0 : i32
      %dma_start3A_185 = arith.constant 0 : i32
      %dma_start3A_186 = tpu.memref_slice %arg2[%dma_start3A_184, %dma_start3A_185] : memref<20224x128xf32, #tpu.memory_space<hbm>> -> memref<20224x128xf32, #tpu.memory_space<hbm>>
      tpu.enqueue_indirect_dma source(%dma_start3A_186 : memref<20224x128xf32, #tpu.memory_space<hbm>>) target(%dma_start3A_180 : memref<64x128xf32, #tpu.memory_space<vmem>>) offsets(%dma_start3A_183 : memref<64xi32, #tpu.memory_space<vmem>>) semaphore(%arg10 : memref<!tpu.dma_semaphore, #tpu.memory_space<semaphore_mem>>)
      %scan3A_187 = arith.constant 0 : i32
      %scan3A_188 = arith.constant 0 : i32
      %scan3A_189 = arith.constant 32 : i32
      %scan3A_190 = arith.addi %scan3A_188, %scan3A_189 : i32
      %scan3A_191 = arith.constant 1 : i32
      %scan3A_192 = scf.for %scan3A_195 = %scan3A_188 to %scan3A_190 step %scan3A_191 iter_args(%scan3A_196 = %scan3A_187) -> (i32)  : i32 {
        %rem3A_197 = arith.constant 4 : i32
        %rem3A_198 = arith.remsi %scan3A_195, %rem3A_197 : i32
        %dma_wait3A = arith.constant 0 : i32
        %dma_wait3A_199 = arith.constant 0 : i32
        %dma_wait3A_200 = tpu.memref_slice %arg8[%rem3A_198, %dma_wait3A, %dma_wait3A_199] : memref<4x64x128xf32, #tpu.memory_space<vmem>> -> memref<1x64x128xf32, #tpu.memory_space<vmem>>
        %dma_wait3A_201 = tpu.memref_squeeze %dma_wait3A_200 : memref<1x64x128xf32, #tpu.memory_space<vmem>> -> memref<64x128xf32, #tpu.memory_space<vmem>>
        %dma_wait3A_202 = arith.constant 0 : i32
        %dma_wait3A_203 = arith.constant 0 : i32
        %dma_wait3A_204 = tpu.memref_slice %arg2[%dma_wait3A_202, %dma_wait3A_203] : memref<20224x128xf32, #tpu.memory_space<hbm>> -> memref<64x128xf32, #tpu.memory_space<hbm>>
        %dma_wait3A_205 = arith.constant 0 : i32
        %dma_wait3A_206 = arith.constant 0 : i32
        %dma_wait3A_207 = tpu.memref_slice %arg8[%rem3A_198, %dma_wait3A_205, %dma_wait3A_206] : memref<4x64x128xf32, #tpu.memory_space<vmem>> -> memref<1x64x128xf32, #tpu.memory_space<vmem>>
        %dma_wait3A_208 = tpu.memref_squeeze %dma_wait3A_207 : memref<1x64x128xf32, #tpu.memory_space<vmem>> -> memref<64x128xf32, #tpu.memory_space<vmem>>
        %dma_wait3A_209 = arith.constant 0 : i32
        %dma_wait3A_210 = arith.constant 0 : i32
        %dma_wait3A_211 = tpu.memref_slice %arg2[%dma_wait3A_209, %dma_wait3A_210] : memref<20224x128xf32, #tpu.memory_space<hbm>> -> memref<64x128xf32, #tpu.memory_space<hbm>>
        tpu.wait_dma2 semaphore(%arg10 : memref<!tpu.dma_semaphore, #tpu.memory_space<semaphore_mem>>) src(%dma_wait3A_211 : memref<64x128xf32, #tpu.memory_space<hbm>>) dst(%dma_wait3A_208 : memref<64x128xf32, #tpu.memory_space<vmem>>)
        "tpu.region"() ({
          %run_scoped3A_220 = tpu.sem_alloc : memref<!tpu.dma_semaphore, #tpu.memory_space<semaphore_mem>>
          %dma_start3A_221 = arith.constant 0 : i32
          %dma_start3A_222 = arith.constant 0 : i32
          %dma_start3A_223 = tpu.memref_slice %arg8[%rem3A_198, %dma_start3A_221, %dma_start3A_222] : memref<4x64x128xf32, #tpu.memory_space<vmem>> -> memref<1x64x128xf32, #tpu.memory_space<vmem>>
          %dma_start3A_224 = tpu.memref_squeeze %dma_start3A_223 : memref<1x64x128xf32, #tpu.memory_space<vmem>> -> memref<64x128xf32, #tpu.memory_space<vmem>>
          %dma_start3A_225 = arith.constant 0 : i32
          %dma_start3A_226 = tpu.memref_slice %arg7[%rem3A_138, %scan3A_195, %dma_start3A_225] : memref<2x32x64xi32, #tpu.memory_space<vmem>> -> memref<1x1x64xi32, #tpu.memory_space<vmem>>
          %dma_start3A_227 = tpu.memref_squeeze %dma_start3A_226 : memref<1x1x64xi32, #tpu.memory_space<vmem>> -> memref<64xi32, #tpu.memory_space<vmem>>
          %dma_start3A_228 = arith.constant 0 : i32
          %dma_start3A_229 = arith.constant 0 : i32
          %dma_start3A_230 = tpu.memref_slice %arg9[%dma_start3A_228, %dma_start3A_229] : memref<10112x128xf32, #tpu.memory_space<vmem_shared>> -> memref<10112x128xf32, #tpu.memory_space<vmem_shared>>
          tpu.enqueue_indirect_dma source(%dma_start3A_224 : memref<64x128xf32, #tpu.memory_space<vmem>>) target(%dma_start3A_230 : memref<10112x128xf32, #tpu.memory_space<vmem_shared>>) offsets(%dma_start3A_227 : memref<64xi32, #tpu.memory_space<vmem>>) semaphore(%run_scoped3A_220 : memref<!tpu.dma_semaphore, #tpu.memory_space<semaphore_mem>>) {add = true}
          %dma_wait3A_231 = arith.constant 0 : i32
          %dma_wait3A_232 = arith.constant 0 : i32
          %dma_wait3A_233 = tpu.memref_slice %arg8[%rem3A_198, %dma_wait3A_231, %dma_wait3A_232] : memref<4x64x128xf32, #tpu.memory_space<vmem>> -> memref<1x64x128xf32, #tpu.memory_space<vmem>>
          %dma_wait3A_234 = tpu.memref_squeeze %dma_wait3A_233 : memref<1x64x128xf32, #tpu.memory_space<vmem>> -> memref<64x128xf32, #tpu.memory_space<vmem>>
          %dma_wait3A_235 = arith.constant 0 : i32
          %dma_wait3A_236 = tpu.memref_slice %arg7[%rem3A_138, %scan3A_195, %dma_wait3A_235] : memref<2x32x64xi32, #tpu.memory_space<vmem>> -> memref<1x1x64xi32, #tpu.memory_space<vmem>>
          %dma_wait3A_237 = tpu.memref_squeeze %dma_wait3A_236 : memref<1x1x64xi32, #tpu.memory_space<vmem>> -> memref<64xi32, #tpu.memory_space<vmem>>
          %dma_wait3A_238 = arith.constant 0 : i32
          %dma_wait3A_239 = arith.constant 0 : i32
          %dma_wait3A_240 = tpu.memref_slice %arg9[%dma_wait3A_238, %dma_wait3A_239] : memref<10112x128xf32, #tpu.memory_space<vmem_shared>> -> memref<10112x128xf32, #tpu.memory_space<vmem_shared>>
          tpu.wait_indirect_dma semaphore(%run_scoped3A_220 : memref<!tpu.dma_semaphore, #tpu.memory_space<semaphore_mem>>) src(%dma_wait3A_234 : memref<64x128xf32, #tpu.memory_space<vmem>>) dst(%dma_wait3A_240 : memref<10112x128xf32, #tpu.memory_space<vmem_shared>>)
          tpu.yield
        }) : () -> ()
        %add3A_212 = arith.constant 3 : i32
        %add3A_213 = arith.addi %scan3A_195, %add3A_212 : i32
        %lt3A_214 = arith.constant 32 : i32
        %lt3A_215 = arith.cmpi slt, %add3A_213, %lt3A_214 : i32
        %convert_element_type3A_216 = arith.extui %lt3A_215 : i1 to i32
        %cond3A_217 = arith.constant 0 : i32
        %cond3A_218 = arith.cmpi ne, %convert_element_type3A_216, %cond3A_217 : i32
        scf.if %cond3A_218 {
          %add3A_220 = arith.constant 3 : i32
          %add3A_221 = arith.addi %scan3A_195, %add3A_220 : i32
          %add3A_222 = arith.constant 3 : i32
          %add3A_223 = arith.addi %scan3A_195, %add3A_222 : i32
          %rem3A_224 = arith.constant 4 : i32
          %rem3A_225 = arith.remsi %add3A_223, %rem3A_224 : i32
          %dma_start3A_226 = arith.constant 0 : i32
          %dma_start3A_227 = arith.constant 0 : i32
          %dma_start3A_228 = tpu.memref_slice %arg8[%rem3A_225, %dma_start3A_226, %dma_start3A_227] : memref<4x64x128xf32, #tpu.memory_space<vmem>> -> memref<1x64x128xf32, #tpu.memory_space<vmem>>
          %dma_start3A_229 = tpu.memref_squeeze %dma_start3A_228 : memref<1x64x128xf32, #tpu.memory_space<vmem>> -> memref<64x128xf32, #tpu.memory_space<vmem>>
          %dma_start3A_230 = arith.constant 0 : i32
          %dma_start3A_231 = tpu.memref_slice %arg6[%rem3A_138, %add3A_221, %dma_start3A_230] : memref<2x32x64xi32, #tpu.memory_space<vmem>> -> memref<1x1x64xi32, #tpu.memory_space<vmem>>
          %dma_start3A_232 = tpu.memref_squeeze %dma_start3A_231 : memref<1x1x64xi32, #tpu.memory_space<vmem>> -> memref<64xi32, #tpu.memory_space<vmem>>
          %dma_start3A_233 = arith.constant 0 : i32
          %dma_start3A_234 = arith.constant 0 : i32
          %dma_start3A_235 = tpu.memref_slice %arg2[%dma_start3A_233, %dma_start3A_234] : memref<20224x128xf32, #tpu.memory_space<hbm>> -> memref<20224x128xf32, #tpu.memory_space<hbm>>
          tpu.enqueue_indirect_dma source(%dma_start3A_235 : memref<20224x128xf32, #tpu.memory_space<hbm>>) target(%dma_start3A_229 : memref<64x128xf32, #tpu.memory_space<vmem>>) offsets(%dma_start3A_232 : memref<64xi32, #tpu.memory_space<vmem>>) semaphore(%arg10 : memref<!tpu.dma_semaphore, #tpu.memory_space<semaphore_mem>>)
        } else {
        }
        %scan3A_219 = arith.constant 0 : i32
        scf.yield %scan3A_219 : i32
      }
      %scan3A_193 = arith.constant 32 : i32
      %scan3A_194 = arith.constant 0 : i32
      scf.yield %scan3A_194 : i32
    }
    %scan3A_69 = arith.constant 10 : i32
    %barrier3A_70 = arith.constant 0 : index
    tpu.barrier barrier_id(%barrier3A_70)
    %mul3A_71 = arith.constant 10112 : i32
    %mul3A_72 = arith.muli %arg0, %mul3A_71 : i32
    %mul3A_73 = arith.constant 632 : i32
    %mul3A_74 = arith.muli %arg1, %mul3A_73 : i32
    %add3A_75 = arith.addi %mul3A_72, %mul3A_74 : i32
    %mul3A_76 = arith.constant 632 : i32
    %mul3A_77 = arith.muli %arg1, %mul3A_76 : i32
    %add3A_78 = arith.constant 0 : i32
    %add3A_79 = arith.addi %mul3A_77, %add3A_78 : i32
    %add3A_80 = arith.constant 0 : i32
    %add3A_81 = arith.addi %add3A_75, %add3A_80 : i32
    "tpu.region"() ({
      %run_scoped3A_136 = tpu.sem_alloc : memref<!tpu.dma_semaphore, #tpu.memory_space<semaphore_mem>>
      %dma_start3A = arith.constant 0 : i32
      %dma_start3A_137 = tpu.memref_slice %arg5[%add3A_81, %dma_start3A] : memref<20224x128xf32, #tpu.memory_space<hbm>> -> memref<64x128xf32, #tpu.memory_space<hbm>>
      %dma_start3A_138 = arith.constant 0 : i32
      %dma_start3A_139 = tpu.memref_slice %arg9[%add3A_79, %dma_start3A_138] : memref<10112x128xf32, #tpu.memory_space<vmem_shared>> -> memref<64x128xf32, #tpu.memory_space<vmem_shared>>
      tpu.enqueue_dma source(%dma_start3A_139 : memref<64x128xf32, #tpu.memory_space<vmem_shared>>) target(%dma_start3A_137 : memref<64x128xf32, #tpu.memory_space<hbm>>) target_semaphore(%run_scoped3A_136 : memref<!tpu.dma_semaphore, #tpu.memory_space<semaphore_mem>>)
      %dma_wait3A = arith.constant 0 : i32
      %dma_wait3A_140 = tpu.memref_slice %arg5[%add3A_81, %dma_wait3A] : memref<20224x128xf32, #tpu.memory_space<hbm>> -> memref<64x128xf32, #tpu.memory_space<hbm>>
      %dma_wait3A_141 = arith.constant 0 : i32
      %dma_wait3A_142 = tpu.memref_slice %arg9[%add3A_79, %dma_wait3A_141] : memref<10112x128xf32, #tpu.memory_space<vmem_shared>> -> memref<64x128xf32, #tpu.memory_space<vmem_shared>>
      tpu.wait_dma2 semaphore(%run_scoped3A_136 : memref<!tpu.dma_semaphore, #tpu.memory_space<semaphore_mem>>) src(%dma_wait3A_142 : memref<64x128xf32, #tpu.memory_space<vmem_shared>>) dst(%dma_wait3A_140 : memref<64x128xf32, #tpu.memory_space<hbm>>)
      tpu.yield
    }) : () -> ()
    %mul3A_82 = arith.constant 632 : i32
    %mul3A_83 = arith.muli %arg1, %mul3A_82 : i32
    %add3A_84 = arith.constant 64 : i32
    %add3A_85 = arith.addi %mul3A_83, %add3A_84 : i32
    %add3A_86 = arith.constant 64 : i32
    %add3A_87 = arith.addi %add3A_75, %add3A_86 : i32
    "tpu.region"() ({
      %run_scoped3A_136 = tpu.sem_alloc : memref<!tpu.dma_semaphore, #tpu.memory_space<semaphore_mem>>
      %dma_start3A = arith.constant 0 : i32
      %dma_start3A_137 = tpu.memref_slice %arg5[%add3A_87, %dma_start3A] : memref<20224x128xf32, #tpu.memory_space<hbm>> -> memref<64x128xf32, #tpu.memory_space<hbm>>
      %dma_start3A_138 = arith.constant 0 : i32
      %dma_start3A_139 = tpu.memref_slice %arg9[%add3A_85, %dma_start3A_138] : memref<10112x128xf32, #tpu.memory_space<vmem_shared>> -> memref<64x128xf32, #tpu.memory_space<vmem_shared>>
      tpu.enqueue_dma source(%dma_start3A_139 : memref<64x128xf32, #tpu.memory_space<vmem_shared>>) target(%dma_start3A_137 : memref<64x128xf32, #tpu.memory_space<hbm>>) target_semaphore(%run_scoped3A_136 : memref<!tpu.dma_semaphore, #tpu.memory_space<semaphore_mem>>)
      %dma_wait3A = arith.constant 0 : i32
      %dma_wait3A_140 = tpu.memref_slice %arg5[%add3A_87, %dma_wait3A] : memref<20224x128xf32, #tpu.memory_space<hbm>> -> memref<64x128xf32, #tpu.memory_space<hbm>>
      %dma_wait3A_141 = arith.constant 0 : i32
      %dma_wait3A_142 = tpu.memref_slice %arg9[%add3A_85, %dma_wait3A_141] : memref<10112x128xf32, #tpu.memory_space<vmem_shared>> -> memref<64x128xf32, #tpu.memory_space<vmem_shared>>
      tpu.wait_dma2 semaphore(%run_scoped3A_136 : memref<!tpu.dma_semaphore, #tpu.memory_space<semaphore_mem>>) src(%dma_wait3A_142 : memref<64x128xf32, #tpu.memory_space<vmem_shared>>) dst(%dma_wait3A_140 : memref<64x128xf32, #tpu.memory_space<hbm>>)
      tpu.yield
    }) : () -> ()
    %mul3A_88 = arith.constant 632 : i32
    %mul3A_89 = arith.muli %arg1, %mul3A_88 : i32
    %add3A_90 = arith.constant 128 : i32
    %add3A_91 = arith.addi %mul3A_89, %add3A_90 : i32
    %add3A_92 = arith.constant 128 : i32
    %add3A_93 = arith.addi %add3A_75, %add3A_92 : i32
    "tpu.region"() ({
      %run_scoped3A_136 = tpu.sem_alloc : memref<!tpu.dma_semaphore, #tpu.memory_space<semaphore_mem>>
      %dma_start3A = arith.constant 0 : i32
      %dma_start3A_137 = tpu.memref_slice %arg5[%add3A_93, %dma_start3A] : memref<20224x128xf32, #tpu.memory_space<hbm>> -> memref<64x128xf32, #tpu.memory_space<hbm>>
      %dma_start3A_138 = arith.constant 0 : i32
      %dma_start3A_139 = tpu.memref_slice %arg9[%add3A_91, %dma_start3A_138] : memref<10112x128xf32, #tpu.memory_space<vmem_shared>> -> memref<64x128xf32, #tpu.memory_space<vmem_shared>>
      tpu.enqueue_dma source(%dma_start3A_139 : memref<64x128xf32, #tpu.memory_space<vmem_shared>>) target(%dma_start3A_137 : memref<64x128xf32, #tpu.memory_space<hbm>>) target_semaphore(%run_scoped3A_136 : memref<!tpu.dma_semaphore, #tpu.memory_space<semaphore_mem>>)
      %dma_wait3A = arith.constant 0 : i32
      %dma_wait3A_140 = tpu.memref_slice %arg5[%add3A_93, %dma_wait3A] : memref<20224x128xf32, #tpu.memory_space<hbm>> -> memref<64x128xf32, #tpu.memory_space<hbm>>
      %dma_wait3A_141 = arith.constant 0 : i32
      %dma_wait3A_142 = tpu.memref_slice %arg9[%add3A_91, %dma_wait3A_141] : memref<10112x128xf32, #tpu.memory_space<vmem_shared>> -> memref<64x128xf32, #tpu.memory_space<vmem_shared>>
      tpu.wait_dma2 semaphore(%run_scoped3A_136 : memref<!tpu.dma_semaphore, #tpu.memory_space<semaphore_mem>>) src(%dma_wait3A_142 : memref<64x128xf32, #tpu.memory_space<vmem_shared>>) dst(%dma_wait3A_140 : memref<64x128xf32, #tpu.memory_space<hbm>>)
      tpu.yield
    }) : () -> ()
    %mul3A_94 = arith.constant 632 : i32
    %mul3A_95 = arith.muli %arg1, %mul3A_94 : i32
    %add3A_96 = arith.constant 192 : i32
    %add3A_97 = arith.addi %mul3A_95, %add3A_96 : i32
    %add3A_98 = arith.constant 192 : i32
    %add3A_99 = arith.addi %add3A_75, %add3A_98 : i32
    "tpu.region"() ({
      %run_scoped3A_136 = tpu.sem_alloc : memref<!tpu.dma_semaphore, #tpu.memory_space<semaphore_mem>>
      %dma_start3A = arith.constant 0 : i32
      %dma_start3A_137 = tpu.memref_slice %arg5[%add3A_99, %dma_start3A] : memref<20224x128xf32, #tpu.memory_space<hbm>> -> memref<64x128xf32, #tpu.memory_space<hbm>>
      %dma_start3A_138 = arith.constant 0 : i32
      %dma_start3A_139 = tpu.memref_slice %arg9[%add3A_97, %dma_start3A_138] : memref<10112x128xf32, #tpu.memory_space<vmem_shared>> -> memref<64x128xf32, #tpu.memory_space<vmem_shared>>
      tpu.enqueue_dma source(%dma_start3A_139 : memref<64x128xf32, #tpu.memory_space<vmem_shared>>) target(%dma_start3A_137 : memref<64x128xf32, #tpu.memory_space<hbm>>) target_semaphore(%run_scoped3A_136 : memref<!tpu.dma_semaphore, #tpu.memory_space<semaphore_mem>>)
      %dma_wait3A = arith.constant 0 : i32
      %dma_wait3A_140 = tpu.memref_slice %arg5[%add3A_99, %dma_wait3A] : memref<20224x128xf32, #tpu.memory_space<hbm>> -> memref<64x128xf32, #tpu.memory_space<hbm>>
      %dma_wait3A_141 = arith.constant 0 : i32
      %dma_wait3A_142 = tpu.memref_slice %arg9[%add3A_97, %dma_wait3A_141] : memref<10112x128xf32, #tpu.memory_space<vmem_shared>> -> memref<64x128xf32, #tpu.memory_space<vmem_shared>>
      tpu.wait_dma2 semaphore(%run_scoped3A_136 : memref<!tpu.dma_semaphore, #tpu.memory_space<semaphore_mem>>) src(%dma_wait3A_142 : memref<64x128xf32, #tpu.memory_space<vmem_shared>>) dst(%dma_wait3A_140 : memref<64x128xf32, #tpu.memory_space<hbm>>)
      tpu.yield
    }) : () -> ()
    %mul3A_100 = arith.constant 632 : i32
    %mul3A_101 = arith.muli %arg1, %mul3A_100 : i32
    %add3A_102 = arith.constant 256 : i32
    %add3A_103 = arith.addi %mul3A_101, %add3A_102 : i32
    %add3A_104 = arith.constant 256 : i32
    %add3A_105 = arith.addi %add3A_75, %add3A_104 : i32
    "tpu.region"() ({
      %run_scoped3A_136 = tpu.sem_alloc : memref<!tpu.dma_semaphore, #tpu.memory_space<semaphore_mem>>
      %dma_start3A = arith.constant 0 : i32
      %dma_start3A_137 = tpu.memref_slice %arg5[%add3A_105, %dma_start3A] : memref<20224x128xf32, #tpu.memory_space<hbm>> -> memref<64x128xf32, #tpu.memory_space<hbm>>
      %dma_start3A_138 = arith.constant 0 : i32
      %dma_start3A_139 = tpu.memref_slice %arg9[%add3A_103, %dma_start3A_138] : memref<10112x128xf32, #tpu.memory_space<vmem_shared>> -> memref<64x128xf32, #tpu.memory_space<vmem_shared>>
      tpu.enqueue_dma source(%dma_start3A_139 : memref<64x128xf32, #tpu.memory_space<vmem_shared>>) target(%dma_start3A_137 : memref<64x128xf32, #tpu.memory_space<hbm>>) target_semaphore(%run_scoped3A_136 : memref<!tpu.dma_semaphore, #tpu.memory_space<semaphore_mem>>)
      %dma_wait3A = arith.constant 0 : i32
      %dma_wait3A_140 = tpu.memref_slice %arg5[%add3A_105, %dma_wait3A] : memref<20224x128xf32, #tpu.memory_space<hbm>> -> memref<64x128xf32, #tpu.memory_space<hbm>>
      %dma_wait3A_141 = arith.constant 0 : i32
      %dma_wait3A_142 = tpu.memref_slice %arg9[%add3A_103, %dma_wait3A_141] : memref<10112x128xf32, #tpu.memory_space<vmem_shared>> -> memref<64x128xf32, #tpu.memory_space<vmem_shared>>
      tpu.wait_dma2 semaphore(%run_scoped3A_136 : memref<!tpu.dma_semaphore, #tpu.memory_space<semaphore_mem>>) src(%dma_wait3A_142 : memref<64x128xf32, #tpu.memory_space<vmem_shared>>) dst(%dma_wait3A_140 : memref<64x128xf32, #tpu.memory_space<hbm>>)
      tpu.yield
    }) : () -> ()
    %mul3A_106 = arith.constant 632 : i32
    %mul3A_107 = arith.muli %arg1, %mul3A_106 : i32
    %add3A_108 = arith.constant 320 : i32
    %add3A_109 = arith.addi %mul3A_107, %add3A_108 : i32
    %add3A_110 = arith.constant 320 : i32
    %add3A_111 = arith.addi %add3A_75, %add3A_110 : i32
    "tpu.region"() ({
      %run_scoped3A_136 = tpu.sem_alloc : memref<!tpu.dma_semaphore, #tpu.memory_space<semaphore_mem>>
      %dma_start3A = arith.constant 0 : i32
      %dma_start3A_137 = tpu.memref_slice %arg5[%add3A_111, %dma_start3A] : memref<20224x128xf32, #tpu.memory_space<hbm>> -> memref<64x128xf32, #tpu.memory_space<hbm>>
      %dma_start3A_138 = arith.constant 0 : i32
      %dma_start3A_139 = tpu.memref_slice %arg9[%add3A_109, %dma_start3A_138] : memref<10112x128xf32, #tpu.memory_space<vmem_shared>> -> memref<64x128xf32, #tpu.memory_space<vmem_shared>>
      tpu.enqueue_dma source(%dma_start3A_139 : memref<64x128xf32, #tpu.memory_space<vmem_shared>>) target(%dma_start3A_137 : memref<64x128xf32, #tpu.memory_space<hbm>>) target_semaphore(%run_scoped3A_136 : memref<!tpu.dma_semaphore, #tpu.memory_space<semaphore_mem>>)
      %dma_wait3A = arith.constant 0 : i32
      %dma_wait3A_140 = tpu.memref_slice %arg5[%add3A_111, %dma_wait3A] : memref<20224x128xf32, #tpu.memory_space<hbm>> -> memref<64x128xf32, #tpu.memory_space<hbm>>
      %dma_wait3A_141 = arith.constant 0 : i32
      %dma_wait3A_142 = tpu.memref_slice %arg9[%add3A_109, %dma_wait3A_141] : memref<10112x128xf32, #tpu.memory_space<vmem_shared>> -> memref<64x128xf32, #tpu.memory_space<vmem_shared>>
      tpu.wait_dma2 semaphore(%run_scoped3A_136 : memref<!tpu.dma_semaphore, #tpu.memory_space<semaphore_mem>>) src(%dma_wait3A_142 : memref<64x128xf32, #tpu.memory_space<vmem_shared>>) dst(%dma_wait3A_140 : memref<64x128xf32, #tpu.memory_space<hbm>>)
      tpu.yield
    }) : () -> ()
    %mul3A_112 = arith.constant 632 : i32
    %mul3A_113 = arith.muli %arg1, %mul3A_112 : i32
    %add3A_114 = arith.constant 384 : i32
    %add3A_115 = arith.addi %mul3A_113, %add3A_114 : i32
    %add3A_116 = arith.constant 384 : i32
    %add3A_117 = arith.addi %add3A_75, %add3A_116 : i32
    "tpu.region"() ({
      %run_scoped3A_136 = tpu.sem_alloc : memref<!tpu.dma_semaphore, #tpu.memory_space<semaphore_mem>>
      %dma_start3A = arith.constant 0 : i32
      %dma_start3A_137 = tpu.memref_slice %arg5[%add3A_117, %dma_start3A] : memref<20224x128xf32, #tpu.memory_space<hbm>> -> memref<64x128xf32, #tpu.memory_space<hbm>>
      %dma_start3A_138 = arith.constant 0 : i32
      %dma_start3A_139 = tpu.memref_slice %arg9[%add3A_115, %dma_start3A_138] : memref<10112x128xf32, #tpu.memory_space<vmem_shared>> -> memref<64x128xf32, #tpu.memory_space<vmem_shared>>
      tpu.enqueue_dma source(%dma_start3A_139 : memref<64x128xf32, #tpu.memory_space<vmem_shared>>) target(%dma_start3A_137 : memref<64x128xf32, #tpu.memory_space<hbm>>) target_semaphore(%run_scoped3A_136 : memref<!tpu.dma_semaphore, #tpu.memory_space<semaphore_mem>>)
      %dma_wait3A = arith.constant 0 : i32
      %dma_wait3A_140 = tpu.memref_slice %arg5[%add3A_117, %dma_wait3A] : memref<20224x128xf32, #tpu.memory_space<hbm>> -> memref<64x128xf32, #tpu.memory_space<hbm>>
      %dma_wait3A_141 = arith.constant 0 : i32
      %dma_wait3A_142 = tpu.memref_slice %arg9[%add3A_115, %dma_wait3A_141] : memref<10112x128xf32, #tpu.memory_space<vmem_shared>> -> memref<64x128xf32, #tpu.memory_space<vmem_shared>>
      tpu.wait_dma2 semaphore(%run_scoped3A_136 : memref<!tpu.dma_semaphore, #tpu.memory_space<semaphore_mem>>) src(%dma_wait3A_142 : memref<64x128xf32, #tpu.memory_space<vmem_shared>>) dst(%dma_wait3A_140 : memref<64x128xf32, #tpu.memory_space<hbm>>)
      tpu.yield
    }) : () -> ()
    %mul3A_118 = arith.constant 632 : i32
    %mul3A_119 = arith.muli %arg1, %mul3A_118 : i32
    %add3A_120 = arith.constant 448 : i32
    %add3A_121 = arith.addi %mul3A_119, %add3A_120 : i32
    %add3A_122 = arith.constant 448 : i32
    %add3A_123 = arith.addi %add3A_75, %add3A_122 : i32
    "tpu.region"() ({
      %run_scoped3A_136 = tpu.sem_alloc : memref<!tpu.dma_semaphore, #tpu.memory_space<semaphore_mem>>
      %dma_start3A = arith.constant 0 : i32
      %dma_start3A_137 = tpu.memref_slice %arg5[%add3A_123, %dma_start3A] : memref<20224x128xf32, #tpu.memory_space<hbm>> -> memref<64x128xf32, #tpu.memory_space<hbm>>
      %dma_start3A_138 = arith.constant 0 : i32
      %dma_start3A_139 = tpu.memref_slice %arg9[%add3A_121, %dma_start3A_138] : memref<10112x128xf32, #tpu.memory_space<vmem_shared>> -> memref<64x128xf32, #tpu.memory_space<vmem_shared>>
      tpu.enqueue_dma source(%dma_start3A_139 : memref<64x128xf32, #tpu.memory_space<vmem_shared>>) target(%dma_start3A_137 : memref<64x128xf32, #tpu.memory_space<hbm>>) target_semaphore(%run_scoped3A_136 : memref<!tpu.dma_semaphore, #tpu.memory_space<semaphore_mem>>)
      %dma_wait3A = arith.constant 0 : i32
      %dma_wait3A_140 = tpu.memref_slice %arg5[%add3A_123, %dma_wait3A] : memref<20224x128xf32, #tpu.memory_space<hbm>> -> memref<64x128xf32, #tpu.memory_space<hbm>>
      %dma_wait3A_141 = arith.constant 0 : i32
      %dma_wait3A_142 = tpu.memref_slice %arg9[%add3A_121, %dma_wait3A_141] : memref<10112x128xf32, #tpu.memory_space<vmem_shared>> -> memref<64x128xf32, #tpu.memory_space<vmem_shared>>
      tpu.wait_dma2 semaphore(%run_scoped3A_136 : memref<!tpu.dma_semaphore, #tpu.memory_space<semaphore_mem>>) src(%dma_wait3A_142 : memref<64x128xf32, #tpu.memory_space<vmem_shared>>) dst(%dma_wait3A_140 : memref<64x128xf32, #tpu.memory_space<hbm>>)
      tpu.yield
    }) : () -> ()
    %mul3A_124 = arith.constant 632 : i32
    %mul3A_125 = arith.muli %arg1, %mul3A_124 : i32
    %add3A_126 = arith.constant 512 : i32
    %add3A_127 = arith.addi %mul3A_125, %add3A_126 : i32
    %add3A_128 = arith.constant 512 : i32
    %add3A_129 = arith.addi %add3A_75, %add3A_128 : i32
    "tpu.region"() ({
      %run_scoped3A_136 = tpu.sem_alloc : memref<!tpu.dma_semaphore, #tpu.memory_space<semaphore_mem>>
      %dma_start3A = arith.constant 0 : i32
      %dma_start3A_137 = tpu.memref_slice %arg5[%add3A_129, %dma_start3A] : memref<20224x128xf32, #tpu.memory_space<hbm>> -> memref<64x128xf32, #tpu.memory_space<hbm>>
      %dma_start3A_138 = arith.constant 0 : i32
      %dma_start3A_139 = tpu.memref_slice %arg9[%add3A_127, %dma_start3A_138] : memref<10112x128xf32, #tpu.memory_space<vmem_shared>> -> memref<64x128xf32, #tpu.memory_space<vmem_shared>>
      tpu.enqueue_dma source(%dma_start3A_139 : memref<64x128xf32, #tpu.memory_space<vmem_shared>>) target(%dma_start3A_137 : memref<64x128xf32, #tpu.memory_space<hbm>>) target_semaphore(%run_scoped3A_136 : memref<!tpu.dma_semaphore, #tpu.memory_space<semaphore_mem>>)
      %dma_wait3A = arith.constant 0 : i32
      %dma_wait3A_140 = tpu.memref_slice %arg5[%add3A_129, %dma_wait3A] : memref<20224x128xf32, #tpu.memory_space<hbm>> -> memref<64x128xf32, #tpu.memory_space<hbm>>
      %dma_wait3A_141 = arith.constant 0 : i32
      %dma_wait3A_142 = tpu.memref_slice %arg9[%add3A_127, %dma_wait3A_141] : memref<10112x128xf32, #tpu.memory_space<vmem_shared>> -> memref<64x128xf32, #tpu.memory_space<vmem_shared>>
      tpu.wait_dma2 semaphore(%run_scoped3A_136 : memref<!tpu.dma_semaphore, #tpu.memory_space<semaphore_mem>>) src(%dma_wait3A_142 : memref<64x128xf32, #tpu.memory_space<vmem_shared>>) dst(%dma_wait3A_140 : memref<64x128xf32, #tpu.memory_space<hbm>>)
      tpu.yield
    }) : () -> ()
    %mul3A_130 = arith.constant 632 : i32
    %mul3A_131 = arith.muli %arg1, %mul3A_130 : i32
    %add3A_132 = arith.constant 576 : i32
    %add3A_133 = arith.addi %mul3A_131, %add3A_132 : i32
    %add3A_134 = arith.constant 576 : i32
    %add3A_135 = arith.addi %add3A_75, %add3A_134 : i32
    "tpu.region"() ({
      %run_scoped3A_136 = tpu.sem_alloc : memref<!tpu.dma_semaphore, #tpu.memory_space<semaphore_mem>>
      %dma_start3A = arith.constant 0 : i32
      %dma_start3A_137 = tpu.memref_slice %arg5[%add3A_135, %dma_start3A] : memref<20224x128xf32, #tpu.memory_space<hbm>> -> memref<56x128xf32, #tpu.memory_space<hbm>>
      %dma_start3A_138 = arith.constant 0 : i32
      %dma_start3A_139 = tpu.memref_slice %arg9[%add3A_133, %dma_start3A_138] : memref<10112x128xf32, #tpu.memory_space<vmem_shared>> -> memref<56x128xf32, #tpu.memory_space<vmem_shared>>
      tpu.enqueue_dma source(%dma_start3A_139 : memref<56x128xf32, #tpu.memory_space<vmem_shared>>) target(%dma_start3A_137 : memref<56x128xf32, #tpu.memory_space<hbm>>) target_semaphore(%run_scoped3A_136 : memref<!tpu.dma_semaphore, #tpu.memory_space<semaphore_mem>>)
      %dma_wait3A = arith.constant 0 : i32
      %dma_wait3A_140 = tpu.memref_slice %arg5[%add3A_135, %dma_wait3A] : memref<20224x128xf32, #tpu.memory_space<hbm>> -> memref<56x128xf32, #tpu.memory_space<hbm>>
      %dma_wait3A_141 = arith.constant 0 : i32
      %dma_wait3A_142 = tpu.memref_slice %arg9[%add3A_133, %dma_wait3A_141] : memref<10112x128xf32, #tpu.memory_space<vmem_shared>> -> memref<56x128xf32, #tpu.memory_space<vmem_shared>>
      tpu.wait_dma2 semaphore(%run_scoped3A_136 : memref<!tpu.dma_semaphore, #tpu.memory_space<semaphore_mem>>) src(%dma_wait3A_142 : memref<56x128xf32, #tpu.memory_space<vmem_shared>>) dst(%dma_wait3A_140 : memref<56x128xf32, #tpu.memory_space<hbm>>)
      tpu.yield
    }) : () -> ()
    return
  }
}

module attributes {stable_mosaic.version = 14 : i64} {
  func.func @_mm_scale_body(%arg0: i32, %arg1: i32, %arg2: memref<1x1264x128xf32, #tpu.memory_space<vmem>>, %arg3: memref<128x128xf32, #tpu.memory_space<vmem>>, %arg4: memref<1x1264x1xf32, #tpu.memory_space<vmem>>, %arg5: memref<1x1264x128xf32, #tpu.memory_space<vmem>>) attributes {dimension_semantics = [#tpu.dimension_semantics<arbitrary>, #tpu.dimension_semantics<arbitrary>], iteration_bounds = array<i64: 2, 8>, scalar_prefetch = 0 : i64, scratch_operands = 0 : i64, tpu.core_type = #tpu.core_type<tc>, window_params = [{transform_indices = @transform_0, window_bounds = array<i64: 1, 1264, 128>}, {pipeline_mode = #tpu.pipeline_mode<synchronous>, transform_indices = @transform_1, window_bounds = array<i64: 128, 128>}, {transform_indices = @transform_2, window_bounds = array<i64: 1, 1264, 1>}, {transform_indices = @transform_3, window_bounds = array<i64: 1, 1264, 128>}]} {
    %get3A = arith.constant 0 : index
    %get3A_0 = arith.constant 0 : index
    %get3A_1 = arith.constant 0 : index
    %get3A_2 = vector.load %arg4[%get3A, %get3A_0, %get3A_1] : memref<1x1264x1xf32, #tpu.memory_space<vmem>>, vector<1x1264x1xf32>
    %get3A_3 = vector.shape_cast %get3A_2 : vector<1x1264x1xf32> to vector<1264x1xf32>
    %iota3A = tpu.iota {dimensions = array<i32: 0>} : vector<1264x1xi32>
    %mul3A = arith.constant 1264 : i32
    %mul3A_4 = arith.muli %arg1, %mul3A : i32
    %add3A = vector.broadcast %mul3A_4 : i32 to vector<1264x1xi32>
    %add3A_5 = arith.addi %iota3A, %add3A : vector<1264x1xi32>
    %lt3A = arith.constant 10000 : i32
    %lt3A_6 = vector.broadcast %lt3A : i32 to vector<1264x1xi32>
    %lt3A_7 = arith.cmpi slt, %add3A_5, %lt3A_6 : vector<1264x1xi32>
    %add3A_8 = arith.constant 1.000000e+00 : f32
    %add3A_9 = vector.broadcast %add3A_8 : f32 to vector<1264x1xf32>
    %add3A_10 = arith.addf %get3A_3, %add3A_9 : vector<1264x1xf32>
    %rsqrt3A = math.rsqrt %add3A_10 : vector<1264x1xf32>
    %jit3A = arith.constant 0.000000e+00 : f32
    %broadcast_in_dim3A = vector.broadcast %jit3A : f32 to vector<1264x1xf32>
    %select_n3A = arith.select %lt3A_7, %rsqrt3A, %broadcast_in_dim3A : vector<1264x1xi1>, vector<1264x1xf32>
    %get3A_11 = arith.constant 0 : index
    %get3A_12 = arith.constant 0 : index
    %get3A_13 = arith.constant 0 : index
    %get3A_14 = vector.load %arg2[%get3A_11, %get3A_12, %get3A_13] : memref<1x1264x128xf32, #tpu.memory_space<vmem>>, vector<1x1264x128xf32>
    %get3A_15 = vector.shape_cast %get3A_14 : vector<1x1264x128xf32> to vector<1264x128xf32>
    %get3A_16 = arith.constant 0 : index
    %get3A_17 = arith.constant 0 : index
    %get3A_18 = vector.load %arg3[%get3A_16, %get3A_17] : memref<128x128xf32, #tpu.memory_space<vmem>>, vector<128x128xf32>
    %dot_general3A = arith.constant dense<0.000000e+00> : vector<1264x128xf32>
    %dot_general3A_19 = tpu.matmul %get3A_15, %get3A_18, %dot_general3A {dimension_numbers = #tpu.dot_dimension_numbers<[1], [0], [0], [1], [0, 0, 1, 1], [], []>, transpose_lhs_hint = false} : vector<1264x128xf32>, vector<128x128xf32>, vector<1264x128xf32> -> vector<1264x128xf32>
    %mul3A_20 = vector.broadcast %select_n3A : vector<1264x1xf32> to vector<1264x128xf32>
    %mul3A_21 = arith.mulf %dot_general3A_19, %mul3A_20 : vector<1264x128xf32>
    %swap3A = arith.constant 0 : index
    %swap3A_22 = arith.constant 0 : index
    %swap3A_23 = arith.constant 0 : index
    %swap3A_24 = vector.load %arg5[%swap3A, %swap3A_22, %swap3A_23] : memref<1x1264x128xf32, #tpu.memory_space<vmem>>, vector<1x1264x128xf32>
    %swap3A_25 = vector.shape_cast %swap3A_24 : vector<1x1264x128xf32> to vector<1264x128xf32>
    %swap3A_26 = vector.shape_cast %mul3A_21 : vector<1264x128xf32> to vector<1x1264x128xf32>
    tpu.vector_store %arg5[%swap3A, %swap3A_22, %swap3A_23], %swap3A_26 {strides = array<i32>} : memref<1x1264x128xf32, #tpu.memory_space<vmem>>, vector<1x1264x128xf32>,
    return
  }
  func.func @transform_0(%arg0: i32, %arg1: i32) -> (i32, i32, i32) {
    %c0_i32 = arith.constant 0 : i32
    %c0_i32_0 = arith.constant 0 : i32
    return %arg0, %arg1, %c0_i32 : i32, i32, i32
  }
  func.func @transform_1(%arg0: i32, %arg1: i32) -> (i32, i32) {
    %c0_i32 = arith.constant 0 : i32
    %c0_i32_0 = arith.constant 0 : i32
    %c0_i32_1 = arith.constant 0 : i32
    return %c0_i32, %c0_i32_0 : i32, i32
  }
  func.func @transform_2(%arg0: i32, %arg1: i32) -> (i32, i32, i32) {
    %c0_i32 = arith.constant 0 : i32
    %c0_i32_0 = arith.constant 0 : i32
    return %arg0, %arg1, %c0_i32 : i32, i32, i32
  }
  func.func @transform_3(%arg0: i32, %arg1: i32) -> (i32, i32, i32) {
    %c0_i32 = arith.constant 0 : i32
    %c0_i32_0 = arith.constant 0 : i32
    return %arg0, %arg1, %c0_i32 : i32, i32, i32
  }
}

module attributes {stable_mosaic.version = 14 : i64} {
  func.func @_combine_mm_body(%arg0: i32, %arg1: i32, %arg2: memref<1x1264x128xf32, #tpu.memory_space<vmem>>, %arg3: memref<1x1264x128xf32, #tpu.memory_space<vmem>>, %arg4: memref<1x1264x1xf32, #tpu.memory_space<vmem>>, %arg5: memref<1x128xf32, #tpu.memory_space<vmem>>, %arg6: memref<128x128xf32, #tpu.memory_space<vmem>>, %arg7: memref<1x1264x128xf32, #tpu.memory_space<vmem>>) attributes {dimension_semantics = [#tpu.dimension_semantics<arbitrary>, #tpu.dimension_semantics<arbitrary>], iteration_bounds = array<i64: 2, 8>, scalar_prefetch = 0 : i64, scratch_operands = 0 : i64, tpu.core_type = #tpu.core_type<tc>, window_params = [{transform_indices = @transform_0, window_bounds = array<i64: 1, 1264, 128>}, {transform_indices = @transform_1, window_bounds = array<i64: 1, 1264, 128>}, {transform_indices = @transform_2, window_bounds = array<i64: 1, 1264, 1>}, {pipeline_mode = #tpu.pipeline_mode<synchronous>, transform_indices = @transform_3, window_bounds = array<i64: 1, 128>}, {pipeline_mode = #tpu.pipeline_mode<synchronous>, transform_indices = @transform_4, window_bounds = array<i64: 128, 128>}, {transform_indices = @transform_5, window_bounds = array<i64: 1, 1264, 128>}]} {
    %get3A = arith.constant 0 : index
    %get3A_0 = arith.constant 0 : index
    %get3A_1 = arith.constant 0 : index
    %get3A_2 = vector.load %arg4[%get3A, %get3A_0, %get3A_1] : memref<1x1264x1xf32, #tpu.memory_space<vmem>>, vector<1x1264x1xf32>
    %get3A_3 = vector.shape_cast %get3A_2 : vector<1x1264x1xf32> to vector<1264x1xf32>
    %iota3A = tpu.iota {dimensions = array<i32: 0>} : vector<1264x1xi32>
    %mul3A = arith.constant 1264 : i32
    %mul3A_4 = arith.muli %arg1, %mul3A : i32
    %add3A = vector.broadcast %mul3A_4 : i32 to vector<1264x1xi32>
    %add3A_5 = arith.addi %iota3A, %add3A : vector<1264x1xi32>
    %lt3A = arith.constant 10000 : i32
    %lt3A_6 = vector.broadcast %lt3A : i32 to vector<1264x1xi32>
    %lt3A_7 = arith.cmpi slt, %add3A_5, %lt3A_6 : vector<1264x1xi32>
    %add3A_8 = arith.constant 1.000000e+00 : f32
    %add3A_9 = vector.broadcast %add3A_8 : f32 to vector<1264x1xf32>
    %add3A_10 = arith.addf %get3A_3, %add3A_9 : vector<1264x1xf32>
    %rsqrt3A = math.rsqrt %add3A_10 : vector<1264x1xf32>
    %jit3A = arith.constant 0.000000e+00 : f32
    %broadcast_in_dim3A = vector.broadcast %jit3A : f32 to vector<1264x1xf32>
    %select_n3A = arith.select %lt3A_7, %rsqrt3A, %broadcast_in_dim3A : vector<1264x1xi1>, vector<1264x1xf32>
    %get3A_11 = arith.constant 0 : index
    %get3A_12 = arith.constant 0 : index
    %get3A_13 = arith.constant 0 : index
    %get3A_14 = vector.load %arg2[%get3A_11, %get3A_12, %get3A_13] : memref<1x1264x128xf32, #tpu.memory_space<vmem>>, vector<1x1264x128xf32>
    %get3A_15 = vector.shape_cast %get3A_14 : vector<1x1264x128xf32> to vector<1264x128xf32>
    %get3A_16 = arith.constant 0 : index
    %get3A_17 = arith.constant 0 : index
    %get3A_18 = arith.constant 0 : index
    %get3A_19 = vector.load %arg3[%get3A_16, %get3A_17, %get3A_18] : memref<1x1264x128xf32, #tpu.memory_space<vmem>>, vector<1x1264x128xf32>
    %get3A_20 = vector.shape_cast %get3A_19 : vector<1x1264x128xf32> to vector<1264x128xf32>
    %add3A_21 = arith.addf %get3A_15, %get3A_20 : vector<1264x128xf32>
    %mul3A_22 = vector.broadcast %select_n3A : vector<1264x1xf32> to vector<1264x128xf32>
    %mul3A_23 = arith.mulf %mul3A_22, %add3A_21 : vector<1264x128xf32>
    %get3A_24 = arith.constant 0 : index
    %get3A_25 = arith.constant 0 : index
    %get3A_26 = vector.load %arg5[%get3A_24, %get3A_25] : memref<1x128xf32, #tpu.memory_space<vmem>>, vector<1x128xf32>
    %add3A_27 = vector.broadcast %get3A_26 : vector<1x128xf32> to vector<1264x128xf32>
    %add3A_28 = arith.addf %mul3A_23, %add3A_27 : vector<1264x128xf32>
    %max3A = arith.constant 0.000000e+00 : f32
    %max3A_29 = vector.broadcast %max3A : f32 to vector<1264x128xf32>
    %max3A_30 = arith.maximumf %add3A_28, %max3A_29 : vector<1264x128xf32>
    %get3A_31 = arith.constant 0 : index
    %get3A_32 = arith.constant 0 : index
    %get3A_33 = vector.load %arg6[%get3A_31, %get3A_32] : memref<128x128xf32, #tpu.memory_space<vmem>>, vector<128x128xf32>
    %dot_general3A = arith.constant dense<0.000000e+00> : vector<1264x128xf32>
    %dot_general3A_34 = tpu.matmul %max3A_30, %get3A_33, %dot_general3A {dimension_numbers = #tpu.dot_dimension_numbers<[1], [0], [0], [1], [0, 0, 1, 1], [], []>, transpose_lhs_hint = false} : vector<1264x128xf32>, vector<128x128xf32>, vector<1264x128xf32> -> vector<1264x128xf32>
    %mul3A_35 = vector.broadcast %select_n3A : vector<1264x1xf32> to vector<1264x128xf32>
    %mul3A_36 = arith.mulf %dot_general3A_34, %mul3A_35 : vector<1264x128xf32>
    %swap3A = arith.constant 0 : index
    %swap3A_37 = arith.constant 0 : index
    %swap3A_38 = arith.constant 0 : index
    %swap3A_39 = vector.load %arg7[%swap3A, %swap3A_37, %swap3A_38] : memref<1x1264x128xf32, #tpu.memory_space<vmem>>, vector<1x1264x128xf32>
    %swap3A_40 = vector.shape_cast %swap3A_39 : vector<1x1264x128xf32> to vector<1264x128xf32>
    %swap3A_41 = vector.shape_cast %mul3A_36 : vector<1264x128xf32> to vector<1x1264x128xf32>
    tpu.vector_store %arg7[%swap3A, %swap3A_37, %swap3A_38], %swap3A_41 {strides = array<i32>} : memref<1x1264x128xf32, #tpu.memory_space<vmem>>, vector<1x1264x128xf32>,
    return
  }
  func.func @transform_0(%arg0: i32, %arg1: i32) -> (i32, i32, i32) {
    %c0_i32 = arith.constant 0 : i32
    %c0_i32_0 = arith.constant 0 : i32
    return %arg0, %arg1, %c0_i32 : i32, i32, i32
  }
  func.func @transform_1(%arg0: i32, %arg1: i32) -> (i32, i32, i32) {
    %c0_i32 = arith.constant 0 : i32
    %c0_i32_0 = arith.constant 0 : i32
    return %arg0, %arg1, %c0_i32 : i32, i32, i32
  }
  func.func @transform_2(%arg0: i32, %arg1: i32) -> (i32, i32, i32) {
    %c0_i32 = arith.constant 0 : i32
    %c0_i32_0 = arith.constant 0 : i32
    return %arg0, %arg1, %c0_i32 : i32, i32, i32
  }
  func.func @transform_3(%arg0: i32, %arg1: i32) -> (i32, i32) {
    %c0_i32 = arith.constant 0 : i32
    %c0_i32_0 = arith.constant 0 : i32
    %c0_i32_1 = arith.constant 0 : i32
    return %c0_i32, %c0_i32_0 : i32, i32
  }
  func.func @transform_4(%arg0: i32, %arg1: i32) -> (i32, i32) {
    %c0_i32 = arith.constant 0 : i32
    %c0_i32_0 = arith.constant 0 : i32
    %c0_i32_1 = arith.constant 0 : i32
    return %c0_i32, %c0_i32_0 : i32, i32
  }
  func.func @transform_5(%arg0: i32, %arg1: i32) -> (i32, i32, i32) {
    %c0_i32 = arith.constant 0 : i32
    %c0_i32_0 = arith.constant 0 : i32
    return %arg0, %arg1, %c0_i32 : i32, i32, i32
  }
}

module attributes {stable_mosaic.version = 14 : i64} {
  func.func @_combine_stats_body(%arg0: i32, %arg1: i32, %arg2: memref<1x1264x128xf32, #tpu.memory_space<vmem>>, %arg3: memref<1x1264x128xf32, #tpu.memory_space<vmem>>, %arg4: memref<1x1264x1xf32, #tpu.memory_space<vmem>>, %arg5: memref<1x128xf32, #tpu.memory_space<vmem>>, %arg6: memref<1x1264x128xf32, #tpu.memory_space<vmem>>, %arg7: memref<1x8x128xf32, #tpu.memory_space<vmem>>, %arg8: memref<8x128xf32, #tpu.memory_space<vmem>>) attributes {dimension_semantics = [#tpu.dimension_semantics<arbitrary>, #tpu.dimension_semantics<arbitrary>], iteration_bounds = array<i64: 2, 8>, scalar_prefetch = 0 : i64, scratch_operands = 1 : i64, tpu.core_type = #tpu.core_type<tc>, window_params = [{transform_indices = @transform_0, window_bounds = array<i64: 1, 1264, 128>}, {transform_indices = @transform_1, window_bounds = array<i64: 1, 1264, 128>}, {transform_indices = @transform_2, window_bounds = array<i64: 1, 1264, 1>}, {pipeline_mode = #tpu.pipeline_mode<synchronous>, transform_indices = @transform_3, window_bounds = array<i64: 1, 128>}, {transform_indices = @transform_4, window_bounds = array<i64: 1, 1264, 128>}, {transform_indices = @transform_5, window_bounds = array<i64: 1, 8, 128>}]} {
    %get3A = arith.constant 0 : index
    %get3A_0 = arith.constant 0 : index
    %get3A_1 = arith.constant 0 : index
    %get3A_2 = vector.load %arg4[%get3A, %get3A_0, %get3A_1] : memref<1x1264x1xf32, #tpu.memory_space<vmem>>, vector<1x1264x1xf32>
    %get3A_3 = vector.shape_cast %get3A_2 : vector<1x1264x1xf32> to vector<1264x1xf32>
    %iota3A = tpu.iota {dimensions = array<i32: 0>} : vector<1264x1xi32>
    %mul3A = arith.constant 1264 : i32
    %mul3A_4 = arith.muli %arg1, %mul3A : i32
    %add3A = vector.broadcast %mul3A_4 : i32 to vector<1264x1xi32>
    %add3A_5 = arith.addi %iota3A, %add3A : vector<1264x1xi32>
    %lt3A = arith.constant 10000 : i32
    %lt3A_6 = vector.broadcast %lt3A : i32 to vector<1264x1xi32>
    %lt3A_7 = arith.cmpi slt, %add3A_5, %lt3A_6 : vector<1264x1xi32>
    %add3A_8 = arith.constant 1.000000e+00 : f32
    %add3A_9 = vector.broadcast %add3A_8 : f32 to vector<1264x1xf32>
    %add3A_10 = arith.addf %get3A_3, %add3A_9 : vector<1264x1xf32>
    %rsqrt3A = math.rsqrt %add3A_10 : vector<1264x1xf32>
    %jit3A = arith.constant 0.000000e+00 : f32
    %broadcast_in_dim3A = vector.broadcast %jit3A : f32 to vector<1264x1xf32>
    %select_n3A = arith.select %lt3A_7, %rsqrt3A, %broadcast_in_dim3A : vector<1264x1xi1>, vector<1264x1xf32>
    %get3A_11 = arith.constant 0 : index
    %get3A_12 = arith.constant 0 : index
    %get3A_13 = arith.constant 0 : index
    %get3A_14 = vector.load %arg2[%get3A_11, %get3A_12, %get3A_13] : memref<1x1264x128xf32, #tpu.memory_space<vmem>>, vector<1x1264x128xf32>
    %get3A_15 = vector.shape_cast %get3A_14 : vector<1x1264x128xf32> to vector<1264x128xf32>
    %get3A_16 = arith.constant 0 : index
    %get3A_17 = arith.constant 0 : index
    %get3A_18 = arith.constant 0 : index
    %get3A_19 = vector.load %arg3[%get3A_16, %get3A_17, %get3A_18] : memref<1x1264x128xf32, #tpu.memory_space<vmem>>, vector<1x1264x128xf32>
    %get3A_20 = vector.shape_cast %get3A_19 : vector<1x1264x128xf32> to vector<1264x128xf32>
    %add3A_21 = arith.addf %get3A_15, %get3A_20 : vector<1264x128xf32>
    %mul3A_22 = vector.broadcast %select_n3A : vector<1264x1xf32> to vector<1264x128xf32>
    %mul3A_23 = arith.mulf %mul3A_22, %add3A_21 : vector<1264x128xf32>
    %get3A_24 = arith.constant 0 : index
    %get3A_25 = arith.constant 0 : index
    %get3A_26 = vector.load %arg5[%get3A_24, %get3A_25] : memref<1x128xf32, #tpu.memory_space<vmem>>, vector<1x128xf32>
    %add3A_27 = vector.broadcast %get3A_26 : vector<1x128xf32> to vector<1264x128xf32>
    %add3A_28 = arith.addf %mul3A_23, %add3A_27 : vector<1264x128xf32>
    %swap3A = arith.constant 0 : index
    %swap3A_29 = arith.constant 0 : index
    %swap3A_30 = arith.constant 0 : index
    %swap3A_31 = vector.load %arg6[%swap3A, %swap3A_29, %swap3A_30] : memref<1x1264x128xf32, #tpu.memory_space<vmem>>, vector<1x1264x128xf32>
    %swap3A_32 = vector.shape_cast %swap3A_31 : vector<1x1264x128xf32> to vector<1264x128xf32>
    %swap3A_33 = vector.shape_cast %add3A_28 : vector<1264x128xf32> to vector<1x1264x128xf32>
    tpu.vector_store %arg6[%swap3A, %swap3A_29, %swap3A_30], %swap3A_33 {strides = array<i32>} : memref<1x1264x128xf32, #tpu.memory_space<vmem>>, vector<1x1264x128xf32>,
    %iota3A_34 = tpu.iota {dimensions = array<i32: 0>} : vector<1264x1xi32>
    %mul3A_35 = arith.constant 1264 : i32
    %mul3A_36 = arith.muli %arg1, %mul3A_35 : i32
    %add3A_37 = vector.broadcast %mul3A_36 : i32 to vector<1264x1xi32>
    %add3A_38 = arith.addi %iota3A_34, %add3A_37 : vector<1264x1xi32>
    %lt3A_39 = arith.constant 10000 : i32
    %lt3A_40 = vector.broadcast %lt3A_39 : i32 to vector<1264x1xi32>
    %lt3A_41 = arith.cmpi slt, %add3A_38, %lt3A_40 : vector<1264x1xi32>
    %jit3A_42 = arith.constant 0.000000e+00 : f32
    %broadcast_in_dim3A_43 = vector.shape_cast %lt3A_41 : vector<1264x1xi1> to vector<1264x1xi1>
    %broadcast_in_dim3A_44 = vector.broadcast %broadcast_in_dim3A_43 : vector<1264x1xi1> to vector<1264x128xi1>
    %broadcast_in_dim3A_45 = vector.broadcast %jit3A_42 : f32 to vector<1264x128xf32>
    %select_n3A_46 = arith.select %broadcast_in_dim3A_44, %add3A_28, %broadcast_in_dim3A_45 : vector<1264x128xi1>, vector<1264x128xf32>
    %eq3A = arith.constant 0 : i32
    %eq3A_47 = arith.cmpi eq, %arg1, %eq3A : i32
    %convert_element_type3A = arith.extui %eq3A_47 : i1 to i32
    %cond3A = arith.constant 0 : i32
    %cond3A_48 = arith.cmpi ne, %convert_element_type3A, %cond3A : i32
    scf.if %cond3A_48 {
      %broadcast_in_dim3A_78 = arith.constant 0.000000e+00 : f32
      %broadcast_in_dim3A_79 = vector.broadcast %broadcast_in_dim3A_78 : f32 to vector<8x128xf32>
      %swap3A_80 = arith.constant 0 : index
      %swap3A_81 = arith.constant 0 : index
      %swap3A_82 = vector.load %arg8[%swap3A_80, %swap3A_81] : memref<8x128xf32, #tpu.memory_space<vmem>>, vector<8x128xf32>
      tpu.vector_store %arg8[%swap3A_80, %swap3A_81], %broadcast_in_dim3A_79 {strides = array<i32>} : memref<8x128xf32, #tpu.memory_space<vmem>>, vector<8x128xf32>,
    } else {
    }
    %get3A_49 = arith.constant 0 : index
    %get3A_50 = arith.constant 0 : index
    %get3A_51 = vector.load %arg8[%get3A_49, %get3A_50] : memref<8x128xf32, #tpu.memory_space<vmem>>, vector<1x128xf32>
    %get3A_52 = vector.shape_cast %get3A_51 : vector<1x128xf32> to vector<128xf32>
    %reduce_sum3A = arith.constant dense<0.000000e+00> : vector<128xf32>
    %reduce_sum3A_53 = vector.multi_reduction <add>, %select_n3A_46, %reduce_sum3A [0] : vector<1264x128xf32> to vector<128xf32>
    %add3A_54 = arith.addf %get3A_52, %reduce_sum3A_53 : vector<128xf32>
    %swap3A_55 = arith.constant 0 : index
    %swap3A_56 = arith.constant 0 : index
    %swap3A_57 = vector.load %arg8[%swap3A_55, %swap3A_56] : memref<8x128xf32, #tpu.memory_space<vmem>>, vector<1x128xf32>
    %swap3A_58 = vector.shape_cast %swap3A_57 : vector<1x128xf32> to vector<128xf32>
    %swap3A_59 = vector.shape_cast %add3A_54 : vector<128xf32> to vector<1x128xf32>
    tpu.vector_store %arg8[%swap3A_55, %swap3A_56], %swap3A_59 {strides = array<i32>} : memref<8x128xf32, #tpu.memory_space<vmem>>, vector<1x128xf32>,
    %get3A_60 = arith.constant 1 : index
    %get3A_61 = arith.constant 0 : index
    %get3A_62 = vector.load %arg8[%get3A_60, %get3A_61] : memref<8x128xf32, #tpu.memory_space<vmem>>, vector<1x128xf32>
    %get3A_63 = vector.shape_cast %get3A_62 : vector<1x128xf32> to vector<128xf32>
    %mul3A_64 = arith.mulf %select_n3A_46, %select_n3A_46 : vector<1264x128xf32>
    %reduce_sum3A_65 = arith.constant dense<0.000000e+00> : vector<128xf32>
    %reduce_sum3A_66 = vector.multi_reduction <add>, %mul3A_64, %reduce_sum3A_65 [0] : vector<1264x128xf32> to vector<128xf32>
    %add3A_67 = arith.addf %get3A_63, %reduce_sum3A_66 : vector<128xf32>
    %swap3A_68 = arith.constant 1 : index
    %swap3A_69 = arith.constant 0 : index
    %swap3A_70 = vector.load %arg8[%swap3A_68, %swap3A_69] : memref<8x128xf32, #tpu.memory_space<vmem>>, vector<1x128xf32>
    %swap3A_71 = vector.shape_cast %swap3A_70 : vector<1x128xf32> to vector<128xf32>
    %swap3A_72 = vector.shape_cast %add3A_67 : vector<128xf32> to vector<1x128xf32>
    tpu.vector_store %arg8[%swap3A_68, %swap3A_69], %swap3A_72 {strides = array<i32>} : memref<8x128xf32, #tpu.memory_space<vmem>>, vector<1x128xf32>,
    %eq3A_73 = arith.constant 7 : i32
    %eq3A_74 = arith.cmpi eq, %arg1, %eq3A_73 : i32
    %convert_element_type3A_75 = arith.extui %eq3A_74 : i1 to i32
    %cond3A_76 = arith.constant 0 : i32
    %cond3A_77 = arith.cmpi ne, %convert_element_type3A_75, %cond3A_76 : i32
    scf.if %cond3A_77 {
      %get3A_78 = arith.constant 0 : index
      %get3A_79 = arith.constant 0 : index
      %get3A_80 = vector.load %arg8[%get3A_78, %get3A_79] : memref<8x128xf32, #tpu.memory_space<vmem>>, vector<8x128xf32>
      %swap3A_81 = arith.constant 0 : index
      %swap3A_82 = arith.constant 0 : index
      %swap3A_83 = arith.constant 0 : index
      %swap3A_84 = vector.load %arg7[%swap3A_81, %swap3A_82, %swap3A_83] : memref<1x8x128xf32, #tpu.memory_space<vmem>>, vector<1x8x128xf32>
      %swap3A_85 = vector.shape_cast %swap3A_84 : vector<1x8x128xf32> to vector<8x128xf32>
      %swap3A_86 = vector.shape_cast %get3A_80 : vector<8x128xf32> to vector<1x8x128xf32>
      tpu.vector_store %arg7[%swap3A_81, %swap3A_82, %swap3A_83], %swap3A_86 {strides = array<i32>} : memref<1x8x128xf32, #tpu.memory_space<vmem>>, vector<1x8x128xf32>,
    } else {
    }
    return
  }
  func.func @transform_0(%arg0: i32, %arg1: i32) -> (i32, i32, i32) {
    %c0_i32 = arith.constant 0 : i32
    %c0_i32_0 = arith.constant 0 : i32
    return %arg0, %arg1, %c0_i32 : i32, i32, i32
  }
  func.func @transform_1(%arg0: i32, %arg1: i32) -> (i32, i32, i32) {
    %c0_i32 = arith.constant 0 : i32
    %c0_i32_0 = arith.constant 0 : i32
    return %arg0, %arg1, %c0_i32 : i32, i32, i32
  }
  func.func @transform_2(%arg0: i32, %arg1: i32) -> (i32, i32, i32) {
    %c0_i32 = arith.constant 0 : i32
    %c0_i32_0 = arith.constant 0 : i32
    return %arg0, %arg1, %c0_i32 : i32, i32, i32
  }
  func.func @transform_3(%arg0: i32, %arg1: i32) -> (i32, i32) {
    %c0_i32 = arith.constant 0 : i32
    %c0_i32_0 = arith.constant 0 : i32
    %c0_i32_1 = arith.constant 0 : i32
    return %c0_i32, %c0_i32_0 : i32, i32
  }
  func.func @transform_4(%arg0: i32, %arg1: i32) -> (i32, i32, i32) {
    %c0_i32 = arith.constant 0 : i32
    %c0_i32_0 = arith.constant 0 : i32
    return %arg0, %arg1, %c0_i32 : i32, i32, i32
  }
  func.func @transform_5(%arg0: i32, %arg1: i32) -> (i32, i32, i32) {
    %c0_i32 = arith.constant 0 : i32
    %c0_i32_0 = arith.constant 0 : i32
    %c0_i32_1 = arith.constant 0 : i32
    return %arg0, %c0_i32, %c0_i32_0 : i32, i32, i32
  }
}

module attributes {stable_mosaic.version = 14 : i64} {
  func.func @_apply_body(%arg0: i32, %arg1: memref<2x1264x128xf32, #tpu.memory_space<vmem>>, %arg2: memref<2x8x128xf32, #tpu.memory_space<vmem>>, %arg3: memref<1264x128xf32, #tpu.memory_space<vmem>>, %arg4: memref<1264x128xf32, #tpu.memory_space<vmem>>) attributes {dimension_semantics = [#tpu.dimension_semantics<arbitrary>], iteration_bounds = array<i64: 8>, scalar_prefetch = 0 : i64, scratch_operands = 0 : i64, tpu.core_type = #tpu.core_type<tc>, window_params = [{transform_indices = @transform_0, window_bounds = array<i64: 2, 1264, 128>}, {pipeline_mode = #tpu.pipeline_mode<synchronous>, transform_indices = @transform_1, window_bounds = array<i64: 2, 8, 128>}, {transform_indices = @transform_2, window_bounds = array<i64: 1264, 128>}, {transform_indices = @transform_3, window_bounds = array<i64: 1264, 128>}]} {
    %get3A = arith.constant 0 : index
    %get3A_0 = arith.constant 0 : index
    %get3A_1 = arith.constant 0 : index
    %get3A_2 = vector.load %arg2[%get3A, %get3A_0, %get3A_1] : memref<2x8x128xf32, #tpu.memory_space<vmem>>, vector<1x1x128xf32>
    %get3A_3 = vector.shape_cast %get3A_2 : vector<1x1x128xf32> to vector<128xf32>
    %get3A_4 = arith.constant 0 : index
    %get3A_5 = arith.constant 1 : index
    %get3A_6 = arith.constant 0 : index
    %get3A_7 = vector.load %arg2[%get3A_4, %get3A_5, %get3A_6] : memref<2x8x128xf32, #tpu.memory_space<vmem>>, vector<1x1x128xf32>
    %get3A_8 = vector.shape_cast %get3A_7 : vector<1x1x128xf32> to vector<128xf32>
    %div3A = arith.constant 1.000000e+04 : f32
    %div3A_9 = vector.broadcast %div3A : f32 to vector<128xf32>
    %div3A_10 = arith.divf %get3A_3, %div3A_9 : vector<128xf32>
    %mul3A = arith.mulf %get3A_3, %div3A_10 : vector<128xf32>
    %sub3A = arith.subf %get3A_8, %mul3A : vector<128xf32>
    %div3A_11 = arith.constant 9.999000e+03 : f32
    %div3A_12 = vector.broadcast %div3A_11 : f32 to vector<128xf32>
    %div3A_13 = arith.divf %sub3A, %div3A_12 : vector<128xf32>
    %rsqrt3A = math.rsqrt %div3A_13 : vector<128xf32>
    %get3A_14 = arith.constant 0 : index
    %get3A_15 = arith.constant 0 : index
    %get3A_16 = arith.constant 0 : index
    %get3A_17 = vector.load %arg1[%get3A_14, %get3A_15, %get3A_16] : memref<2x1264x128xf32, #tpu.memory_space<vmem>>, vector<1x1264x128xf32>
    %get3A_18 = vector.shape_cast %get3A_17 : vector<1x1264x128xf32> to vector<1264x128xf32>
    %broadcast_in_dim3A = vector.shape_cast %div3A_10 : vector<128xf32> to vector<1x128xf32>
    %sub3A_19 = vector.broadcast %broadcast_in_dim3A : vector<1x128xf32> to vector<1264x128xf32>
    %sub3A_20 = arith.subf %get3A_18, %sub3A_19 : vector<1264x128xf32>
    %broadcast_in_dim3A_21 = vector.shape_cast %rsqrt3A : vector<128xf32> to vector<1x128xf32>
    %mul3A_22 = vector.broadcast %broadcast_in_dim3A_21 : vector<1x128xf32> to vector<1264x128xf32>
    %mul3A_23 = arith.mulf %sub3A_20, %mul3A_22 : vector<1264x128xf32>
    %swap3A = arith.constant 0 : index
    %swap3A_24 = arith.constant 0 : index
    %swap3A_25 = vector.load %arg3[%swap3A, %swap3A_24] : memref<1264x128xf32, #tpu.memory_space<vmem>>, vector<1264x128xf32>
    tpu.vector_store %arg3[%swap3A, %swap3A_24], %mul3A_23 {strides = array<i32>} : memref<1264x128xf32, #tpu.memory_space<vmem>>, vector<1264x128xf32>,
    %get3A_26 = arith.constant 1 : index
    %get3A_27 = arith.constant 0 : index
    %get3A_28 = arith.constant 0 : index
    %get3A_29 = vector.load %arg2[%get3A_26, %get3A_27, %get3A_28] : memref<2x8x128xf32, #tpu.memory_space<vmem>>, vector<1x1x128xf32>
    %get3A_30 = vector.shape_cast %get3A_29 : vector<1x1x128xf32> to vector<128xf32>
    %get3A_31 = arith.constant 1 : index
    %get3A_32 = arith.constant 1 : index
    %get3A_33 = arith.constant 0 : index
    %get3A_34 = vector.load %arg2[%get3A_31, %get3A_32, %get3A_33] : memref<2x8x128xf32, #tpu.memory_space<vmem>>, vector<1x1x128xf32>
    %get3A_35 = vector.shape_cast %get3A_34 : vector<1x1x128xf32> to vector<128xf32>
    %div3A_36 = arith.constant 1.000000e+04 : f32
    %div3A_37 = vector.broadcast %div3A_36 : f32 to vector<128xf32>
    %div3A_38 = arith.divf %get3A_30, %div3A_37 : vector<128xf32>
    %mul3A_39 = arith.mulf %get3A_30, %div3A_38 : vector<128xf32>
    %sub3A_40 = arith.subf %get3A_35, %mul3A_39 : vector<128xf32>
    %div3A_41 = arith.constant 9.999000e+03 : f32
    %div3A_42 = vector.broadcast %div3A_41 : f32 to vector<128xf32>
    %div3A_43 = arith.divf %sub3A_40, %div3A_42 : vector<128xf32>
    %rsqrt3A_44 = math.rsqrt %div3A_43 : vector<128xf32>
    %get3A_45 = arith.constant 1 : index
    %get3A_46 = arith.constant 0 : index
    %get3A_47 = arith.constant 0 : index
    %get3A_48 = vector.load %arg1[%get3A_45, %get3A_46, %get3A_47] : memref<2x1264x128xf32, #tpu.memory_space<vmem>>, vector<1x1264x128xf32>
    %get3A_49 = vector.shape_cast %get3A_48 : vector<1x1264x128xf32> to vector<1264x128xf32>
    %broadcast_in_dim3A_50 = vector.shape_cast %div3A_38 : vector<128xf32> to vector<1x128xf32>
    %sub3A_51 = vector.broadcast %broadcast_in_dim3A_50 : vector<1x128xf32> to vector<1264x128xf32>
    %sub3A_52 = arith.subf %get3A_49, %sub3A_51 : vector<1264x128xf32>
    %broadcast_in_dim3A_53 = vector.shape_cast %rsqrt3A_44 : vector<128xf32> to vector<1x128xf32>
    %mul3A_54 = vector.broadcast %broadcast_in_dim3A_53 : vector<1x128xf32> to vector<1264x128xf32>
    %mul3A_55 = arith.mulf %sub3A_52, %mul3A_54 : vector<1264x128xf32>
    %swap3A_56 = arith.constant 0 : index
    %swap3A_57 = arith.constant 0 : index
    %swap3A_58 = vector.load %arg4[%swap3A_56, %swap3A_57] : memref<1264x128xf32, #tpu.memory_space<vmem>>, vector<1264x128xf32>
    tpu.vector_store %arg4[%swap3A_56, %swap3A_57], %mul3A_55 {strides = array<i32>} : memref<1264x128xf32, #tpu.memory_space<vmem>>, vector<1264x128xf32>,
    return
  }
  func.func @transform_0(%arg0: i32) -> (i32, i32, i32) {
    %c0_i32 = arith.constant 0 : i32
    %c0_i32_0 = arith.constant 0 : i32
    %c0_i32_1 = arith.constant 0 : i32
    return %c0_i32, %arg0, %c0_i32_0 : i32, i32, i32
  }
  func.func @transform_1(%arg0: i32) -> (i32, i32, i32) {
    %c0_i32 = arith.constant 0 : i32
    %c0_i32_0 = arith.constant 0 : i32
    %c0_i32_1 = arith.constant 0 : i32
    %c0_i32_2 = arith.constant 0 : i32
    return %c0_i32, %c0_i32_0, %c0_i32_1 : i32, i32, i32
  }
  func.func @transform_2(%arg0: i32) -> (i32, i32) {
    %c0_i32 = arith.constant 0 : i32
    %c0_i32_0 = arith.constant 0 : i32
    return %arg0, %c0_i32 : i32, i32
  }
  func.func @transform_3(%arg0: i32) -> (i32, i32) {
    %c0_i32 = arith.constant 0 : i32
    %c0_i32_0 = arith.constant 0 : i32
    return %arg0, %c0_i32 : i32, i32
  }
}

</mosaic_0001>

<sc_bundles>
// kernel: kernel.12.cloned.1.call-start
scs
__scs_entry_jumppad:
0x0: {  	(pc) =	sbr.rel $0x88, $3  }
0x1: {  	(tag) =	ssettag $0x0;
	lr =	simm.s32 $0x1  }
0x2: {  	[smem:$0x3F99] =	sst lr;
	_ =	strace $0xD0000000  }
0x3: {  	_ = 	snop  }
0x4: {  	_ = 	snop  }
0x5: {  	_ = 	snop  }
0x6: {  	_ = 	snop  }
0x7: {  	_ = 	snop  }
__scs_overlays_trampoline_lowered:
0x8: {  	[smem:$0x3FA8] =	sst s0  }
0x9: {  	[smem:$0x3FA9] =	sst s1  }
0xa: {  	[smem:$0x3FAA] =	sst s2  }
0xb: {  	[smem:$0x3FAB] =	sst s3  }
0xc: {  	[smem:$0x3FAC] =	sst s4  }
0xd: {  	[smem:$0x3FAD] =	sst s5  }
0xe: {  	[smem:$0x3FAE] =	sst s6  }
0xf: {  	[smem:$0x3FAF] =	sst s7  }
0x10: {  	[smem:$0x3FB0] =	sst s8  }
0x11: {  	[smem:$0x3FB1] =	sst s9;
	s0 =	simm.s32 @!p0 $0x0  }
0x12: {  	s1 =	sld [smem:$0x3F97];
	s0 =	simm.s32 @p0 $0x1  }
0x13: {  	[smem:$0x3FB2] =	sst s0;
	s0 =	simm.s32 @!p1 $0x0  }
0x14: {  	s2 =	sld [smem:$0x3F96];
	s0 =	simm.s32 @p1 $0x1  }
0x15: {  	[smem:$0x3FB3] =	sst s0;
	s0 =	simm.s32 @!p2 $0x0  }
0x16: {  	s3 =	sld [smem:$0x3FDB];
	s0 =	simm.s32 @p2 $0x1  }
0x17: {  	s4 =	simm.s32 $0x1BF5;
	[smem:$0x3FB5] =	sst s0  }
0x18: {  	s0 =	sld [smem:$0x3F98];
	_ =	swait.ge [sflag:s4], $0x0  }
0x19: {  	s7 =	sld [smem:$0x3F99]  }
0x1a: {  	s8 =	sadd.s32 $0xFFFFE003, lr  }
0x1b: {  	s9 =	sadd.s32 $0xFFFFFEF7, lr;
	s5 =	simm.s32 $0xFFFFFFFF;
	p2 =	slt.u32 s8, $0xFFFFF086  }
0x1c: {  	p1 =	slt.u32 s9, $0xF7A;
	s5 =	simm.s32 @!p2 $0x0  }
0x1d: {  	s5 =	simm.s32 @p1 $0x1;
	p0 =	seq.s32 s7, s2  }
0x1e: {  	s7 =	smul.u32 @!p0 $0xF7A, s2;
	p2 =	seq.s32 @!p0 s5, $0x0  }
0x1f: {  	s9 =	smul.u32 $0xF7A, s1;
	s8 =	simm.s32 @!p0 $0x1BF5;
	p2 =	por !p2, p0  }
0x20: {  	[sflag:s8] =	ssyncset.s32 @!p0 $0xFFFFF086;
	s6 =	sadd.s32 @!p0 s3, s7;
	s7 =	simm.s32 @!p0 $0x108  }
0x21: {  	s3 =	sadd.s32 s3, s9;
	s6 =	sadd.s32 @!p0 $0x88, s6;
	s7 =	simm.s32 @p2 $0x1082  }
0x22: {  	[simem:s7], [sflag:s8] =	dma.local @!p0 [hbm:s6], $0xF7A  }
0x23: {  	s9 =	sor.u32 $0xD0000000, s2;
	s6 =	simm.s32 $0x108;
	_ =	swait.ge @!p0 [sflag:s8], $0x0  }
0x24: {  	s3 =	sadd.s32 $0x88, s3;
	s6 =	simm.s32 @!p1 $0x1082;
	[sflag:s4] =	ssyncset.s32 $0xFFFFF086  }
0x25: {  	[simem:s6], [sflag:s4] =	dma.local [hbm:s3], $0xF7A  }
0x26: {  	[smem:$0x3F99] =	sst s1;
	(tag) =	ssettag s2;
	_ =	strace s9  }
0x27: {  	s1 =	sld [smem:$0x3FA9]  }
0x28: {  	s2 =	sld [smem:$0x3FAA]  }
0x29: {  	s4 =	sld [smem:$0x3FAC]  }
0x2a: {  	p0 =	seq.s32 s5, $0x0;
	s5 =	sld [smem:$0x3FAD]  }
0x2b: {  	s6 =	sld [smem:$0x3FAE]  }
0x2c: {  	s7 =	sld [smem:$0x3FAF]  }
0x2d: {  	s3 =	simm.s32 $0x108;
	s8 =	sld [smem:$0x3FB0]  }
0x2e: {  	s3 =	simm.s32 @!p0 $0x1082;
	s9 =	sld [smem:$0x3FB1]  }
0x2f: {  	lr =	sadd.s32 s0, s3;
	s0 =	sld [smem:$0x3FA8]  }
0x30: {  	s3 =	sld [smem:$0x3FAB]  }
0x31: {  	[smem:$0x3FB4] =	sst s10  }
0x32: {  	s10 =	sld [smem:$0x3FB2];
	_ =	sdelay $0x3  }
0x33: {  	p0 =	seq.s32 s10, $0x1;
	s10 =	sld [smem:$0x3FB4];
	_ =	sdelay $0x3  }
0x34: {  	[smem:$0x3FB4] =	sst s10  }
0x35: {  	s10 =	sld [smem:$0x3FB3];
	_ =	sdelay $0x3  }
0x36: {  	p1 =	seq.s32 s10, $0x1;
	s10 =	sld [smem:$0x3FB4];
	_ =	sdelay $0x3  }
0x37: {  	[smem:$0x3FB4] =	sst s10  }
0x38: {  	s10 =	sld [smem:$0x3FB5]  }
0x39: {  	_ = 	snop;
	(pc) =	sbr.ind lr, $3  }
0x3a: {  	_ = 	snop  }
0x3b: {  	_ = 	snop  }
0x3c: {  	p2 =	seq.s32 s10, $0x1;
	s10 =	sld [smem:$0x3FB4]  }
0x3d: {  	_ =	shalt  }
0x3e: {  	_ =	shalt  }
0x3f: {  	_ =	shalt  }
0x40: {  	_ =	shalt  }
0x41: {  	_ =	shalt  }
0x42: {  	_ =	shalt  }
0x43: {  	_ =	shalt  }
0x44: {  	_ =	shalt  }
0x45: {  	_ =	shalt  }
0x46: {  	_ =	shalt  }
0x47: {  	_ =	shalt  }
0x48: {  	_ =	shalt  }
0x49: {  	_ =	shalt  }
0x4a: {  	_ =	shalt  }
0x4b: {  	_ =	shalt  }
0x4c: {  	_ =	shalt  }
0x4d: {  	_ =	shalt  }
0x4e: {  	_ =	shalt  }
0x4f: {  	_ =	shalt  }
0x50: {  	_ =	shalt  }
0x51: {  	_ =	shalt  }
0x52: {  	_ =	shalt  }
0x53: {  	_ =	shalt  }
0x54: {  	_ =	shalt  }
0x55: {  	_ =	shalt  }
0x56: {  	_ =	shalt  }
0x57: {  	_ =	shalt  }
0x58: {  	_ =	shalt  }
0x59: {  	_ =	shalt  }
0x5a: {  	_ =	shalt  }
0x5b: {  	_ =	shalt  }
0x5c: {  	_ =	shalt  }
0x5d: {  	_ =	shalt  }
0x5e: {  	_ =	shalt  }
0x5f: {  	_ =	shalt  }
0x60: {  	_ =	shalt  }
0x61: {  	_ =	shalt  }
0x62: {  	_ =	shalt  }
0x63: {  	_ =	shalt  }
0x64: {  	_ =	shalt  }
0x65: {  	_ =	shalt  }
0x66: {  	_ =	shalt  }
0x67: {  	_ =	shalt  }
0x68: {  	_ =	shalt  }
0x69: {  	_ =	shalt  }
0x6a: {  	_ =	shalt  }
0x6b: {  	_ =	shalt  }
0x6c: {  	_ =	shalt  }
0x6d: {  	_ =	shalt  }
0x6e: {  	_ =	shalt  }
0x6f: {  	_ =	shalt  }
0x70: {  	_ =	shalt  }
0x71: {  	_ =	shalt  }
0x72: {  	_ =	shalt  }
0x73: {  	_ =	shalt  }
0x74: {  	_ =	shalt  }
0x75: {  	_ =	shalt  }
0x76: {  	_ =	shalt  }
0x77: {  	_ =	shalt  }
0x78: {  	_ =	shalt  }
0x79: {  	_ =	shalt  }
0x7a: {  	_ =	shalt  }
0x7b: {  	_ =	shalt  }
0x7c: {  	_ =	shalt  }
0x7d: {  	_ =	shalt  }
0x7e: {  	_ =	shalt  }
0x7f: {  	_ =	shalt  }
0x80: {  	_ =	shalt  }
0x81: {  	_ =	shalt  }
0x82: {  	_ =	shalt  }
0x83: {  	_ =	shalt  }
0x84: {  	_ =	shalt  }
0x85: {  	_ =	shalt  }
0x86: {  	_ =	shalt  }
0x87: {  	_ =	shalt  }
.Lfunc_end0:
.L_simem_size_0:
called_computation.1_lowered:
.L_overlay_start_0:
0x88: {  	s2 =	sld [smem:$0x3FD9]  }
0x89: {  	s3 =	sld [smem:$0x3FFE];
	_ =	sdelay $0x1  }
0x8a: {  	s1 =	srdreg.scid  }
0x8b: {  	s0 =	sand.u32 $0x1, s1  }
0x8c: {  	s16 =	sshll.u32 s0, $0xA;
	s2 =	sadd.s32 s3, s2  }
0x8d: {  	s2 =	sadd.s32 s2, s16  }
0x8e: {  	[smem:$0x3FC0] =	sst s2  }
0x8f: {  	_ = 	snop  }
0x90: {  	(tm) =	ssettm $0x1  }
0x91: {  	s17 =	sld [smem:$0x3FFB];
	_ =	sdelay $0x3  }
0x92: {  	_ =	strace s17  }
0x93: {  	s2 =	sld [smem:$0x3FFC];
	_ =	sdelay $0x3  }
0x94: {  	_ =	strace s2  }
0x95: {  	s2 =	sld [smem:$0x3FFD];
	_ =	sdelay $0x3  }
0x96: {  	_ =	strace s2  }
0x97: {  	_ =	strace $0x8FFFFFFF  }
0x98: {  	s18 =	sld [smem:$0x3FDB];
	_ =	sdelay $0x1  }
0x99: {  	s19 =	simm.s32 $_scs_section_size  }
0x9a: {  	s4 =	simm.s32 $_size__tile_overlayer_lowered;
	s5 =	simm.s32 $_tile_overlayer_lowered  }
0x9b: {  	s22 =	simm.s32 $0x1BFF;
	s21 =	sshll.u32 s5, $0x1;
	s2 =	sadd.s32 s19, s18  }
0x9c: {  	s6 =	simm.s32 $0x0;
	s20 =	sshll.u32 s4, $0x1;
	s4 =	sadd.s32 s21, s2  }
0x9d: {  	[timem:s6], [sflag:s22] =	dma.local [hbm:s4], s20  }
0x9e: {  	_ =	swait.ge [sflag:s22], s20  }
0x9f: {  	s3 =	ssub.s32 $0x0, s20;
	[sflag:s22] =	ssyncset.done $0x0  }
0xa0: {  	[sflag:s22] =	ssyncadd.s32 s3;
	_ =	sdelay $0x1  }
0xa1: {  	s23 =	simm.s32 $0x1B8B  }
0xa2: {  	_ =	swait.ge [sflag:s23], $0x1  }
0xa3: {  	[sflag:s23] =	ssyncset.done $0x0  }
0xa4: {  	s25 =	simm.s32 $0x1B8E;
	s24 =	sld [smem:$0x3FFE];
	[sflag:s23] =	ssyncadd.s32 $0xFFFFFFFF  }
0xa5: {  	s26 =	simm.s32 $execute0_lowered;
	[smem:$0x3FD2] =	sst s25  }
0xa6: {  	s4 =	sshll.u32 s26, $0x1;
	_ =	strace $0x80000049;
	[dreg:$0x1] =	wrdreg $0xFFFFFFFF  }
0xa7: {  	s28 =	simm.s32 $_size_execute0_lowered;
	s2 =	sadd.s32 s2, s4;
	[dreg:$0x0] =	wrdreg $0x0  }
0xa8: {  	s4 =	sshll.u32 s28, $0x1;
	[dreg:$0x2] =	wrdreg s2  }
0xa9: {  	[dreg:$0x3] =	wrdreg s4  }
0xaa: {  	[dreg:$0x4] =	wrdreg $0xC0  }
0xab: {  	_ =	task [dreg:s6], $0x5FFFF  }
0xac: {  	[dreg:$0x1] =	wrdreg $0xFFFFFFFF  }
0xad: {  	[dreg:$0x0] =	wrdreg $0x60  }
0xae: {  	[dreg:$0x2] =	wrdreg s24  }
0xaf: {  	[dreg:$0x3] =	wrdreg $0xC0000  }
0xb0: {  	[dreg:$0x4] =	wrdreg $0x9  }
0xb1: {  	_ =	task.clear_ibuf [dreg:s6], $0x5FFFF;
	_ =	strace $0x90000049  }
0xb2: {  	s29 =	simm.s32 $0x9;
	_ =	strace $0x8000004B  }
0xb3: {  	_ =	swait.ge [sflag:s29], $0x1  }
0xb4: {  	[sflag:s29] =	ssyncadd.s32 $0xFFFFFFFF  }
0xb5: {  	_ =	strace $0x9000004B  }
0xb6: {  	_ =	sfence  }
0xb7: {  	s30 =	sld [smem:$0x0];
	_ =	sdelay $0x2  }
0xb8: {  	s31 =	sshll.u32 s1, $0xD;
	s1 =	sshrl.u32 s1, $0x2  }
0xb9: {  	s3 =	sand.u32 $0x4000, s31;
	s1 =	sadd.s32 s1, s30  }
0xba: {  	s0 =	sor.u32 s3, s0;
	s1 =	sshll.u32 s1, $0x11  }
0xbb: {  	s0 =	sor.u32 s1, s0  }
0xbc: {  	s0 =	sadd.s32 $0x8F2B, s0  }
0xbd: {  	[sflag:s0] =	ssyncadd.remote.s32 $0x1  }
0xbe: {  	_ =	sfence.sel $0xFFFF  }
0xbf: {  	[dreg:$0x0] =	wrdreg $0xFFFFFFFF;
	(pc) =	sbr.abs _section_cstart, $3  }
0xc0: {  	[dreg:$0x1] =	wrdreg $0xFFFFFFFF  }
0xc1: {  	_ =	task.clear_ibuf [dreg:s6], $0x2FFFF;
	_ =	strace $0x9FFFFFFF  }
0xc2: {  	(tm) =	ssettm $0x7FFFFFFF  }
0xc3: {  	_ =	shalt  }
tec
execute0_lowered:
.L_overlay_start_1:
0x0: {  	(tag) =	ssettag $0x1  }
0x1: {  	s0 =	rddreg [dreg:$0x0];
	s1 =	srdreg.scid  }
0x2: {  	s9 =	stileid.u32;
	s2 =	rddreg [dreg:$0x1]  }
0x3: {  	s3 =	simm.s32 $0x0;
	s1 =	sand.u32 $0x1, s1;
	s5 =	smul.u32 $0x278, s9  }
0x4: {  	[smem:$0x7FF] =	sst s3;
	s4 =	sadd.s32 $0xA1400, s0;
	s8 =	smul.u32 $0x4F000, s9  }
0x5: {  	s6 =	smul.u32 $0x2780, s1;
	_ =	strace $0x8000004A;
	s11 =	sshll.u32 s1, $0x4  }
0x6: {  	s1 =	ssub.s32 $0x2, s1;
	s9 =	sor.u32 s9, s11;
	s12 =	sshrl.u32 s8, $0x2  }
0x7: {  	s13 =	sshrl.u32 s1, $0x1;
	s6 =	sadd.s32 s5, s6;
	s5 =	sadd.s32 $0x2A400, s0  }
0x8: {  	s1 =	ssub.s32 s1, s13;
	s13 =	smul.u32 $0xA000, s9;
	s7 =	sshll.u32 s6, $0x4  }
0x9: {  	s6 =	sadd.s32 $0x2400, s0;
	s26 =	smax.u32 s1, $0x1;
	s1 =	simm.s32 $0x4000  }
0xa: {  	s0 =	sadd.s32 s7, s0;
	s7 =	sadd.s32 s12, s2;
	s12 =	smul.u32 $0x1400, s9  }
0xb: {  	[dreg:$0x10] =	wrdreg s26;
	s14 =	sadd.s32 $0x2000, s7;
	s9 =	sadd.s32 $0x4000, s7  }
0xc: {  	s10 =	sadd.s32 $0x6000, s7;
	s17 =	sadd.s32 $0xF0400, s0;
	[dreg:$0x3] =	wrdreg s14  }
0xd: {  	s11 =	sadd.s32 $0x8000, s7;
	s18 =	sadd.s32 $0xF0800, s0;
	[dreg:$0x6] =	wrdreg s17  }
0xe: {  	s19 =	sadd.s32 $0xF0C00, s0;
	s20 =	sadd.s32 $0xF1000, s0;
	[dreg:$0x7] =	wrdreg s18  }
0xf: {  	s21 =	sadd.s32 $0xF1400, s0;
	s22 =	sadd.s32 $0xF1800, s0;
	[dreg:$0x8] =	wrdreg s19  }
0x10: {  	s23 =	sadd.s32 $0xF1C00, s0;
	s24 =	sadd.s32 $0xF2000, s0;
	[dreg:$0x9] =	wrdreg s20  }
0x11: {  	s25 =	sadd.s32 $0xF2400, s0;
	s0 =	sadd.s32 $0xF2800, s0;
	[dreg:$0xa] =	wrdreg s21  }
0x12: {  	s26 =	sadd.s32 $0xA000, s7;
	s28 =	sadd.s32 $0xC000, s7;
	[dreg:$0xb] =	wrdreg s22  }
0x13: {  	s29 =	sadd.s32 $0xE000, s7;
	s30 =	sadd.s32 $0x10000, s7;
	[dreg:$0xc] =	wrdreg s23  }
0x14: {  	s31 =	sadd.s32 $0x12000, s7;
	s15 =	sadd.s32 s5, s12;
	[dreg:$0xd] =	wrdreg s24  }
0x15: {  	s16 =	sadd.s32 s6, s12;
	s14 =	sor.u32 $0x1000, s13;
	[dreg:$0xe] =	wrdreg s25  }
0x16: {  	[dreg:$0xf] =	wrdreg s0;
	s0 =	simm.s32 $0x3;
	s12 =	simm.s32 $0x1  }
0x17: {  	s13 =	simm.s32 $0x40;
	s17 =	simm.s32 $0x0;
	[dreg:$0x4] =	wrdreg s15  }
0x18: {  	v0 =	vimm.f32 $0.0e+00;
	[dreg:$0x5] =	wrdreg s16;
	s15 =	simm.s32 $0x6000;
	s16 =	simm.s32 $0x8000  }
.LBB2_1:
0x19: {  	s18 =	simm.s32 $0x0;
	s19 =	simm.s32 $0x200  }
.LBB2_2:
0x1a: {  	p0 =	sne.s32 s19, $0x7E00;
	[tilespmem:s18+$0x4070] =	vst v0  }
0x1b: {  	[tilespmem:s18+$0x4000] =	vst v0  }
0x1c: {  	[tilespmem:s18+$0x4010] =	vst v0  }
.Ltmp0:
0x1d: {  	[tilespmem:s18+$0x4020] =	vst v0;
	(pc) =	sbr.rel @p0 .LBB2_2-.Ltmp0, $4  }
0x1e: {  	[tilespmem:s18+$0x4030] =	vst v0  }
0x1f: {  	[tilespmem:s18+$0x4040] =	vst v0  }
0x20: {  	[tilespmem:s18+$0x4050] =	vst v0  }
0x21: {  	[tilespmem:s18+$0x4060] =	vst v0;
	s18 =	sshra.s32 s19, $0x2;
	s19 =	sadd.s32 $0x200, s19  }
0x22: {  	[tilespmem:s18+$0x4070] =	vst v0  }
0x23: {  	[tilespmem:s18+$0x4000] =	vst v0  }
0x24: {  	[tilespmem:s18+$0x4010] =	vst v0  }
0x25: {  	[tilespmem:s18+$0x4020] =	vst v0  }
0x26: {  	[tilespmem:s18+$0x4030] =	vst v0  }
0x27: {  	[tilespmem:s18+$0x4040] =	vst v0  }
0x28: {  	[tilespmem:s18+$0x4050] =	vst v0  }
0x29: {  	[tilespmem:s18+$0x4060] =	vst v0  }
0x2a: {  	[spmem:s7] =	stream.linear.scatter [tilespmem:s1], [sflag:$0x3], $0x2000, $0x38;
	[tilespmem:$0x1FC00] =	vst v63  }
0x2b: {  	_ =	swait.ge [sflag:s0], $0x2000  }
0x2c: {  	[sflag:s0] =	ssyncset.done $0x0  }
0x2d: {  	s8 =	rddreg [dreg:$0x3];
	[sflag:s0] =	ssyncadd.s32 $0xFFFFE000  }
0x2e: {  	[spmem:s8] =	stream.linear.scatter [tilespmem:s1], [sflag:$0x3], $0x2000, $0x38;
	[tilespmem:$0x1FC00] =	vst v63  }
0x2f: {  	_ =	swait.ge [sflag:s0], $0x2000  }
0x30: {  	[sflag:s0] =	ssyncset.done $0x0  }
0x31: {  	[sflag:s0] =	ssyncadd.s32 $0xFFFFE000  }
0x32: {  	[spmem:s9] =	stream.linear.scatter [tilespmem:s1], [sflag:$0x3], $0x2000, $0x38;
	[tilespmem:$0x1FC00] =	vst v63  }
0x33: {  	_ =	swait.ge [sflag:s0], $0x2000  }
0x34: {  	[sflag:s0] =	ssyncset.done $0x0  }
0x35: {  	[sflag:s0] =	ssyncadd.s32 $0xFFFFE000  }
0x36: {  	[spmem:s10] =	stream.linear.scatter [tilespmem:s1], [sflag:$0x3], $0x2000, $0x38;
	[tilespmem:$0x1FC00] =	vst v63  }
0x37: {  	_ =	swait.ge [sflag:s0], $0x2000  }
0x38: {  	[sflag:s0] =	ssyncset.done $0x0  }
0x39: {  	[sflag:s0] =	ssyncadd.s32 $0xFFFFE000  }
0x3a: {  	[spmem:s11] =	stream.linear.scatter [tilespmem:s1], [sflag:$0x3], $0x2000, $0x38;
	[tilespmem:$0x1FC00] =	vst v63  }
0x3b: {  	_ =	swait.ge [sflag:s0], $0x2000  }
0x3c: {  	[sflag:s0] =	ssyncset.done $0x0  }
0x3d: {  	[sflag:s0] =	ssyncadd.s32 $0xFFFFE000  }
0x3e: {  	[spmem:s26] =	stream.linear.scatter [tilespmem:s1], [sflag:$0x3], $0x2000, $0x38;
	[tilespmem:$0x1FC00] =	vst v63  }
0x3f: {  	_ =	swait.ge [sflag:s0], $0x2000  }
0x40: {  	[sflag:s0] =	ssyncset.done $0x0  }
0x41: {  	[sflag:s0] =	ssyncadd.s32 $0xFFFFE000  }
0x42: {  	[spmem:s28] =	stream.linear.scatter [tilespmem:s1], [sflag:$0x3], $0x2000, $0x38;
	[tilespmem:$0x1FC00] =	vst v63  }
0x43: {  	_ =	swait.ge [sflag:s0], $0x2000  }
0x44: {  	[sflag:s0] =	ssyncset.done $0x0  }
0x45: {  	[sflag:s0] =	ssyncadd.s32 $0xFFFFE000  }
0x46: {  	[spmem:s29] =	stream.linear.scatter [tilespmem:s1], [sflag:$0x3], $0x2000, $0x38;
	[tilespmem:$0x1FC00] =	vst v63  }
0x47: {  	_ =	swait.ge [sflag:s0], $0x2000  }
0x48: {  	[sflag:s0] =	ssyncset.done $0x0  }
0x49: {  	[sflag:s0] =	ssyncadd.s32 $0xFFFFE000  }
0x4a: {  	[spmem:s30] =	stream.linear.scatter [tilespmem:s1], [sflag:$0x3], $0x2000, $0x38;
	[tilespmem:$0x1FC00] =	vst v63  }
0x4b: {  	_ =	swait.ge [sflag:s0], $0x2000  }
0x4c: {  	[sflag:s0] =	ssyncset.done $0x0  }
0x4d: {  	[sflag:s0] =	ssyncadd.s32 $0xFFFFE000  }
0x4e: {  	[spmem:s31] =	stream.linear.scatter [tilespmem:s1], [sflag:$0x3], $0x1C00, $0x38;
	[tilespmem:$0x1FC00] =	vst v63  }
0x4f: {  	_ =	swait.ge [sflag:s0], $0x1C00  }
0x50: {  	[sflag:s0] =	ssyncset.done $0x0  }
0x51: {  	s18 =	simm.s32 $0x0;
	s24 =	rddreg [dreg:$0x4];
	[sflag:s0] =	ssyncadd.s32 $0xFFFFE400  }
0x52: {  	[tilespmem:s18], [sflag:$0x3] =	stream.linear.gather [hbm4b:s24+s18], $0x1000, $0x38;
	[tilespmem:$0x1FC00] =	vst v63  }
0x53: {  	_ =	swait.ge [sflag:s0], $0x1000  }
0x54: {  	[sflag:s0] =	ssyncset.done $0x0  }
0x55: {  	s19 =	simm.s32 $0x2000;
	s25 =	rddreg [dreg:$0x5];
	[sflag:s0] =	ssyncadd.s32 $0xFFFFF000  }
0x56: {  	[tilespmem:s19], [sflag:$0x3] =	stream.linear.gather [hbm4b:s25+s18], $0x1000, $0x38;
	[tilespmem:$0x1FC00] =	vst v63  }
0x57: {  	_ =	swait.ge [sflag:s0], $0x1000  }
0x58: {  	[sflag:s0] =	ssyncset.done $0x0  }
0x59: {  	[sflag:s0] =	ssyncadd.s32 $0xFFFFF000  }
0x5a: {  	[bflag:$0x0] =	sbarrier.arrive $0xFFFF  }
.LBB2_5:
0x5b: {  	p0 =	seq.s32 s18, $0x0  }
0x5c: {  	s19 =	simm.s32 @!p0 $0x2;
	p1 =	seq.s32 @!p0 s18, $0x9  }
0x5d: {  	_ =	swait.ge @!p0 [sflag:s19], $0x1000;
	p1 =	por p0, !p1  }
.Ltmp1:
0x5e: {  	[sflag:s19] =	ssyncset.done @!p0 $0x0;
	(pc) =	sbr.rel @p1 .LBB2_7-.Ltmp1, $4  }
0x5f: {  	[sflag:s19] =	ssyncadd.s32 @!p0 $0xFFFFF000  }
0x60: {  	_ =	swait.ge @!p0 [sflag:s19], $0x1000  }
0x61: {  	[sflag:s19] =	ssyncset.done @!p0 $0x0  }
0x62: {  	[sflag:s19] =	ssyncadd.s32 @!p0 $0xFFFFF000  }
.Ltmp2:
0x63: {  	(pc) =	sbr.rel .LBB2_8-.Ltmp2, $2  }
0x64: {  	_ =	sdelay $0x2  }
0x65: {  	s18 =	simm.s32 @!p0 $0xA;
	s20 =	simm.s32 @!p0 $0x1000  }
.LBB2_7:
0x66: {  	s19 =	sshll.u32 s18, $0xC  }
0x67: {  	s21 =	sadd.s32 s19, s14  }
0x68: {  	s20 =	sand.u32 $0x1000, s19;
	s23 =	sshrl.u32 s21, $0x3  }
0x69: {  	s18 =	sadd.s32 @!p0 $0x1, s18;
	s24 =	sxor.u32 $0x1000, s20;
	s22 =	sadd.s32 s5, s23  }
0x6a: {  	[tilespmem:s24], [sflag:$0x2] =	stream.linear.gather [hbm4b:s22+s3], $0x1000, $0x38;
	[tilespmem:$0x1FC00] =	vst v63  }
0x6b: {  	s18 =	simm.s32 @p0 $0x1;
	s25 =	sxor.u32 $0x3000, s20;
	s19 =	sadd.s32 s6, s23  }
0x6c: {  	[tilespmem:s25], [sflag:$0x2] =	stream.linear.gather [hbm4b:s19+s3], $0x1000, $0x38;
	[tilespmem:$0x1FC00] =	vst v63  }
.LBB2_8:
0x6d: {  	[tilespmem:s1], [sflag:$0x1] =	stream.indirect.gather [hbm4b:s4+s13], $0x80, s20, s13, $0xb8;
	[tilespmem:$0x1FC00] =	vst v63  }
0x6e: {  	s19 =	sadd.s32 $0x80, s20  }
0x6f: {  	[tilespmem:s15], [sflag:$0x1] =	stream.indirect.gather [hbm4b:s4+s13], $0x80, s19, s13, $0xb8;
	[tilespmem:$0x1FC00] =	vst v63  }
0x70: {  	s25 =	sadd.s32 $0x100, s20;
	s22 =	sor.u32 $0x2000, s20;
	s19 =	simm.s32 $0x0  }
0x71: {  	[tilespmem:s16], [sflag:$0x1] =	stream.indirect.gather [hbm4b:s4+s13], $0x80, s25, s13, $0xb8;
	[tilespmem:$0x1FC00] =	vst v63  }
0x72: {  	s20 =	sadd.s32 $0x180, s20;
	s23 =	sand.u32 $0x18000, s19;
	_ =	swait.ge [sflag:s12], $0x2000  }
0x73: {  	s21 =	simm.s32 $0x8000;
	s23 =	sshrl.u32 s23, $0x2;
	[sflag:s12] =	ssyncset.done $0x0  }
0x74: {  	p0 =	por $0x0, $0x0;
	s23 =	sadd.s32 $0x4000, s23;
	[sflag:s12] =	ssyncadd.s32 $0xFFFFE000  }
0x75: {  	[spmem:s2] =	stream.indirect.scatter.add.f32 [tilespmem:s23], [sflag:$0x3], $0x80, s22, s13, $0xb8;
	[tilespmem:$0x1FC00] =	vst v63  }
0x76: {  	s23 =	simm.s32 @!p0 $0x18000;
	s22 =	sadd.s32 $0x80, s22;
	_ =	swait.ge [sflag:s0], $0x2000  }
0x77: {  	s24 =	sand.u32 @!p0 $0x18000, s23;
	s23 =	sadd.s32 $0x80, s20;
	[sflag:s0] =	ssyncset.done $0x0  }
0x78: {  	s25 =	sshrl.u32 @!p0 s24, $0x2;
	s24 =	simm.s32 @!p0 $0x40;
	[sflag:s0] =	ssyncadd.s32 $0xFFFFE000  }
.LBB2_9:
0x79: {  	s25 =	sadd.s32 @!p0 $0x4000, s25  }
0x7a: {  	s19 =	sadd.s32 $0x1, s19;
	s8 =	smov.u32 s21;
	s21 =	sadd.s32 $0x8000, s21  }
0x7b: {  	[tilespmem:s25], [sflag:$0x1] =	stream.indirect.gather @!p0 [hbm4b:s4+s24], $0x80, s20, s24, $0xb8;
	[tilespmem:$0x1FC00] =	vst v63  }
0x7c: {  	p1 =	seq.s32 s21, $0x100000;
	s20 =	smov.u32 s23  }
0x7d: {  	s24 =	sand.u32 $0x18000, s8;
	_ =	swait.ge [sflag:s12], $0x2000  }
0x7e: {  	p0 =	sgt.u32 s19, $0x1C;
	s24 =	sshrl.u32 s24, $0x2;
	[sflag:s12] =	ssyncset.done $0x0  }
.Ltmp3:
0x7f: {  	s24 =	sadd.s32 $0x4000, s24;
	[sflag:s12] =	ssyncadd.s32 $0xFFFFE000;
	(pc) =	sbr.rel @!p1 .LBB2_9-.Ltmp3, $4  }
0x80: {  	[spmem:s2] =	stream.indirect.scatter.add.f32 [tilespmem:s24], [sflag:$0x3], $0x80, s22, s13, $0xb8;
	[tilespmem:$0x1FC00] =	vst v63  }
0x81: {  	s8 =	sadd.s32 @!p0 $0x18000, s8;
	s22 =	sadd.s32 $0x80, s22;
	_ =	swait.ge [sflag:s0], $0x2000  }
0x82: {  	s23 =	sadd.s32 $0x80, s23;
	s8 =	sand.u32 @!p0 $0x18000, s8;
	[sflag:s0] =	ssyncset.done $0x0  }
0x83: {  	s25 =	sshrl.u32 @!p0 s8, $0x2;
	s24 =	simm.s32 @!p0 $0x40;
	[sflag:s0] =	ssyncadd.s32 $0xFFFFE000  }
0x84: {  	s8 =	sadd.s32 @!p0 $0x4000, s25  }
0x85: {  	[tilespmem:s8], [sflag:$0x1] =	stream.indirect.gather @!p0 [hbm4b:s4+s24], $0x80, s20, s24, $0xb8;
	[tilespmem:$0x1FC00] =	vst v63  }
0x86: {  	p0 =	sgt.u32 s18, $0x9  }
.Ltmp4:
0x87: {  	_ = 	snop;
	(pc) =	sbr.rel @!p0 .LBB2_5-.Ltmp4, $1  }
0x88: {  	_ =	sdelay $0x3  }
0x89: {  	s8 =	stileid.u32  }
0x8a: {  	[bflag:$0x0] =	sbarrier.arrive $0xFFFF;
	s8 =	sshll.u32 s8, $0x6  }
0x8b: {  	s18 =	sshrl.u32 s7, $0x3;
	s19 =	rddreg [dreg:$0x6];
	s8 =	sor.u32 $0x1C03, s8  }
0x8c: {  	[hbm:s19], [sflag:s8] =	dma.local [spmem:s18], $0x400  }
0x8d: {  	_ =	swait.ge [sflag:s0], $0x400  }
0x8e: {  	[sflag:s0] =	ssyncset.done $0x0;
	s20 =	rddreg [dreg:$0x3]  }
0x8f: {  	s21 =	rddreg [dreg:$0x7];
	[sflag:s0] =	ssyncadd.s32 $0xFFFFFC00;
	s18 =	sshrl.u32 s20, $0x3  }
0x90: {  	[hbm:s21], [sflag:s8] =	dma.local [spmem:s18], $0x400  }
0x91: {  	_ =	swait.ge [sflag:s0], $0x400  }
0x92: {  	[sflag:s0] =	ssyncset.done $0x0  }
0x93: {  	s22 =	sshrl.u32 s9, $0x3;
	s23 =	rddreg [dreg:$0x8];
	[sflag:s0] =	ssyncadd.s32 $0xFFFFFC00  }
0x94: {  	[hbm:s23], [sflag:s8] =	dma.local [spmem:s22], $0x400  }
0x95: {  	_ =	swait.ge [sflag:s0], $0x400  }
0x96: {  	[sflag:s0] =	ssyncset.done $0x0  }
0x97: {  	s24 =	sshrl.u32 s10, $0x3;
	s25 =	rddreg [dreg:$0x9];
	[sflag:s0] =	ssyncadd.s32 $0xFFFFFC00  }
0x98: {  	[hbm:s25], [sflag:s8] =	dma.local [spmem:s24], $0x400  }
0x99: {  	_ =	swait.ge [sflag:s0], $0x400  }
0x9a: {  	[sflag:s0] =	ssyncset.done $0x0  }
0x9b: {  	s20 =	sshrl.u32 s11, $0x3;
	s21 =	rddreg [dreg:$0xa];
	[sflag:s0] =	ssyncadd.s32 $0xFFFFFC00  }
0x9c: {  	[hbm:s21], [sflag:s8] =	dma.local [spmem:s20], $0x400  }
0x9d: {  	_ =	swait.ge [sflag:s0], $0x400  }
0x9e: {  	[sflag:s0] =	ssyncset.done $0x0  }
0x9f: {  	s22 =	sshrl.u32 s26, $0x3;
	s23 =	rddreg [dreg:$0xb];
	[sflag:s0] =	ssyncadd.s32 $0xFFFFFC00  }
0xa0: {  	[hbm:s23], [sflag:s8] =	dma.local [spmem:s22], $0x400  }
0xa1: {  	_ =	swait.ge [sflag:s0], $0x400  }
0xa2: {  	[sflag:s0] =	ssyncset.done $0x0  }
0xa3: {  	s24 =	sshrl.u32 s28, $0x3;
	s25 =	rddreg [dreg:$0xc];
	[sflag:s0] =	ssyncadd.s32 $0xFFFFFC00  }
0xa4: {  	[hbm:s25], [sflag:s8] =	dma.local [spmem:s24], $0x400  }
0xa5: {  	_ =	swait.ge [sflag:s0], $0x400  }
0xa6: {  	[sflag:s0] =	ssyncset.done $0x0  }
0xa7: {  	s19 =	sshrl.u32 s29, $0x3;
	s20 =	rddreg [dreg:$0xd];
	[sflag:s0] =	ssyncadd.s32 $0xFFFFFC00  }
0xa8: {  	[hbm:s20], [sflag:s8] =	dma.local [spmem:s19], $0x400  }
0xa9: {  	_ =	swait.ge [sflag:s0], $0x400  }
0xaa: {  	[sflag:s0] =	ssyncset.done $0x0  }
0xab: {  	s21 =	sshrl.u32 s30, $0x3;
	s22 =	rddreg [dreg:$0xe];
	[sflag:s0] =	ssyncadd.s32 $0xFFFFFC00  }
0xac: {  	[hbm:s22], [sflag:s8] =	dma.local [spmem:s21], $0x400  }
0xad: {  	_ =	swait.ge [sflag:s0], $0x400  }
0xae: {  	[sflag:s0] =	ssyncset.done $0x0  }
0xaf: {  	s23 =	sshrl.u32 s31, $0x3;
	s24 =	rddreg [dreg:$0xf];
	[sflag:s0] =	ssyncadd.s32 $0xFFFFFC00  }
0xb0: {  	[hbm:s24], [sflag:s8] =	dma.local [spmem:s23], $0x380  }
0xb1: {  	_ =	swait.ge [sflag:s0], $0x380  }
0xb2: {  	s17 =	sadd.s32 $0x1, s17;
	s25 =	rddreg [dreg:$0x10]  }
0xb3: {  	p0 =	sne.s32 s17, s25  }
.Ltmp5:
0xb4: {  	_ = 	snop;
	(pc) =	sbr.rel @p0 .LBB2_1-.Ltmp5, $3  }
0xb5: {  	_ =	sdelay $0x1  }
0xb6: {  	[sflag:s0] =	ssyncset.done $0x0  }
0xb7: {  	[sflag:s0] =	ssyncadd.s32 $0xFFFFFC80  }
0xb8: {  	_ =	sfence.sel $0x180000  }
0xb9: {  	[bflag:$0x0] =	sbarrier.arrive $0xFFFF  }
0xba: {  	_ =	strace $0x9000004A  }
0xbb: {  	s0 =	stileid.u32;
	[bflag:$0x2] =	sbarrier.arrive $0xFFFF  }
0xbc: {  	p0 =	sne.s32 s0, $0x0;
	s0 =	rddreg [dreg:$0x2]  }
0xbd: {  	s0 =	sadd.s32 @!p0 $0x100000, s0  }
0xbe: {  	[sflag:s0] =	ssyncadd.tile.s32 @!p0 $0x1;
	_ =	shalt  }
.Lfunc_end2:
_tile_overlayer_lowered:
.L_overlay_start_2:
0xbf: {  	(tag) =	ssettag $0x2  }
0xc0: {  	s0 =	rddreg [dreg:$0x0];
	s2 =	stileid.u32  }
0xc1: {  	s1 =	rddreg [dreg:$0x1];
	p0 =	sne.s32 s2, $0x0  }
0xc2: {  	s3 =	rddreg [dreg:$0x2];
	[bflag:$0x3] =	sbarrier.arrive $0xFFFF;
	s2 =	simm.s32 @!p0 $0x1C03  }
0xc3: {  	[timem:s3], [sflag:s2] =	dma.local @!p0 [hbm:s0], s1  }
0xc4: {  	s0 =	simm.s32 @!p0 $0x3  }
0xc5: {  	_ =	swait.ge @!p0 [sflag:s0], s1  }
0xc6: {  	s1 =	ssub.s32 @!p0 $0x0, s1;
	[sflag:s0] =	ssyncset.done @!p0 $0x0  }
0xc7: {  	[sflag:s0] =	ssyncadd.s32 @!p0 s1  }
0xc8: {  	[bflag:$0x3] =	sbarrier.arrive $0xFFFF  }
0xc9: {  	_ =	shalt  }

// kernel: kernel.15.cloned.1.call-start
scs
__scs_entry_jumppad:
0x0: {  	(pc) =	sbr.rel $0x88, $3  }
0x1: {  	(tag) =	ssettag $0x0;
	lr =	simm.s32 $0x1  }
0x2: {  	[smem:$0x3F99] =	sst lr;
	_ =	strace $0xD0000000  }
0x3: {  	_ = 	snop  }
0x4: {  	_ = 	snop  }
0x5: {  	_ = 	snop  }
0x6: {  	_ = 	snop  }
0x7: {  	_ = 	snop  }
__scs_overlays_trampoline_lowered:
0x8: {  	[smem:$0x3FA8] =	sst s0  }
0x9: {  	[smem:$0x3FA9] =	sst s1  }
0xa: {  	[smem:$0x3FAA] =	sst s2  }
0xb: {  	[smem:$0x3FAB] =	sst s3  }
0xc: {  	[smem:$0x3FAC] =	sst s4  }
0xd: {  	[smem:$0x3FAD] =	sst s5  }
0xe: {  	[smem:$0x3FAE] =	sst s6  }
0xf: {  	[smem:$0x3FAF] =	sst s7  }
0x10: {  	[smem:$0x3FB0] =	sst s8  }
0x11: {  	[smem:$0x3FB1] =	sst s9;
	s0 =	simm.s32 @!p0 $0x0  }
0x12: {  	s1 =	sld [smem:$0x3F97];
	s0 =	simm.s32 @p0 $0x1  }
0x13: {  	[smem:$0x3FB2] =	sst s0;
	s0 =	simm.s32 @!p1 $0x0  }
0x14: {  	s2 =	sld [smem:$0x3F96];
	s0 =	simm.s32 @p1 $0x1  }
0x15: {  	[smem:$0x3FB3] =	sst s0;
	s0 =	simm.s32 @!p2 $0x0  }
0x16: {  	s3 =	sld [smem:$0x3FDB];
	s0 =	simm.s32 @p2 $0x1  }
0x17: {  	s4 =	simm.s32 $0x1BF5;
	[smem:$0x3FB5] =	sst s0  }
0x18: {  	s0 =	sld [smem:$0x3F98];
	_ =	swait.ge [sflag:s4], $0x0  }
0x19: {  	s7 =	sld [smem:$0x3F99]  }
0x1a: {  	s8 =	sadd.s32 $0xFFFFE003, lr  }
0x1b: {  	s9 =	sadd.s32 $0xFFFFFEF7, lr;
	s5 =	simm.s32 $0xFFFFFFFF;
	p2 =	slt.u32 s8, $0xFFFFF086  }
0x1c: {  	p1 =	slt.u32 s9, $0xF7A;
	s5 =	simm.s32 @!p2 $0x0  }
0x1d: {  	s5 =	simm.s32 @p1 $0x1;
	p0 =	seq.s32 s7, s2  }
0x1e: {  	s7 =	smul.u32 @!p0 $0xF7A, s2;
	p2 =	seq.s32 @!p0 s5, $0x0  }
0x1f: {  	s9 =	smul.u32 $0xF7A, s1;
	s8 =	simm.s32 @!p0 $0x1BF5;
	p2 =	por !p2, p0  }
0x20: {  	[sflag:s8] =	ssyncset.s32 @!p0 $0xFFFFF086;
	s6 =	sadd.s32 @!p0 s3, s7;
	s7 =	simm.s32 @!p0 $0x108  }
0x21: {  	s3 =	sadd.s32 s3, s9;
	s6 =	sadd.s32 @!p0 $0x88, s6;
	s7 =	simm.s32 @p2 $0x1082  }
0x22: {  	[simem:s7], [sflag:s8] =	dma.local @!p0 [hbm:s6], $0xF7A  }
0x23: {  	s9 =	sor.u32 $0xD0000000, s2;
	s6 =	simm.s32 $0x108;
	_ =	swait.ge @!p0 [sflag:s8], $0x0  }
0x24: {  	s3 =	sadd.s32 $0x88, s3;
	s6 =	simm.s32 @!p1 $0x1082;
	[sflag:s4] =	ssyncset.s32 $0xFFFFF086  }
0x25: {  	[simem:s6], [sflag:s4] =	dma.local [hbm:s3], $0xF7A  }
0x26: {  	[smem:$0x3F99] =	sst s1;
	(tag) =	ssettag s2;
	_ =	strace s9  }
0x27: {  	s1 =	sld [smem:$0x3FA9]  }
0x28: {  	s2 =	sld [smem:$0x3FAA]  }
0x29: {  	s4 =	sld [smem:$0x3FAC]  }
0x2a: {  	p0 =	seq.s32 s5, $0x0;
	s5 =	sld [smem:$0x3FAD]  }
0x2b: {  	s6 =	sld [smem:$0x3FAE]  }
0x2c: {  	s7 =	sld [smem:$0x3FAF]  }
0x2d: {  	s3 =	simm.s32 $0x108;
	s8 =	sld [smem:$0x3FB0]  }
0x2e: {  	s3 =	simm.s32 @!p0 $0x1082;
	s9 =	sld [smem:$0x3FB1]  }
0x2f: {  	lr =	sadd.s32 s0, s3;
	s0 =	sld [smem:$0x3FA8]  }
0x30: {  	s3 =	sld [smem:$0x3FAB]  }
0x31: {  	[smem:$0x3FB4] =	sst s10  }
0x32: {  	s10 =	sld [smem:$0x3FB2];
	_ =	sdelay $0x3  }
0x33: {  	p0 =	seq.s32 s10, $0x1;
	s10 =	sld [smem:$0x3FB4];
	_ =	sdelay $0x3  }
0x34: {  	[smem:$0x3FB4] =	sst s10  }
0x35: {  	s10 =	sld [smem:$0x3FB3];
	_ =	sdelay $0x3  }
0x36: {  	p1 =	seq.s32 s10, $0x1;
	s10 =	sld [smem:$0x3FB4];
	_ =	sdelay $0x3  }
0x37: {  	[smem:$0x3FB4] =	sst s10  }
0x38: {  	s10 =	sld [smem:$0x3FB5]  }
0x39: {  	_ = 	snop;
	(pc) =	sbr.ind lr, $3  }
0x3a: {  	_ = 	snop  }
0x3b: {  	_ = 	snop  }
0x3c: {  	p2 =	seq.s32 s10, $0x1;
	s10 =	sld [smem:$0x3FB4]  }
0x3d: {  	_ =	shalt  }
0x3e: {  	_ =	shalt  }
0x3f: {  	_ =	shalt  }
0x40: {  	_ =	shalt  }
0x41: {  	_ =	shalt  }
0x42: {  	_ =	shalt  }
0x43: {  	_ =	shalt  }
0x44: {  	_ =	shalt  }
0x45: {  	_ =	shalt  }
0x46: {  	_ =	shalt  }
0x47: {  	_ =	shalt  }
0x48: {  	_ =	shalt  }
0x49: {  	_ =	shalt  }
0x4a: {  	_ =	shalt  }
0x4b: {  	_ =	shalt  }
0x4c: {  	_ =	shalt  }
0x4d: {  	_ =	shalt  }
0x4e: {  	_ =	shalt  }
0x4f: {  	_ =	shalt  }
0x50: {  	_ =	shalt  }
0x51: {  	_ =	shalt  }
0x52: {  	_ =	shalt  }
0x53: {  	_ =	shalt  }
0x54: {  	_ =	shalt  }
0x55: {  	_ =	shalt  }
0x56: {  	_ =	shalt  }
0x57: {  	_ =	shalt  }
0x58: {  	_ =	shalt  }
0x59: {  	_ =	shalt  }
0x5a: {  	_ =	shalt  }
0x5b: {  	_ =	shalt  }
0x5c: {  	_ =	shalt  }
0x5d: {  	_ =	shalt  }
0x5e: {  	_ =	shalt  }
0x5f: {  	_ =	shalt  }
0x60: {  	_ =	shalt  }
0x61: {  	_ =	shalt  }
0x62: {  	_ =	shalt  }
0x63: {  	_ =	shalt  }
0x64: {  	_ =	shalt  }
0x65: {  	_ =	shalt  }
0x66: {  	_ =	shalt  }
0x67: {  	_ =	shalt  }
0x68: {  	_ =	shalt  }
0x69: {  	_ =	shalt  }
0x6a: {  	_ =	shalt  }
0x6b: {  	_ =	shalt  }
0x6c: {  	_ =	shalt  }
0x6d: {  	_ =	shalt  }
0x6e: {  	_ =	shalt  }
0x6f: {  	_ =	shalt  }
0x70: {  	_ =	shalt  }
0x71: {  	_ =	shalt  }
0x72: {  	_ =	shalt  }
0x73: {  	_ =	shalt  }
0x74: {  	_ =	shalt  }
0x75: {  	_ =	shalt  }
0x76: {  	_ =	shalt  }
0x77: {  	_ =	shalt  }
0x78: {  	_ =	shalt  }
0x79: {  	_ =	shalt  }
0x7a: {  	_ =	shalt  }
0x7b: {  	_ =	shalt  }
0x7c: {  	_ =	shalt  }
0x7d: {  	_ =	shalt  }
0x7e: {  	_ =	shalt  }
0x7f: {  	_ =	shalt  }
0x80: {  	_ =	shalt  }
0x81: {  	_ =	shalt  }
0x82: {  	_ =	shalt  }
0x83: {  	_ =	shalt  }
0x84: {  	_ =	shalt  }
0x85: {  	_ =	shalt  }
0x86: {  	_ =	shalt  }
0x87: {  	_ =	shalt  }
.Lfunc_end0:
.L_simem_size_0:
called_computation.2_lowered:
.L_overlay_start_0:
0x88: {  	s2 =	sld [smem:$0x3FD9]  }
0x89: {  	s3 =	sld [smem:$0x3FFE];
	_ =	sdelay $0x1  }
0x8a: {  	s1 =	srdreg.scid  }
0x8b: {  	s0 =	sand.u32 $0x1, s1  }
0x8c: {  	s16 =	sshll.u32 s0, $0xA;
	s2 =	sadd.s32 s3, s2  }
0x8d: {  	s2 =	sadd.s32 s2, s16  }
0x8e: {  	[smem:$0x3FC0] =	sst s2  }
0x8f: {  	_ = 	snop  }
0x90: {  	(tm) =	ssettm $0x1  }
0x91: {  	s17 =	sld [smem:$0x3FFB];
	_ =	sdelay $0x3  }
0x92: {  	_ =	strace s17  }
0x93: {  	s2 =	sld [smem:$0x3FFC];
	_ =	sdelay $0x3  }
0x94: {  	_ =	strace s2  }
0x95: {  	s2 =	sld [smem:$0x3FFD];
	_ =	sdelay $0x3  }
0x96: {  	_ =	strace s2  }
0x97: {  	_ =	strace $0x8FFFFFFF  }
0x98: {  	s18 =	sld [smem:$0x3FDB];
	_ =	sdelay $0x1  }
0x99: {  	s19 =	simm.s32 $_scs_section_size  }
0x9a: {  	s4 =	simm.s32 $_size__tile_overlayer_lowered;
	s5 =	simm.s32 $_tile_overlayer_lowered  }
0x9b: {  	s22 =	simm.s32 $0x1BFF;
	s21 =	sshll.u32 s5, $0x1;
	s2 =	sadd.s32 s19, s18  }
0x9c: {  	s6 =	simm.s32 $0x0;
	s20 =	sshll.u32 s4, $0x1;
	s4 =	sadd.s32 s21, s2  }
0x9d: {  	[timem:s6], [sflag:s22] =	dma.local [hbm:s4], s20  }
0x9e: {  	_ =	swait.ge [sflag:s22], s20  }
0x9f: {  	s3 =	ssub.s32 $0x0, s20;
	[sflag:s22] =	ssyncset.done $0x0  }
0xa0: {  	[sflag:s22] =	ssyncadd.s32 s3;
	_ =	sdelay $0x1  }
0xa1: {  	s23 =	simm.s32 $0x1B8B  }
0xa2: {  	_ =	swait.ge [sflag:s23], $0x1  }
0xa3: {  	[sflag:s23] =	ssyncset.done $0x0  }
0xa4: {  	s25 =	simm.s32 $0x1B8E;
	s24 =	sld [smem:$0x3FFE];
	[sflag:s23] =	ssyncadd.s32 $0xFFFFFFFF  }
0xa5: {  	s26 =	simm.s32 $execute0_lowered;
	[smem:$0x3FD2] =	sst s25  }
0xa6: {  	s4 =	sshll.u32 s26, $0x1;
	_ =	strace $0x8000004C;
	[dreg:$0x1] =	wrdreg $0xFFFFFFFF  }
0xa7: {  	s28 =	simm.s32 $_size_execute0_lowered;
	s2 =	sadd.s32 s2, s4;
	[dreg:$0x0] =	wrdreg $0x0  }
0xa8: {  	s4 =	sshll.u32 s28, $0x1;
	[dreg:$0x2] =	wrdreg s2  }
0xa9: {  	[dreg:$0x3] =	wrdreg s4  }
0xaa: {  	[dreg:$0x4] =	wrdreg $0xC0  }
0xab: {  	_ =	task [dreg:s6], $0x5FFFF  }
0xac: {  	[dreg:$0x1] =	wrdreg $0xFFFFFFFF  }
0xad: {  	[dreg:$0x0] =	wrdreg $0x60  }
0xae: {  	[dreg:$0x2] =	wrdreg s24  }
0xaf: {  	[dreg:$0x3] =	wrdreg $0xC0000  }
0xb0: {  	[dreg:$0x4] =	wrdreg $0x9  }
0xb1: {  	_ =	task.clear_ibuf [dreg:s6], $0x5FFFF;
	_ =	strace $0x9000004C  }
0xb2: {  	s29 =	simm.s32 $0x9;
	_ =	strace $0x8000004E  }
0xb3: {  	_ =	swait.ge [sflag:s29], $0x1  }
0xb4: {  	[sflag:s29] =	ssyncadd.s32 $0xFFFFFFFF  }
0xb5: {  	_ =	strace $0x9000004E  }
0xb6: {  	_ =	sfence  }
0xb7: {  	s30 =	sld [smem:$0x0];
	_ =	sdelay $0x2  }
0xb8: {  	s31 =	sshll.u32 s1, $0xD;
	s1 =	sshrl.u32 s1, $0x2  }
0xb9: {  	s3 =	sand.u32 $0x4000, s31;
	s1 =	sadd.s32 s1, s30  }
0xba: {  	s0 =	sor.u32 s3, s0;
	s1 =	sshll.u32 s1, $0x11  }
0xbb: {  	s0 =	sor.u32 s1, s0  }
0xbc: {  	s0 =	sadd.s32 $0x8F2B, s0  }
0xbd: {  	[sflag:s0] =	ssyncadd.remote.s32 $0x1  }
0xbe: {  	_ =	sfence.sel $0xFFFF  }
0xbf: {  	[dreg:$0x0] =	wrdreg $0xFFFFFFFF;
	(pc) =	sbr.abs _section_cstart, $3  }
0xc0: {  	[dreg:$0x1] =	wrdreg $0xFFFFFFFF  }
0xc1: {  	_ =	task.clear_ibuf [dreg:s6], $0x2FFFF;
	_ =	strace $0x9FFFFFFF  }
0xc2: {  	(tm) =	ssettm $0x7FFFFFFF  }
0xc3: {  	_ =	shalt  }
tec
execute0_lowered:
.L_overlay_start_1:
0x0: {  	(tag) =	ssettag $0x1  }
0x1: {  	s0 =	rddreg [dreg:$0x0];
	s1 =	srdreg.scid  }
0x2: {  	s9 =	stileid.u32;
	s2 =	rddreg [dreg:$0x1]  }
0x3: {  	s3 =	simm.s32 $0x0;
	s1 =	sand.u32 $0x1, s1;
	s5 =	smul.u32 $0x278, s9  }
0x4: {  	[smem:$0x7FF] =	sst s3;
	s4 =	sadd.s32 $0xA1400, s0;
	s8 =	smul.u32 $0x4F000, s9  }
0x5: {  	s6 =	smul.u32 $0x2780, s1;
	_ =	strace $0x8000004D;
	s11 =	sshll.u32 s1, $0x4  }
0x6: {  	s1 =	ssub.s32 $0x2, s1;
	s9 =	sor.u32 s9, s11;
	s12 =	sshrl.u32 s8, $0x2  }
0x7: {  	s13 =	sshrl.u32 s1, $0x1;
	s6 =	sadd.s32 s5, s6;
	s5 =	sadd.s32 $0x2A400, s0  }
0x8: {  	s1 =	ssub.s32 s1, s13;
	s13 =	smul.u32 $0xA000, s9;
	s7 =	sshll.u32 s6, $0x4  }
0x9: {  	s6 =	sadd.s32 $0x2400, s0;
	s26 =	smax.u32 s1, $0x1;
	s1 =	simm.s32 $0x4000  }
0xa: {  	s0 =	sadd.s32 s7, s0;
	s7 =	sadd.s32 s12, s2;
	s12 =	smul.u32 $0x1400, s9  }
0xb: {  	[dreg:$0x10] =	wrdreg s26;
	s14 =	sadd.s32 $0x2000, s7;
	s9 =	sadd.s32 $0x4000, s7  }
0xc: {  	s10 =	sadd.s32 $0x6000, s7;
	s17 =	sadd.s32 $0xF0400, s0;
	[dreg:$0x3] =	wrdreg s14  }
0xd: {  	s11 =	sadd.s32 $0x8000, s7;
	s18 =	sadd.s32 $0xF0800, s0;
	[dreg:$0x6] =	wrdreg s17  }
0xe: {  	s19 =	sadd.s32 $0xF0C00, s0;
	s20 =	sadd.s32 $0xF1000, s0;
	[dreg:$0x7] =	wrdreg s18  }
0xf: {  	s21 =	sadd.s32 $0xF1400, s0;
	s22 =	sadd.s32 $0xF1800, s0;
	[dreg:$0x8] =	wrdreg s19  }
0x10: {  	s23 =	sadd.s32 $0xF1C00, s0;
	s24 =	sadd.s32 $0xF2000, s0;
	[dreg:$0x9] =	wrdreg s20  }
0x11: {  	s25 =	sadd.s32 $0xF2400, s0;
	s0 =	sadd.s32 $0xF2800, s0;
	[dreg:$0xa] =	wrdreg s21  }
0x12: {  	s26 =	sadd.s32 $0xA000, s7;
	s28 =	sadd.s32 $0xC000, s7;
	[dreg:$0xb] =	wrdreg s22  }
0x13: {  	s29 =	sadd.s32 $0xE000, s7;
	s30 =	sadd.s32 $0x10000, s7;
	[dreg:$0xc] =	wrdreg s23  }
0x14: {  	s31 =	sadd.s32 $0x12000, s7;
	s15 =	sadd.s32 s5, s12;
	[dreg:$0xd] =	wrdreg s24  }
0x15: {  	s16 =	sadd.s32 s6, s12;
	s14 =	sor.u32 $0x1000, s13;
	[dreg:$0xe] =	wrdreg s25  }
0x16: {  	[dreg:$0xf] =	wrdreg s0;
	s0 =	simm.s32 $0x3;
	s12 =	simm.s32 $0x1  }
0x17: {  	s13 =	simm.s32 $0x40;
	s17 =	simm.s32 $0x0;
	[dreg:$0x4] =	wrdreg s15  }
0x18: {  	v0 =	vimm.f32 $0.0e+00;
	[dreg:$0x5] =	wrdreg s16;
	s15 =	simm.s32 $0x6000;
	s16 =	simm.s32 $0x8000  }
.LBB2_1:
0x19: {  	s18 =	simm.s32 $0x0;
	s19 =	simm.s32 $0x200  }
.LBB2_2:
0x1a: {  	p0 =	sne.s32 s19, $0x7E00;
	[tilespmem:s18+$0x4070] =	vst v0  }
0x1b: {  	[tilespmem:s18+$0x4000] =	vst v0  }
0x1c: {  	[tilespmem:s18+$0x4010] =	vst v0  }
.Ltmp0:
0x1d: {  	[tilespmem:s18+$0x4020] =	vst v0;
	(pc) =	sbr.rel @p0 .LBB2_2-.Ltmp0, $4  }
0x1e: {  	[tilespmem:s18+$0x4030] =	vst v0  }
0x1f: {  	[tilespmem:s18+$0x4040] =	vst v0  }
0x20: {  	[tilespmem:s18+$0x4050] =	vst v0  }
0x21: {  	[tilespmem:s18+$0x4060] =	vst v0;
	s18 =	sshra.s32 s19, $0x2;
	s19 =	sadd.s32 $0x200, s19  }
0x22: {  	[tilespmem:s18+$0x4070] =	vst v0  }
0x23: {  	[tilespmem:s18+$0x4000] =	vst v0  }
0x24: {  	[tilespmem:s18+$0x4010] =	vst v0  }
0x25: {  	[tilespmem:s18+$0x4020] =	vst v0  }
0x26: {  	[tilespmem:s18+$0x4030] =	vst v0  }
0x27: {  	[tilespmem:s18+$0x4040] =	vst v0  }
0x28: {  	[tilespmem:s18+$0x4050] =	vst v0  }
0x29: {  	[tilespmem:s18+$0x4060] =	vst v0  }
0x2a: {  	[spmem:s7] =	stream.linear.scatter [tilespmem:s1], [sflag:$0x3], $0x2000, $0x38;
	[tilespmem:$0x1FC00] =	vst v63  }
0x2b: {  	_ =	swait.ge [sflag:s0], $0x2000  }
0x2c: {  	[sflag:s0] =	ssyncset.done $0x0  }
0x2d: {  	s8 =	rddreg [dreg:$0x3];
	[sflag:s0] =	ssyncadd.s32 $0xFFFFE000  }
0x2e: {  	[spmem:s8] =	stream.linear.scatter [tilespmem:s1], [sflag:$0x3], $0x2000, $0x38;
	[tilespmem:$0x1FC00] =	vst v63  }
0x2f: {  	_ =	swait.ge [sflag:s0], $0x2000  }
0x30: {  	[sflag:s0] =	ssyncset.done $0x0  }
0x31: {  	[sflag:s0] =	ssyncadd.s32 $0xFFFFE000  }
0x32: {  	[spmem:s9] =	stream.linear.scatter [tilespmem:s1], [sflag:$0x3], $0x2000, $0x38;
	[tilespmem:$0x1FC00] =	vst v63  }
0x33: {  	_ =	swait.ge [sflag:s0], $0x2000  }
0x34: {  	[sflag:s0] =	ssyncset.done $0x0  }
0x35: {  	[sflag:s0] =	ssyncadd.s32 $0xFFFFE000  }
0x36: {  	[spmem:s10] =	stream.linear.scatter [tilespmem:s1], [sflag:$0x3], $0x2000, $0x38;
	[tilespmem:$0x1FC00] =	vst v63  }
0x37: {  	_ =	swait.ge [sflag:s0], $0x2000  }
0x38: {  	[sflag:s0] =	ssyncset.done $0x0  }
0x39: {  	[sflag:s0] =	ssyncadd.s32 $0xFFFFE000  }
0x3a: {  	[spmem:s11] =	stream.linear.scatter [tilespmem:s1], [sflag:$0x3], $0x2000, $0x38;
	[tilespmem:$0x1FC00] =	vst v63  }
0x3b: {  	_ =	swait.ge [sflag:s0], $0x2000  }
0x3c: {  	[sflag:s0] =	ssyncset.done $0x0  }
0x3d: {  	[sflag:s0] =	ssyncadd.s32 $0xFFFFE000  }
0x3e: {  	[spmem:s26] =	stream.linear.scatter [tilespmem:s1], [sflag:$0x3], $0x2000, $0x38;
	[tilespmem:$0x1FC00] =	vst v63  }
0x3f: {  	_ =	swait.ge [sflag:s0], $0x2000  }
0x40: {  	[sflag:s0] =	ssyncset.done $0x0  }
0x41: {  	[sflag:s0] =	ssyncadd.s32 $0xFFFFE000  }
0x42: {  	[spmem:s28] =	stream.linear.scatter [tilespmem:s1], [sflag:$0x3], $0x2000, $0x38;
	[tilespmem:$0x1FC00] =	vst v63  }
0x43: {  	_ =	swait.ge [sflag:s0], $0x2000  }
0x44: {  	[sflag:s0] =	ssyncset.done $0x0  }
0x45: {  	[sflag:s0] =	ssyncadd.s32 $0xFFFFE000  }
0x46: {  	[spmem:s29] =	stream.linear.scatter [tilespmem:s1], [sflag:$0x3], $0x2000, $0x38;
	[tilespmem:$0x1FC00] =	vst v63  }
0x47: {  	_ =	swait.ge [sflag:s0], $0x2000  }
0x48: {  	[sflag:s0] =	ssyncset.done $0x0  }
0x49: {  	[sflag:s0] =	ssyncadd.s32 $0xFFFFE000  }
0x4a: {  	[spmem:s30] =	stream.linear.scatter [tilespmem:s1], [sflag:$0x3], $0x2000, $0x38;
	[tilespmem:$0x1FC00] =	vst v63  }
0x4b: {  	_ =	swait.ge [sflag:s0], $0x2000  }
0x4c: {  	[sflag:s0] =	ssyncset.done $0x0  }
0x4d: {  	[sflag:s0] =	ssyncadd.s32 $0xFFFFE000  }
0x4e: {  	[spmem:s31] =	stream.linear.scatter [tilespmem:s1], [sflag:$0x3], $0x1C00, $0x38;
	[tilespmem:$0x1FC00] =	vst v63  }
0x4f: {  	_ =	swait.ge [sflag:s0], $0x1C00  }
0x50: {  	[sflag:s0] =	ssyncset.done $0x0  }
0x51: {  	s18 =	simm.s32 $0x0;
	s24 =	rddreg [dreg:$0x4];
	[sflag:s0] =	ssyncadd.s32 $0xFFFFE400  }
0x52: {  	[tilespmem:s18], [sflag:$0x3] =	stream.linear.gather [hbm4b:s24+s18], $0x1000, $0x38;
	[tilespmem:$0x1FC00] =	vst v63  }
0x53: {  	_ =	swait.ge [sflag:s0], $0x1000  }
0x54: {  	[sflag:s0] =	ssyncset.done $0x0  }
0x55: {  	s19 =	simm.s32 $0x2000;
	s25 =	rddreg [dreg:$0x5];
	[sflag:s0] =	ssyncadd.s32 $0xFFFFF000  }
0x56: {  	[tilespmem:s19], [sflag:$0x3] =	stream.linear.gather [hbm4b:s25+s18], $0x1000, $0x38;
	[tilespmem:$0x1FC00] =	vst v63  }
0x57: {  	_ =	swait.ge [sflag:s0], $0x1000  }
0x58: {  	[sflag:s0] =	ssyncset.done $0x0  }
0x59: {  	[sflag:s0] =	ssyncadd.s32 $0xFFFFF000  }
0x5a: {  	[bflag:$0x0] =	sbarrier.arrive $0xFFFF  }
.LBB2_5:
0x5b: {  	p0 =	seq.s32 s18, $0x0  }
0x5c: {  	s19 =	simm.s32 @!p0 $0x2;
	p1 =	seq.s32 @!p0 s18, $0x9  }
0x5d: {  	_ =	swait.ge @!p0 [sflag:s19], $0x1000;
	p1 =	por p0, !p1  }
.Ltmp1:
0x5e: {  	[sflag:s19] =	ssyncset.done @!p0 $0x0;
	(pc) =	sbr.rel @p1 .LBB2_7-.Ltmp1, $4  }
0x5f: {  	[sflag:s19] =	ssyncadd.s32 @!p0 $0xFFFFF000  }
0x60: {  	_ =	swait.ge @!p0 [sflag:s19], $0x1000  }
0x61: {  	[sflag:s19] =	ssyncset.done @!p0 $0x0  }
0x62: {  	[sflag:s19] =	ssyncadd.s32 @!p0 $0xFFFFF000  }
.Ltmp2:
0x63: {  	(pc) =	sbr.rel .LBB2_8-.Ltmp2, $2  }
0x64: {  	_ =	sdelay $0x2  }
0x65: {  	s18 =	simm.s32 @!p0 $0xA;
	s20 =	simm.s32 @!p0 $0x1000  }
.LBB2_7:
0x66: {  	s19 =	sshll.u32 s18, $0xC  }
0x67: {  	s21 =	sadd.s32 s19, s14  }
0x68: {  	s20 =	sand.u32 $0x1000, s19;
	s23 =	sshrl.u32 s21, $0x3  }
0x69: {  	s18 =	sadd.s32 @!p0 $0x1, s18;
	s24 =	sxor.u32 $0x1000, s20;
	s22 =	sadd.s32 s5, s23  }
0x6a: {  	[tilespmem:s24], [sflag:$0x2] =	stream.linear.gather [hbm4b:s22+s3], $0x1000, $0x38;
	[tilespmem:$0x1FC00] =	vst v63  }
0x6b: {  	s18 =	simm.s32 @p0 $0x1;
	s25 =	sxor.u32 $0x3000, s20;
	s19 =	sadd.s32 s6, s23  }
0x6c: {  	[tilespmem:s25], [sflag:$0x2] =	stream.linear.gather [hbm4b:s19+s3], $0x1000, $0x38;
	[tilespmem:$0x1FC00] =	vst v63  }
.LBB2_8:
0x6d: {  	[tilespmem:s1], [sflag:$0x1] =	stream.indirect.gather [hbm4b:s4+s13], $0x80, s20, s13, $0xb8;
	[tilespmem:$0x1FC00] =	vst v63  }
0x6e: {  	s19 =	sadd.s32 $0x80, s20  }
0x6f: {  	[tilespmem:s15], [sflag:$0x1] =	stream.indirect.gather [hbm4b:s4+s13], $0x80, s19, s13, $0xb8;
	[tilespmem:$0x1FC00] =	vst v63  }
0x70: {  	s25 =	sadd.s32 $0x100, s20;
	s22 =	sor.u32 $0x2000, s20;
	s19 =	simm.s32 $0x0  }
0x71: {  	[tilespmem:s16], [sflag:$0x1] =	stream.indirect.gather [hbm4b:s4+s13], $0x80, s25, s13, $0xb8;
	[tilespmem:$0x1FC00] =	vst v63  }
0x72: {  	s20 =	sadd.s32 $0x180, s20;
	s23 =	sand.u32 $0x18000, s19;
	_ =	swait.ge [sflag:s12], $0x2000  }
0x73: {  	s21 =	simm.s32 $0x8000;
	s23 =	sshrl.u32 s23, $0x2;
	[sflag:s12] =	ssyncset.done $0x0  }
0x74: {  	p0 =	por $0x0, $0x0;
	s23 =	sadd.s32 $0x4000, s23;
	[sflag:s12] =	ssyncadd.s32 $0xFFFFE000  }
0x75: {  	[spmem:s2] =	stream.indirect.scatter.add.f32 [tilespmem:s23], [sflag:$0x3], $0x80, s22, s13, $0xb8;
	[tilespmem:$0x1FC00] =	vst v63  }
0x76: {  	s23 =	simm.s32 @!p0 $0x18000;
	s22 =	sadd.s32 $0x80, s22;
	_ =	swait.ge [sflag:s0], $0x2000  }
0x77: {  	s24 =	sand.u32 @!p0 $0x18000, s23;
	s23 =	sadd.s32 $0x80, s20;
	[sflag:s0] =	ssyncset.done $0x0  }
0x78: {  	s25 =	sshrl.u32 @!p0 s24, $0x2;
	s24 =	simm.s32 @!p0 $0x40;
	[sflag:s0] =	ssyncadd.s32 $0xFFFFE000  }
.LBB2_9:
0x79: {  	s25 =	sadd.s32 @!p0 $0x4000, s25  }
0x7a: {  	s19 =	sadd.s32 $0x1, s19;
	s8 =	smov.u32 s21;
	s21 =	sadd.s32 $0x8000, s21  }
0x7b: {  	[tilespmem:s25], [sflag:$0x1] =	stream.indirect.gather @!p0 [hbm4b:s4+s24], $0x80, s20, s24, $0xb8;
	[tilespmem:$0x1FC00] =	vst v63  }
0x7c: {  	p1 =	seq.s32 s21, $0x100000;
	s20 =	smov.u32 s23  }
0x7d: {  	s24 =	sand.u32 $0x18000, s8;
	_ =	swait.ge [sflag:s12], $0x2000  }
0x7e: {  	p0 =	sgt.u32 s19, $0x1C;
	s24 =	sshrl.u32 s24, $0x2;
	[sflag:s12] =	ssyncset.done $0x0  }
.Ltmp3:
0x7f: {  	s24 =	sadd.s32 $0x4000, s24;
	[sflag:s12] =	ssyncadd.s32 $0xFFFFE000;
	(pc) =	sbr.rel @!p1 .LBB2_9-.Ltmp3, $4  }
0x80: {  	[spmem:s2] =	stream.indirect.scatter.add.f32 [tilespmem:s24], [sflag:$0x3], $0x80, s22, s13, $0xb8;
	[tilespmem:$0x1FC00] =	vst v63  }
0x81: {  	s8 =	sadd.s32 @!p0 $0x18000, s8;
	s22 =	sadd.s32 $0x80, s22;
	_ =	swait.ge [sflag:s0], $0x2000  }
0x82: {  	s23 =	sadd.s32 $0x80, s23;
	s8 =	sand.u32 @!p0 $0x18000, s8;
	[sflag:s0] =	ssyncset.done $0x0  }
0x83: {  	s25 =	sshrl.u32 @!p0 s8, $0x2;
	s24 =	simm.s32 @!p0 $0x40;
	[sflag:s0] =	ssyncadd.s32 $0xFFFFE000  }
0x84: {  	s8 =	sadd.s32 @!p0 $0x4000, s25  }
0x85: {  	[tilespmem:s8], [sflag:$0x1] =	stream.indirect.gather @!p0 [hbm4b:s4+s24], $0x80, s20, s24, $0xb8;
	[tilespmem:$0x1FC00] =	vst v63  }
0x86: {  	p0 =	sgt.u32 s18, $0x9  }
.Ltmp4:
0x87: {  	_ = 	snop;
	(pc) =	sbr.rel @!p0 .LBB2_5-.Ltmp4, $1  }
0x88: {  	_ =	sdelay $0x3  }
0x89: {  	s8 =	stileid.u32  }
0x8a: {  	[bflag:$0x0] =	sbarrier.arrive $0xFFFF;
	s8 =	sshll.u32 s8, $0x6  }
0x8b: {  	s18 =	sshrl.u32 s7, $0x3;
	s19 =	rddreg [dreg:$0x6];
	s8 =	sor.u32 $0x1C03, s8  }
0x8c: {  	[hbm:s19], [sflag:s8] =	dma.local [spmem:s18], $0x400  }
0x8d: {  	_ =	swait.ge [sflag:s0], $0x400  }
0x8e: {  	[sflag:s0] =	ssyncset.done $0x0;
	s20 =	rddreg [dreg:$0x3]  }
0x8f: {  	s21 =	rddreg [dreg:$0x7];
	[sflag:s0] =	ssyncadd.s32 $0xFFFFFC00;
	s18 =	sshrl.u32 s20, $0x3  }
0x90: {  	[hbm:s21], [sflag:s8] =	dma.local [spmem:s18], $0x400  }
0x91: {  	_ =	swait.ge [sflag:s0], $0x400  }
0x92: {  	[sflag:s0] =	ssyncset.done $0x0  }
0x93: {  	s22 =	sshrl.u32 s9, $0x3;
	s23 =	rddreg [dreg:$0x8];
	[sflag:s0] =	ssyncadd.s32 $0xFFFFFC00  }
0x94: {  	[hbm:s23], [sflag:s8] =	dma.local [spmem:s22], $0x400  }
0x95: {  	_ =	swait.ge [sflag:s0], $0x400  }
0x96: {  	[sflag:s0] =	ssyncset.done $0x0  }
0x97: {  	s24 =	sshrl.u32 s10, $0x3;
	s25 =	rddreg [dreg:$0x9];
	[sflag:s0] =	ssyncadd.s32 $0xFFFFFC00  }
0x98: {  	[hbm:s25], [sflag:s8] =	dma.local [spmem:s24], $0x400  }
0x99: {  	_ =	swait.ge [sflag:s0], $0x400  }
0x9a: {  	[sflag:s0] =	ssyncset.done $0x0  }
0x9b: {  	s20 =	sshrl.u32 s11, $0x3;
	s21 =	rddreg [dreg:$0xa];
	[sflag:s0] =	ssyncadd.s32 $0xFFFFFC00  }
0x9c: {  	[hbm:s21], [sflag:s8] =	dma.local [spmem:s20], $0x400  }
0x9d: {  	_ =	swait.ge [sflag:s0], $0x400  }
0x9e: {  	[sflag:s0] =	ssyncset.done $0x0  }
0x9f: {  	s22 =	sshrl.u32 s26, $0x3;
	s23 =	rddreg [dreg:$0xb];
	[sflag:s0] =	ssyncadd.s32 $0xFFFFFC00  }
0xa0: {  	[hbm:s23], [sflag:s8] =	dma.local [spmem:s22], $0x400  }
0xa1: {  	_ =	swait.ge [sflag:s0], $0x400  }
0xa2: {  	[sflag:s0] =	ssyncset.done $0x0  }
0xa3: {  	s24 =	sshrl.u32 s28, $0x3;
	s25 =	rddreg [dreg:$0xc];
	[sflag:s0] =	ssyncadd.s32 $0xFFFFFC00  }
0xa4: {  	[hbm:s25], [sflag:s8] =	dma.local [spmem:s24], $0x400  }
0xa5: {  	_ =	swait.ge [sflag:s0], $0x400  }
0xa6: {  	[sflag:s0] =	ssyncset.done $0x0  }
0xa7: {  	s19 =	sshrl.u32 s29, $0x3;
	s20 =	rddreg [dreg:$0xd];
	[sflag:s0] =	ssyncadd.s32 $0xFFFFFC00  }
0xa8: {  	[hbm:s20], [sflag:s8] =	dma.local [spmem:s19], $0x400  }
0xa9: {  	_ =	swait.ge [sflag:s0], $0x400  }
0xaa: {  	[sflag:s0] =	ssyncset.done $0x0  }
0xab: {  	s21 =	sshrl.u32 s30, $0x3;
	s22 =	rddreg [dreg:$0xe];
	[sflag:s0] =	ssyncadd.s32 $0xFFFFFC00  }
0xac: {  	[hbm:s22], [sflag:s8] =	dma.local [spmem:s21], $0x400  }
0xad: {  	_ =	swait.ge [sflag:s0], $0x400  }
0xae: {  	[sflag:s0] =	ssyncset.done $0x0  }
0xaf: {  	s23 =	sshrl.u32 s31, $0x3;
	s24 =	rddreg [dreg:$0xf];
	[sflag:s0] =	ssyncadd.s32 $0xFFFFFC00  }
0xb0: {  	[hbm:s24], [sflag:s8] =	dma.local [spmem:s23], $0x380  }
0xb1: {  	_ =	swait.ge [sflag:s0], $0x380  }
0xb2: {  	s17 =	sadd.s32 $0x1, s17;
	s25 =	rddreg [dreg:$0x10]  }
0xb3: {  	p0 =	sne.s32 s17, s25  }
.Ltmp5:
0xb4: {  	_ = 	snop;
	(pc) =	sbr.rel @p0 .LBB2_1-.Ltmp5, $3  }
0xb5: {  	_ =	sdelay $0x1  }
0xb6: {  	[sflag:s0] =	ssyncset.done $0x0  }
0xb7: {  	[sflag:s0] =	ssyncadd.s32 $0xFFFFFC80  }
0xb8: {  	_ =	sfence.sel $0x180000  }
0xb9: {  	[bflag:$0x0] =	sbarrier.arrive $0xFFFF  }
0xba: {  	_ =	strace $0x9000004D  }
0xbb: {  	s0 =	stileid.u32;
	[bflag:$0x2] =	sbarrier.arrive $0xFFFF  }
0xbc: {  	p0 =	sne.s32 s0, $0x0;
	s0 =	rddreg [dreg:$0x2]  }
0xbd: {  	s0 =	sadd.s32 @!p0 $0x100000, s0  }
0xbe: {  	[sflag:s0] =	ssyncadd.tile.s32 @!p0 $0x1;
	_ =	shalt  }
.Lfunc_end2:
_tile_overlayer_lowered:
.L_overlay_start_2:
0xbf: {  	(tag) =	ssettag $0x2  }
0xc0: {  	s0 =	rddreg [dreg:$0x0];
	s2 =	stileid.u32  }
0xc1: {  	s1 =	rddreg [dreg:$0x1];
	p0 =	sne.s32 s2, $0x0  }
0xc2: {  	s3 =	rddreg [dreg:$0x2];
	[bflag:$0x3] =	sbarrier.arrive $0xFFFF;
	s2 =	simm.s32 @!p0 $0x1C03  }
0xc3: {  	[timem:s3], [sflag:s2] =	dma.local @!p0 [hbm:s0], s1  }
0xc4: {  	s0 =	simm.s32 @!p0 $0x3  }
0xc5: {  	_ =	swait.ge @!p0 [sflag:s0], s1  }
0xc6: {  	s1 =	ssub.s32 @!p0 $0x0, s1;
	[sflag:s0] =	ssyncset.done @!p0 $0x0  }
0xc7: {  	[sflag:s0] =	ssyncadd.s32 @!p0 s1  }
0xc8: {  	[bflag:$0x3] =	sbarrier.arrive $0xFFFF  }
0xc9: {  	_ =	shalt  }

// kernel: kernel.9.cloned.1.call-start
scs
__scs_entry_jumppad:
0x0: {  	(pc) =	sbr.rel $0x88, $3  }
0x1: {  	(tag) =	ssettag $0x0;
	lr =	simm.s32 $0x1  }
0x2: {  	[smem:$0x3F99] =	sst lr;
	_ =	strace $0xD0000000  }
0x3: {  	_ = 	snop  }
0x4: {  	_ = 	snop  }
0x5: {  	_ = 	snop  }
0x6: {  	_ = 	snop  }
0x7: {  	_ = 	snop  }
__scs_overlays_trampoline_lowered:
0x8: {  	[smem:$0x3FA8] =	sst s0  }
0x9: {  	[smem:$0x3FA9] =	sst s1  }
0xa: {  	[smem:$0x3FAA] =	sst s2  }
0xb: {  	[smem:$0x3FAB] =	sst s3  }
0xc: {  	[smem:$0x3FAC] =	sst s4  }
0xd: {  	[smem:$0x3FAD] =	sst s5  }
0xe: {  	[smem:$0x3FAE] =	sst s6  }
0xf: {  	[smem:$0x3FAF] =	sst s7  }
0x10: {  	[smem:$0x3FB0] =	sst s8  }
0x11: {  	[smem:$0x3FB1] =	sst s9;
	s0 =	simm.s32 @!p0 $0x0  }
0x12: {  	s1 =	sld [smem:$0x3F97];
	s0 =	simm.s32 @p0 $0x1  }
0x13: {  	[smem:$0x3FB2] =	sst s0;
	s0 =	simm.s32 @!p1 $0x0  }
0x14: {  	s2 =	sld [smem:$0x3F96];
	s0 =	simm.s32 @p1 $0x1  }
0x15: {  	[smem:$0x3FB3] =	sst s0;
	s0 =	simm.s32 @!p2 $0x0  }
0x16: {  	s3 =	sld [smem:$0x3FDB];
	s0 =	simm.s32 @p2 $0x1  }
0x17: {  	s4 =	simm.s32 $0x1BF5;
	[smem:$0x3FB5] =	sst s0  }
0x18: {  	s0 =	sld [smem:$0x3F98];
	_ =	swait.ge [sflag:s4], $0x0  }
0x19: {  	s7 =	sld [smem:$0x3F99]  }
0x1a: {  	s8 =	sadd.s32 $0xFFFFE003, lr  }
0x1b: {  	s9 =	sadd.s32 $0xFFFFFEF7, lr;
	s5 =	simm.s32 $0xFFFFFFFF;
	p2 =	slt.u32 s8, $0xFFFFF086  }
0x1c: {  	p1 =	slt.u32 s9, $0xF7A;
	s5 =	simm.s32 @!p2 $0x0  }
0x1d: {  	s5 =	simm.s32 @p1 $0x1;
	p0 =	seq.s32 s7, s2  }
0x1e: {  	s7 =	smul.u32 @!p0 $0xF7A, s2;
	p2 =	seq.s32 @!p0 s5, $0x0  }
0x1f: {  	s9 =	smul.u32 $0xF7A, s1;
	s8 =	simm.s32 @!p0 $0x1BF5;
	p2 =	por !p2, p0  }
0x20: {  	[sflag:s8] =	ssyncset.s32 @!p0 $0xFFFFF086;
	s6 =	sadd.s32 @!p0 s3, s7;
	s7 =	simm.s32 @!p0 $0x108  }
0x21: {  	s3 =	sadd.s32 s3, s9;
	s6 =	sadd.s32 @!p0 $0x88, s6;
	s7 =	simm.s32 @p2 $0x1082  }
0x22: {  	[simem:s7], [sflag:s8] =	dma.local @!p0 [hbm:s6], $0xF7A  }
0x23: {  	s9 =	sor.u32 $0xD0000000, s2;
	s6 =	simm.s32 $0x108;
	_ =	swait.ge @!p0 [sflag:s8], $0x0  }
0x24: {  	s3 =	sadd.s32 $0x88, s3;
	s6 =	simm.s32 @!p1 $0x1082;
	[sflag:s4] =	ssyncset.s32 $0xFFFFF086  }
0x25: {  	[simem:s6], [sflag:s4] =	dma.local [hbm:s3], $0xF7A  }
0x26: {  	[smem:$0x3F99] =	sst s1;
	(tag) =	ssettag s2;
	_ =	strace s9  }
0x27: {  	s1 =	sld [smem:$0x3FA9]  }
0x28: {  	s2 =	sld [smem:$0x3FAA]  }
0x29: {  	s4 =	sld [smem:$0x3FAC]  }
0x2a: {  	p0 =	seq.s32 s5, $0x0;
	s5 =	sld [smem:$0x3FAD]  }
0x2b: {  	s6 =	sld [smem:$0x3FAE]  }
0x2c: {  	s7 =	sld [smem:$0x3FAF]  }
0x2d: {  	s3 =	simm.s32 $0x108;
	s8 =	sld [smem:$0x3FB0]  }
0x2e: {  	s3 =	simm.s32 @!p0 $0x1082;
	s9 =	sld [smem:$0x3FB1]  }
0x2f: {  	lr =	sadd.s32 s0, s3;
	s0 =	sld [smem:$0x3FA8]  }
0x30: {  	s3 =	sld [smem:$0x3FAB]  }
0x31: {  	[smem:$0x3FB4] =	sst s10  }
0x32: {  	s10 =	sld [smem:$0x3FB2];
	_ =	sdelay $0x3  }
0x33: {  	p0 =	seq.s32 s10, $0x1;
	s10 =	sld [smem:$0x3FB4];
	_ =	sdelay $0x3  }
0x34: {  	[smem:$0x3FB4] =	sst s10  }
0x35: {  	s10 =	sld [smem:$0x3FB3];
	_ =	sdelay $0x3  }
0x36: {  	p1 =	seq.s32 s10, $0x1;
	s10 =	sld [smem:$0x3FB4];
	_ =	sdelay $0x3  }
0x37: {  	[smem:$0x3FB4] =	sst s10  }
0x38: {  	s10 =	sld [smem:$0x3FB5]  }
0x39: {  	_ = 	snop;
	(pc) =	sbr.ind lr, $3  }
0x3a: {  	_ = 	snop  }
0x3b: {  	_ = 	snop  }
0x3c: {  	p2 =	seq.s32 s10, $0x1;
	s10 =	sld [smem:$0x3FB4]  }
0x3d: {  	_ =	shalt  }
0x3e: {  	_ =	shalt  }
0x3f: {  	_ =	shalt  }
0x40: {  	_ =	shalt  }
0x41: {  	_ =	shalt  }
0x42: {  	_ =	shalt  }
0x43: {  	_ =	shalt  }
0x44: {  	_ =	shalt  }
0x45: {  	_ =	shalt  }
0x46: {  	_ =	shalt  }
0x47: {  	_ =	shalt  }
0x48: {  	_ =	shalt  }
0x49: {  	_ =	shalt  }
0x4a: {  	_ =	shalt  }
0x4b: {  	_ =	shalt  }
0x4c: {  	_ =	shalt  }
0x4d: {  	_ =	shalt  }
0x4e: {  	_ =	shalt  }
0x4f: {  	_ =	shalt  }
0x50: {  	_ =	shalt  }
0x51: {  	_ =	shalt  }
0x52: {  	_ =	shalt  }
0x53: {  	_ =	shalt  }
0x54: {  	_ =	shalt  }
0x55: {  	_ =	shalt  }
0x56: {  	_ =	shalt  }
0x57: {  	_ =	shalt  }
0x58: {  	_ =	shalt  }
0x59: {  	_ =	shalt  }
0x5a: {  	_ =	shalt  }
0x5b: {  	_ =	shalt  }
0x5c: {  	_ =	shalt  }
0x5d: {  	_ =	shalt  }
0x5e: {  	_ =	shalt  }
0x5f: {  	_ =	shalt  }
0x60: {  	_ =	shalt  }
0x61: {  	_ =	shalt  }
0x62: {  	_ =	shalt  }
0x63: {  	_ =	shalt  }
0x64: {  	_ =	shalt  }
0x65: {  	_ =	shalt  }
0x66: {  	_ =	shalt  }
0x67: {  	_ =	shalt  }
0x68: {  	_ =	shalt  }
0x69: {  	_ =	shalt  }
0x6a: {  	_ =	shalt  }
0x6b: {  	_ =	shalt  }
0x6c: {  	_ =	shalt  }
0x6d: {  	_ =	shalt  }
0x6e: {  	_ =	shalt  }
0x6f: {  	_ =	shalt  }
0x70: {  	_ =	shalt  }
0x71: {  	_ =	shalt  }
0x72: {  	_ =	shalt  }
0x73: {  	_ =	shalt  }
0x74: {  	_ =	shalt  }
0x75: {  	_ =	shalt  }
0x76: {  	_ =	shalt  }
0x77: {  	_ =	shalt  }
0x78: {  	_ =	shalt  }
0x79: {  	_ =	shalt  }
0x7a: {  	_ =	shalt  }
0x7b: {  	_ =	shalt  }
0x7c: {  	_ =	shalt  }
0x7d: {  	_ =	shalt  }
0x7e: {  	_ =	shalt  }
0x7f: {  	_ =	shalt  }
0x80: {  	_ =	shalt  }
0x81: {  	_ =	shalt  }
0x82: {  	_ =	shalt  }
0x83: {  	_ =	shalt  }
0x84: {  	_ =	shalt  }
0x85: {  	_ =	shalt  }
0x86: {  	_ =	shalt  }
0x87: {  	_ =	shalt  }
.Lfunc_end0:
.L_simem_size_0:
called_computation_lowered:
.L_overlay_start_0:
0x88: {  	s2 =	sld [smem:$0x3FD9]  }
0x89: {  	s3 =	sld [smem:$0x3FFE];
	_ =	sdelay $0x1  }
0x8a: {  	s1 =	srdreg.scid  }
0x8b: {  	s0 =	sand.u32 $0x1, s1  }
0x8c: {  	s14 =	sshll.u32 s0, $0xA;
	s2 =	sadd.s32 s3, s2  }
0x8d: {  	s2 =	sadd.s32 s2, s14  }
0x8e: {  	[smem:$0x3FC0] =	sst s2  }
0x8f: {  	_ = 	snop  }
0x90: {  	s2 =	sld [smem:$0x3FD0];
	_ =	sdelay $0x2  }
0x91: {  	s15 =	simm.s32 $0xA;
	s4 =	simm.s32 $0x10  }
0x92: {  	[smem:s4], [sflag:s15] =	dma.local [hbm:s2], $0x1  }
0x93: {  	_ =	swait.eq [sflag:s15], $0x1  }
0x94: {  	[sflag:s15] =	ssyncset.done $0x0  }
0x95: {  	s16 =	sld [smem:$0x10];
	[sflag:s15] =	ssyncadd.s32 $0xFFFFFFFF  }
0x96: {  	s17 =	sld [smem:$0x11];
	(tm) =	ssettm $0x1  }
0x97: {  	s18 =	sld [smem:$0x3FFB];
	_ =	sdelay $0x3  }
0x98: {  	_ =	strace s18  }
0x99: {  	s4 =	sld [smem:$0x3FFC];
	_ =	sdelay $0x3  }
0x9a: {  	_ =	strace s4  }
0x9b: {  	s4 =	sld [smem:$0x3FFD];
	_ =	sdelay $0x3  }
0x9c: {  	_ =	strace s4  }
0x9d: {  	_ =	strace $0x8FFFFFFF  }
0x9e: {  	s19 =	sld [smem:$0x3FDB];
	_ =	sdelay $0x1  }
0x9f: {  	s5 =	simm.s32 $_scs_section_size  }
0xa0: {  	s6 =	simm.s32 $_size__tile_overlayer_lowered;
	s7 =	simm.s32 $_tile_overlayer_lowered  }
0xa1: {  	s22 =	simm.s32 $0x1BFF;
	s21 =	sshll.u32 s7, $0x1;
	s4 =	sadd.s32 s5, s19  }
0xa2: {  	s8 =	simm.s32 $0x0;
	s20 =	sshll.u32 s6, $0x1;
	s6 =	sadd.s32 s21, s4  }
0xa3: {  	[timem:s8], [sflag:s22] =	dma.local [hbm:s6], s20  }
0xa4: {  	_ =	swait.ge [sflag:s22], s20  }
0xa5: {  	s5 =	ssub.s32 $0x0, s20;
	[sflag:s22] =	ssyncset.done $0x0  }
0xa6: {  	[sflag:s22] =	ssyncadd.s32 s5;
	_ =	sdelay $0x1  }
0xa7: {  	s23 =	simm.s32 $0x1B8B  }
0xa8: {  	_ =	swait.ge [sflag:s23], $0x1  }
0xa9: {  	[sflag:s23] =	ssyncset.done $0x0  }
0xaa: {  	s25 =	simm.s32 $0x1B8E;
	s24 =	sld [smem:$0x3FFE];
	[sflag:s23] =	ssyncadd.s32 $0xFFFFFFFF  }
0xab: {  	s26 =	simm.s32 $execute0_lowered;
	[smem:$0x3FD2] =	sst s25  }
0xac: {  	s6 =	sshll.u32 s26, $0x1;
	_ =	strace $0x80000046;
	[dreg:$0x1] =	wrdreg $0xFFFFFFFF  }
0xad: {  	s28 =	simm.s32 $_size_execute0_lowered;
	s4 =	sadd.s32 s4, s6;
	[dreg:$0x0] =	wrdreg $0x0  }
0xae: {  	s6 =	sshll.u32 s28, $0x1;
	[dreg:$0x2] =	wrdreg s4  }
0xaf: {  	[dreg:$0x3] =	wrdreg s6  }
0xb0: {  	[dreg:$0x4] =	wrdreg $0xC0  }
0xb1: {  	_ =	task [dreg:s8], $0x5FFFF  }
0xb2: {  	[dreg:$0x1] =	wrdreg $0xFFFFFFFF  }
0xb3: {  	[dreg:$0x0] =	wrdreg $0x60  }
0xb4: {  	[dreg:$0x2] =	wrdreg s17  }
0xb5: {  	[dreg:$0x3] =	wrdreg s24  }
0xb6: {  	[dreg:$0x4] =	wrdreg s16  }
0xb7: {  	[dreg:$0x5] =	wrdreg $0x90800  }
0xb8: {  	[dreg:$0x6] =	wrdreg $0x9  }
0xb9: {  	_ =	task.clear_ibuf [dreg:s8], $0x7FFFF;
	_ =	strace $0x90000046  }
0xba: {  	s29 =	simm.s32 $0x9;
	_ =	strace $0x80000048  }
0xbb: {  	_ =	swait.ge [sflag:s29], $0x1  }
0xbc: {  	[sflag:s29] =	ssyncadd.s32 $0xFFFFFFFF  }
0xbd: {  	_ =	strace $0x90000048  }
0xbe: {  	_ =	sfence  }
0xbf: {  	s30 =	sld [smem:$0x0];
	_ =	sdelay $0x2  }
0xc0: {  	s31 =	sshll.u32 s1, $0xD;
	s1 =	sshrl.u32 s1, $0x2  }
0xc1: {  	s3 =	sand.u32 $0x4000, s31;
	s1 =	sadd.s32 s1, s30  }
0xc2: {  	s0 =	sor.u32 s3, s0;
	s1 =	sshll.u32 s1, $0x11  }
0xc3: {  	s0 =	sor.u32 s1, s0  }
0xc4: {  	s0 =	sadd.s32 $0x8F2B, s0  }
0xc5: {  	[sflag:s0] =	ssyncadd.remote.s32 $0x1  }
0xc6: {  	_ =	sfence.sel $0xFFFF  }
0xc7: {  	[dreg:$0x0] =	wrdreg $0xFFFFFFFF;
	(pc) =	sbr.abs _section_cstart, $3  }
0xc8: {  	[dreg:$0x1] =	wrdreg $0xFFFFFFFF  }
0xc9: {  	_ =	task.clear_ibuf [dreg:s8], $0x2FFFF;
	_ =	strace $0x9FFFFFFF  }
0xca: {  	(tm) =	ssettm $0x7FFFFFFF  }
0xcb: {  	_ =	shalt  }
tec
execute0_lowered:
.L_overlay_start_1:
0x0: {  	(tag) =	ssettag $0x1  }
0x1: {  	s5 =	rddreg [dreg:$0x0]  }
0x2: {  	s3 =	rddreg [dreg:$0x1]  }
0x3: {  	s6 =	rddreg [dreg:$0x2]  }
0x4: {  	s1 =	rddreg [dreg:$0x3];
	s2 =	srdreg.scid  }
0x5: {  	s0 =	rddreg [dreg:$0x4];
	s10 =	stileid.u32  }
0x6: {  	s13 =	simm.s32 $0x0;
	s7 =	sand.u32 $0x1, s2;
	s2 =	simm.s32 $0x0  }
0x7: {  	s3 =	sadd.s32 $0x52400, s3;
	s31 =	sshll.u32 s10, $0xA;
	p0 =	sne.s32 s10, $0x0  }
0x8: {  	s4 =	sshll.u32 s7, $0x4;
	[smem:$0x7FF] =	sst s2;
	s8 =	ssub.s32 $0x2, s7  }
0x9: {  	s7 =	sshll.u32 s7, $0xB;
	s12 =	sshrl.u32 @!p0 s1, $0x3;
	s4 =	sor.u32 s10, s4  }
0xa: {  	v0 =	vlaneseq.u32;
	_ =	strace $0x80000047;
	s9 =	sshrl.u32 s8, $0x1;
	s6 =	sadd.s32 s6, s7  }
0xb: {  	v8 =	vimm.f32 $1.000000000e+00;
	v1 =	vor.u32 $0x10, v0;
	s10 =	simm.s32 $0x80;
	s11 =	smul.u32 $0xA00, s4;
	s8 =	ssub.s32 s8, s9  }
0xc: {  	v2 =	vor.u32 $0x20, v0;
	v3 =	vor.u32 $0x30, v0;
	v4 =	vor.u32 $0x40, v0;
	s4 =	sadd.s32 s31, s1;
	s9 =	simm.s32 $0x1;
	s7 =	smax.u32 s8, $0x1  }
0xd: {  	v5 =	vor.u32 $0x50, v0;
	v6 =	vor.u32 $0x60, v0;
	v7 =	vor.u32 $0x70, v0;
	s8 =	simm.s32 $0x5000;
	s5 =	sadd.s32 s5, s11;
	s11 =	simm.s32 $0x9000  }
.LBB2_1:
0xe: {  	[tilespmem:s8], [sflag:$0x1] =	stream.linear.gather [hbm4b:s3+s2], $0x4000, $0x38;
	[tilespmem:$0x9480] =	vst v63  }
0xf: {  	_ =	swait.ge [sflag:s9], $0x4000  }
0x10: {  	[sflag:s9] =	ssyncset.done $0x0  }
0x11: {  	[sflag:s9] =	ssyncadd.s32 $0xFFFFC000  }
0x12: {  	[tilespmem:$0x9000] =	vst v0  }
0x13: {  	[tilespmem:$0x9010] =	vst v1  }
0x14: {  	[tilespmem:$0x9020] =	vst v2  }
0x15: {  	[tilespmem:$0x9030] =	vst v3  }
0x16: {  	[tilespmem:$0x9040] =	vst v4  }
0x17: {  	[tilespmem:$0x9050] =	vst v5  }
0x18: {  	[tilespmem:$0x9060] =	vst v6  }
0x19: {  	[tilespmem:$0x9070] =	vst v7  }
0x1a: {  	[spmem:s4] =	stream.linear.scatter [tilespmem:s8], [sflag:$0x1], $0x400, $0x38;
	[tilespmem:$0x9480] =	vst v63  }
0x1b: {  	_ =	swait.ge [sflag:s9], $0x400  }
0x1c: {  	[sflag:s9] =	ssyncset.done $0x0  }
0x1d: {  	[sflag:s9] =	ssyncadd.s32 $0xFFFFFC00  }
0x1e: {  	[tilespmem:s2], [sflag:$0x1] =	stream.linear.gather [hbm4b:s5+s2], $0x5000, $0x38;
	[tilespmem:$0x9480] =	vst v63  }
0x1f: {  	_ =	swait.ge [sflag:s9], $0x5000  }
0x20: {  	[sflag:s9] =	ssyncset.done $0x0  }
0x21: {  	[sflag:s9] =	ssyncadd.s32 $0xFFFFB000  }
0x22: {  	s15 =	simm.s32 $0x0;
	s14 =	simm.s32 $0x40;
	[bflag:$0x0] =	sbarrier.arrive $0xFFFF  }
.LBB2_2:
0x23: {  	p1 =	sne.s32 s14, $0x13FC0;
	v9 =	vld [tilespmem:s15+$0x0];
	_ =	sdelay $0x3  }
.Ltmp0:
0x24: {  	(pc) =	sbr.rel @p1 .LBB2_2-.Ltmp0, $2  }
0x25: {  	_ =	sdelay $0x2  }
0x26: {  	s15 =	sshra.s32 s14, $0x2;
	s14 =	sadd.s32 $0x40, s14;
	[tilespmem:v9+s8+$0x0] =	vst.idx.add.f32.msk $0xffff, v8  }
0x27: {  	v9 =	vld [tilespmem:s15+$0x0];
	_ =	sdelay $0x7  }
0x28: {  	[tilespmem:v9+s8+$0x0] =	vst.idx.add.f32.msk $0xffff, v8  }
0x29: {  	[spmem:s1] =	stream.indirect.scatter.add.f32 [tilespmem:s8], [sflag:$0x1], $0x80, s11, s10, $0xb8;
	[tilespmem:$0x9480] =	vst v63  }
0x2a: {  	_ =	swait.ge [sflag:s9], $0x4000  }
0x2b: {  	[sflag:s9] =	ssyncset.done $0x0  }
0x2c: {  	s13 =	sadd.s32 $0x1, s13;
	[sflag:s9] =	ssyncadd.s32 $0xFFFFC000  }
0x2d: {  	s14 =	simm.s32 @!p0 $0x1C01;
	p1 =	sne.s32 s13, s7;
	[bflag:$0x0] =	sbarrier.arrive $0xFFFF  }
0x2e: {  	[hbm:s6], [sflag:s14] =	dma.local @!p0 [spmem:s12], $0x800  }
.Ltmp1:
0x2f: {  	_ = 	snop;
	(pc) =	sbr.rel @p1 .LBB2_1-.Ltmp1, $4  }
0x30: {  	s14 =	simm.s32 @!p0 $0x1  }
0x31: {  	_ =	swait.ge @!p0 [sflag:s14], $0x800  }
0x32: {  	[sflag:s14] =	ssyncset.done @!p0 $0x0  }
0x33: {  	[sflag:s14] =	ssyncadd.s32 @!p0 $0xFFFFF800  }
0x34: {  	_ =	sfence.sel $0x180000  }
0x35: {  	[bflag:$0x0] =	sbarrier.arrive $0xFFFF  }
0x36: {  	_ =	strace $0x90000047  }
0x37: {  	s0 =	sadd.s32 @!p0 $0x100000, s0;
	[bflag:$0x2] =	sbarrier.arrive $0xFFFF  }
0x38: {  	[sflag:s0] =	ssyncadd.tile.s32 @!p0 $0x1;
	_ =	shalt  }
.Lfunc_end2:
_tile_overlayer_lowered:
.L_overlay_start_2:
0x39: {  	(tag) =	ssettag $0x2  }
0x3a: {  	s0 =	rddreg [dreg:$0x0];
	s2 =	stileid.u32  }
0x3b: {  	s1 =	rddreg [dreg:$0x1];
	p0 =	sne.s32 s2, $0x0  }
0x3c: {  	s3 =	rddreg [dreg:$0x2];
	[bflag:$0x3] =	sbarrier.arrive $0xFFFF;
	s2 =	simm.s32 @!p0 $0x1C01  }
0x3d: {  	[timem:s3], [sflag:s2] =	dma.local @!p0 [hbm:s0], s1  }
0x3e: {  	s0 =	simm.s32 @!p0 $0x1  }
0x3f: {  	_ =	swait.ge @!p0 [sflag:s0], s1  }
0x40: {  	s1 =	ssub.s32 @!p0 $0x0, s1;
	[sflag:s0] =	ssyncset.done @!p0 $0x0  }
0x41: {  	[sflag:s0] =	ssyncadd.s32 @!p0 s1  }
0x42: {  	[bflag:$0x3] =	sbarrier.arrive $0xFFFF  }
0x43: {  	_ =	shalt  }

</sc_bundles>
